<compile_context>
chip_gen: v7x
topology: tpu7x:2x2x1
jax: 0.10.2.dev20260603
libtpu: 0.0.44.dev20260713+nightly
codegen_flags: <defaults>
</compile_context>

<pallas_src>
import functools

import jax
import jax.numpy as jnp
from jax import lax
from jax.experimental import pallas as pl
from jax.experimental.pallas import tpu as pltpu
from jax.experimental.pallas import tpu_sc as plsc

_THR = 0.999
_N = 16384
_D = 1024
_R = 1024


def _body(a_ref, b_ref, c_ref, wd_ref, out_ref, es_ref):
    a = a_ref[...]
    b = b_ref[...]
    c = c_ref[...]
    wd = wd_ref[...]
    t1 = jnp.sum(a * wd, axis=1, keepdims=True)
    t2 = jnp.sum(b * wd, axis=1, keepdims=True)
    g1 = 1.0 / (1.0 + jnp.exp(-t1))
    g2p = 1.0 / (1.0 + jnp.exp(-t2))
    g2 = jnp.where(g1 >= _THR, 0.0, (1.0 - g1) * g2p)
    acc = g1 + g2
    rem = 1.0 - acc
    coef_c = jnp.where(acc >= _THR, 0.0, rem)
    out_ref[...] = g1 * a + g2 * b + coef_c * c
    es_ref[...] = g2 + 2.0 * rem



_NC = 2
_NS = 16
_NW = _NC * _NS
_RPW = _N // _NW
_RB = 16
_NBLK = _RPW // _RB
_L = 16
_NCH = _D // _L


def _lane_shuffle(x, idx):
    return lax.gather(
        x,
        idx[:, None],
        lax.GatherDimensionNumbers(
            offset_dims=(), collapsed_slice_dims=(0,), start_index_map=(0,)
        ),
        (1,),
        mode=lax.GatherScatterMode.PROMISE_IN_BOUNDS,
    )


def _allsum16(x):
    lanes = lax.iota(jnp.int32, _L)
    for s in (1, 2, 4, 8):
        x = x + _lane_shuffle(x, lanes ^ s)
    return x


def _sc_body(a_hbm, b_hbm, c_hbm, wd_hbm, out_hbm, es_hbm,
             wd_v, a_v, b_v, c_v, o_v, e_v):
    wid = lax.axis_index("s") * _NC + lax.axis_index("c")
    base = wid * _RPW
    pltpu.sync_copy(wd_hbm, wd_v)
    lanes = lax.iota(jnp.int32, _L)

    def blk_body(i, blk_carry):
        row0 = base + i * _RB
        pltpu.sync_copy(a_hbm.at[pl.ds(row0, _RB)], a_v)
        pltpu.sync_copy(b_hbm.at[pl.ds(row0, _RB)], b_v)
        pltpu.sync_copy(c_hbm.at[pl.ds(row0, _RB)], c_v)

        def row_body(r, es_vec):
            acc1 = jnp.zeros((_L,), jnp.float32)
            acc2 = jnp.zeros((_L,), jnp.float32)
            for k in range(_NCH):
                sl = pl.ds(k * _L, _L)
                wdk = wd_v[sl]
                acc1 = acc1 + a_v[r, sl] * wdk
                acc2 = acc2 + b_v[r, sl] * wdk
            tv1 = _allsum16(acc1)
            tv2 = _allsum16(acc2)
            g1 = 1.0 / (1.0 + jnp.exp(-tv1))
            g2p = 1.0 / (1.0 + jnp.exp(-tv2))
            g2 = jnp.where(g1 >= _THR, 0.0, (1.0 - g1) * g2p)
            acc = g1 + g2
            rem = 1.0 - acc
            coef_c = jnp.where(acc >= _THR, 0.0, rem)
            for k in range(_NCH):
                sl = pl.ds(k * _L, _L)
                o_v[r, sl] = g1 * a_v[r, sl] + g2 * b_v[r, sl] + coef_c * c_v[r, sl]
            es_row = g2 + 2.0 * rem
            return jnp.where(lanes == r, es_row, es_vec)

        es_vec = lax.fori_loop(0, _RB, row_body, jnp.zeros((_L,), jnp.float32))
        e_v[...] = es_vec
        pltpu.sync_copy(o_v, out_hbm.at[pl.ds(row0, _RB)])
        pltpu.sync_copy(e_v, es_hbm.at[pl.ds(row0, _RB)])
        return blk_carry

    lax.fori_loop(0, _NBLK, blk_body, 0)


@functools.partial(
    pl.kernel,
    mesh=plsc.VectorSubcoreMesh(core_axis_name="c", subcore_axis_name="s"),
    out_type=[
        jax.ShapeDtypeStruct((_N, _D), jnp.float32),
        jax.ShapeDtypeStruct((_N,), jnp.float32),
    ],
    scratch_types=[
        pltpu.VMEM((_D,), jnp.float32),
        pltpu.VMEM((_RB, _D), jnp.float32),
        pltpu.VMEM((_RB, _D), jnp.float32),
        pltpu.VMEM((_RB, _D), jnp.float32),
        pltpu.VMEM((_RB, _D), jnp.float32),
        pltpu.VMEM((_L,), jnp.float32),
    ],
)
def _sc_kernel(a_hbm, b_hbm, c_hbm, wd_hbm, out_hbm, es_hbm,
               wd_v, a_v, b_v, c_v, o_v, e_v):
    _sc_body(a_hbm, b_hbm, c_hbm, wd_hbm, out_hbm, es_hbm,
             wd_v, a_v, b_v, c_v, o_v, e_v)


@jax.jit
def kernel_sc(prev_out, prev_out2, curr_h, W):
    wd = W[1] - W[0]
    out, es = _sc_kernel(prev_out, prev_out2, curr_h, wd)
    return out, es


@jax.jit
def kernel(prev_out, prev_out2, curr_h, W):
    return kernel_sc(prev_out, prev_out2, curr_h, W)


@jax.jit
def kernel_tc(prev_out, prev_out2, curr_h, W):
    wd = (W[1] - W[0]).reshape(1, _D)
    grid = (_N // _R,)
    row_spec = pl.BlockSpec((_R, _D), lambda i: (i, 0))
    out, es = pl.pallas_call(
        _body,
        grid=grid,
        in_specs=[
            row_spec,
            row_spec,
            row_spec,
            pl.BlockSpec((1, _D), lambda i: (0, 0)),
        ],
        out_specs=[
            row_spec,
            pl.BlockSpec((_R, 1), lambda i: (i, 0)),
        ],
        out_shape=[
            jax.ShapeDtypeStruct((_N, _D), jnp.float32),
            jax.ShapeDtypeStruct((_N, 1), jnp.float32),
        ],
    )(prev_out, prev_out2, curr_h, wd)
    return out, es.reshape(_N)

# --- scband reference (transcript-rebuilt; emitter-appended) ---
"""Pipeline reference for scband-stick-breaking-7876970021083 (READ-ONLY COPY).

The authoritative reference and input builder live on the scoring server;
editing this copy changes nothing except your own understanding.
"""

import jax, jax.numpy as jnp
import numpy as np

INPUT_DIM = 1024
THRESHOLD = 0.999
N_TOKENS = 16384


def setup_inputs(seed: int = 0) -> dict:
    key = jax.random.key(seed)
    k1, k2, k3, k4 = jax.random.split(key, 4)
    N, d = N_TOKENS, INPUT_DIM
    prev_out = jax.random.normal(k1, (N, d), dtype=jnp.float32)
    prev_out2 = jax.random.normal(k2, (N, d), dtype=jnp.float32)
    curr_h = jax.random.normal(k3, (N, d), dtype=jnp.float32)
    # gate weight of nn.Linear(input_dim, 2, bias=False); module inits to zeros,
    # use small random values so the halting masks are nontrivial
    W = jax.random.normal(k4, (2, d), dtype=jnp.float32) * 0.05
    return {"prev_out": prev_out, "prev_out2": prev_out2, "curr_h": curr_h, "W": W}


def _gate_log_g(h, W):
    # eval mode: no gaussian noise added to logits
    logits = h @ W.T
    return jax.nn.log_softmax(logits, axis=-1)


def reference(prev_out, prev_out2, curr_h, W):
    thr = THRESHOLD
    # ---- forward(None, prev_out): __init_state ----
    log_g1 = _gate_log_g(prev_out, W)
    g1 = jnp.exp(log_g1[..., 1])
    halt1 = g1 >= thr
    log_never_halt = log_g1[..., 0]
    acc_h = g1[..., None] * prev_out
    acc_g = g1
    acc_expstep = jnp.zeros_like(g1)
    # ---- forward(state, prev_out2): __step_state ----
    log_g2 = _gate_log_g(prev_out2, W)
    curr_log_halt = log_never_halt[..., None] + log_g2
    g2 = jnp.exp(curr_log_halt[..., 1])
    g2 = jnp.where(halt1, 0.0, g2)  # masked_fill(prev_halt_mask, 0.0)
    acc_g2 = acc_g + g2
    halt2 = acc_g2 >= thr
    acc_h2 = acc_h + g2[..., None] * prev_out2
    step = 1
    acc_expstep2 = acc_expstep + g2 * step
    # ---- halt_gating(state, curr_h) ----
    soft_halted_h = acc_h2 + (1.0 - acc_g2)[..., None] * curr_h
    expstep = acc_expstep2 + (step + 1) * (1.0 - acc_g2)
    # masked_scatter_: rows where halt2 is True are overwritten with acc_h2
    soft_halted_h = jnp.where(halt2[..., None], acc_h2, soft_halted_h)
    return (soft_halted_h, expstep)

if __name__ == "__main__":
    import jax
    _d = setup_inputs()
    print(jax.jit(kernel)(*tuple(_d.values())))

</pallas_src>

<mosaic_0001>
#map = affine_map<(d0, d1) -> (0, 0)>
#map1 = affine_map<(d0, d1) -> (0)>
module attributes {stable_mosaic.version = 14 : i64} {
  func.func @_sc_kernel(%arg0: i32, %arg1: i32, %arg2: memref<16384x1024xf32, #tpu.memory_space<hbm>>, %arg3: memref<16384x1024xf32, #tpu.memory_space<hbm>>, %arg4: memref<16384x1024xf32, #tpu.memory_space<hbm>>, %arg5: memref<1024xf32, #tpu.memory_space<hbm>>, %arg6: memref<16384x1024xf32, #tpu.memory_space<hbm>>, %arg7: memref<16384xf32, #tpu.memory_space<hbm>>, %arg8: memref<1024xf32, #tpu.memory_space<vmem>>, %arg9: memref<16x1024xf32, #tpu.memory_space<vmem>>, %arg10: memref<16x1024xf32, #tpu.memory_space<vmem>>, %arg11: memref<16x1024xf32, #tpu.memory_space<vmem>>, %arg12: memref<16x1024xf32, #tpu.memory_space<vmem>>, %arg13: memref<16xf32, #tpu.memory_space<vmem>>) attributes {dimension_semantics = [#tpu.dimension_semantics<core_parallel>, #tpu.dimension_semantics<subcore_parallel>], iteration_bounds = array<i64: 2, 16>, scalar_prefetch = 0 : i64, scratch_operands = 6 : i64, tpu.core_type = #tpu.core_type<sc_vector_subcore>, window_params = [{transform_indices = #map}, {transform_indices = #map}, {transform_indices = #map}, {transform_indices = #map1}, {transform_indices = #map}, {transform_indices = #map1}]} {
    %mul3A = arith.constant 2 : i32
    %mul3A_0 = arith.muli %arg1, %mul3A : i32
    %add3A = arith.addi %mul3A_0, %arg0 : i32
    %mul3A_1 = arith.constant 512 : i32
    %mul3A_2 = arith.muli %add3A, %mul3A_1 : i32
    "tpu.region"() ({
      %run_scoped3A = tpu.sem_alloc : memref<!tpu.dma_semaphore, #tpu.memory_space<semaphore_mem>>
      tpu.enqueue_dma source(%arg5 : memref<1024xf32, #tpu.memory_space<hbm>>) target(%arg8 : memref<1024xf32, #tpu.memory_space<vmem>>) target_semaphore(%run_scoped3A : memref<!tpu.dma_semaphore, #tpu.memory_space<semaphore_mem>>)
      tpu.wait_dma2 semaphore(%run_scoped3A : memref<!tpu.dma_semaphore, #tpu.memory_space<semaphore_mem>>) src(%arg5 : memref<1024xf32, #tpu.memory_space<hbm>>) dst(%arg8 : memref<1024xf32, #tpu.memory_space<vmem>>)
      tpu.yield
    }) : () -> ()
    %iota3A = tpu.iota {dimensions = array<i32: 0>} : vector<16xi32>
    %scan3A = arith.constant 0 : i32
    %scan3A_3 = arith.constant 0 : i32
    %scan3A_4 = arith.constant 32 : i32
    %scan3A_5 = arith.addi %scan3A_3, %scan3A_4 : i32
    %scan3A_6 = arith.constant 1 : i32
    scf.for %scan3A_8 = %scan3A_3 to %scan3A_5 step %scan3A_6  : i32 {
      %mul3A_9 = arith.constant 16 : i32
      %mul3A_10 = arith.muli %scan3A_8, %mul3A_9 : i32
      %add3A_11 = arith.addi %mul3A_2, %mul3A_10 : i32
      "tpu.region"() ({
        %run_scoped3A = tpu.sem_alloc : memref<!tpu.dma_semaphore, #tpu.memory_space<semaphore_mem>>
        %dma_start3A = arith.constant 0 : i32
        %dma_start3A_22 = tpu.memref_slice %arg2[%add3A_11, %dma_start3A] : memref<16384x1024xf32, #tpu.memory_space<hbm>> -> memref<16x1024xf32, #tpu.memory_space<hbm>>
        %dma_start3A_23 = arith.constant 0 : i32
        %dma_start3A_24 = tpu.memref_slice %arg2[%add3A_11, %dma_start3A_23] : memref<16384x1024xf32, #tpu.memory_space<hbm>> -> memref<16x1024xf32, #tpu.memory_space<hbm>>
        tpu.enqueue_dma source(%dma_start3A_24 : memref<16x1024xf32, #tpu.memory_space<hbm>>) target(%arg9 : memref<16x1024xf32, #tpu.memory_space<vmem>>) target_semaphore(%run_scoped3A : memref<!tpu.dma_semaphore, #tpu.memory_space<semaphore_mem>>)
        %dma_wait3A = arith.constant 0 : i32
        %dma_wait3A_25 = tpu.memref_slice %arg2[%add3A_11, %dma_wait3A] : memref<16384x1024xf32, #tpu.memory_space<hbm>> -> memref<16x1024xf32, #tpu.memory_space<hbm>>
        %dma_wait3A_26 = arith.constant 0 : i32
        %dma_wait3A_27 = tpu.memref_slice %arg2[%add3A_11, %dma_wait3A_26] : memref<16384x1024xf32, #tpu.memory_space<hbm>> -> memref<16x1024xf32, #tpu.memory_space<hbm>>
        tpu.wait_dma2 semaphore(%run_scoped3A : memref<!tpu.dma_semaphore, #tpu.memory_space<semaphore_mem>>) src(%dma_wait3A_27 : memref<16x1024xf32, #tpu.memory_space<hbm>>) dst(%arg9 : memref<16x1024xf32, #tpu.memory_space<vmem>>)
        tpu.yield
      }) : () -> ()
      "tpu.region"() ({
        %run_scoped3A = tpu.sem_alloc : memref<!tpu.dma_semaphore, #tpu.memory_space<semaphore_mem>>
        %dma_start3A = arith.constant 0 : i32
        %dma_start3A_22 = tpu.memref_slice %arg3[%add3A_11, %dma_start3A] : memref<16384x1024xf32, #tpu.memory_space<hbm>> -> memref<16x1024xf32, #tpu.memory_space<hbm>>
        %dma_start3A_23 = arith.constant 0 : i32
        %dma_start3A_24 = tpu.memref_slice %arg3[%add3A_11, %dma_start3A_23] : memref<16384x1024xf32, #tpu.memory_space<hbm>> -> memref<16x1024xf32, #tpu.memory_space<hbm>>
        tpu.enqueue_dma source(%dma_start3A_24 : memref<16x1024xf32, #tpu.memory_space<hbm>>) target(%arg10 : memref<16x1024xf32, #tpu.memory_space<vmem>>) target_semaphore(%run_scoped3A : memref<!tpu.dma_semaphore, #tpu.memory_space<semaphore_mem>>)
        %dma_wait3A = arith.constant 0 : i32
        %dma_wait3A_25 = tpu.memref_slice %arg3[%add3A_11, %dma_wait3A] : memref<16384x1024xf32, #tpu.memory_space<hbm>> -> memref<16x1024xf32, #tpu.memory_space<hbm>>
        %dma_wait3A_26 = arith.constant 0 : i32
        %dma_wait3A_27 = tpu.memref_slice %arg3[%add3A_11, %dma_wait3A_26] : memref<16384x1024xf32, #tpu.memory_space<hbm>> -> memref<16x1024xf32, #tpu.memory_space<hbm>>
        tpu.wait_dma2 semaphore(%run_scoped3A : memref<!tpu.dma_semaphore, #tpu.memory_space<semaphore_mem>>) src(%dma_wait3A_27 : memref<16x1024xf32, #tpu.memory_space<hbm>>) dst(%arg10 : memref<16x1024xf32, #tpu.memory_space<vmem>>)
        tpu.yield
      }) : () -> ()
      "tpu.region"() ({
        %run_scoped3A = tpu.sem_alloc : memref<!tpu.dma_semaphore, #tpu.memory_space<semaphore_mem>>
        %dma_start3A = arith.constant 0 : i32
        %dma_start3A_22 = tpu.memref_slice %arg4[%add3A_11, %dma_start3A] : memref<16384x1024xf32, #tpu.memory_space<hbm>> -> memref<16x1024xf32, #tpu.memory_space<hbm>>
        %dma_start3A_23 = arith.constant 0 : i32
        %dma_start3A_24 = tpu.memref_slice %arg4[%add3A_11, %dma_start3A_23] : memref<16384x1024xf32, #tpu.memory_space<hbm>> -> memref<16x1024xf32, #tpu.memory_space<hbm>>
        tpu.enqueue_dma source(%dma_start3A_24 : memref<16x1024xf32, #tpu.memory_space<hbm>>) target(%arg11 : memref<16x1024xf32, #tpu.memory_space<vmem>>) target_semaphore(%run_scoped3A : memref<!tpu.dma_semaphore, #tpu.memory_space<semaphore_mem>>)
        %dma_wait3A = arith.constant 0 : i32
        %dma_wait3A_25 = tpu.memref_slice %arg4[%add3A_11, %dma_wait3A] : memref<16384x1024xf32, #tpu.memory_space<hbm>> -> memref<16x1024xf32, #tpu.memory_space<hbm>>
        %dma_wait3A_26 = arith.constant 0 : i32
        %dma_wait3A_27 = tpu.memref_slice %arg4[%add3A_11, %dma_wait3A_26] : memref<16384x1024xf32, #tpu.memory_space<hbm>> -> memref<16x1024xf32, #tpu.memory_space<hbm>>
        tpu.wait_dma2 semaphore(%run_scoped3A : memref<!tpu.dma_semaphore, #tpu.memory_space<semaphore_mem>>) src(%dma_wait3A_27 : memref<16x1024xf32, #tpu.memory_space<hbm>>) dst(%arg11 : memref<16x1024xf32, #tpu.memory_space<vmem>>)
        tpu.yield
      }) : () -> ()
      %broadcast_in_dim3A = arith.constant 0.000000e+00 : f32
      %broadcast_in_dim3A_12 = vector.broadcast %broadcast_in_dim3A : f32 to vector<16xf32>
      %scan3A_13 = arith.constant 0 : i32
      %scan3A_14 = arith.constant 16 : i32
      %scan3A_15 = arith.addi %scan3A_13, %scan3A_14 : i32
      %scan3A_16 = arith.constant 1 : i32
      %scan3A_17 = scf.for %scan3A_22 = %scan3A_13 to %scan3A_15 step %scan3A_16 iter_args(%scan3A_23 = %broadcast_in_dim3A_12) -> (vector<16xf32>)  : i32 {
        %broadcast_in_dim3A_24 = arith.constant 0.000000e+00 : f32
        %broadcast_in_dim3A_25 = vector.broadcast %broadcast_in_dim3A_24 : f32 to vector<16xf32>
        %broadcast_in_dim3A_26 = arith.constant 0.000000e+00 : f32
        %broadcast_in_dim3A_27 = vector.broadcast %broadcast_in_dim3A_26 : f32 to vector<16xf32>
        %get3A = arith.constant 0 : index
        %get3A_28 = tpu.vector_load %arg8[%get3A] {strides = array<i32>} : memref<1024xf32, #tpu.memory_space<vmem>>, vector<16xf32>,
        %get3A_29 = vector.shape_cast %get3A_28 : vector<16xf32> to vector<16xf32>
        %get3A_30 = arith.index_cast %scan3A_22 : i32 to index
        %get3A_31 = arith.constant 0 : index
        %get3A_32 = tpu.vector_load %arg9[%get3A_30, %get3A_31] {strides = array<i32>} : memref<16x1024xf32, #tpu.memory_space<vmem>>, vector<1x16xf32>,
        %get3A_33 = vector.shape_cast %get3A_32 : vector<1x16xf32> to vector<16xf32>
        %mul3A_34 = arith.mulf %get3A_33, %get3A_29 : vector<16xf32>
        %add3A_35 = arith.addf %broadcast_in_dim3A_25, %mul3A_34 : vector<16xf32>
        %get3A_36 = arith.index_cast %scan3A_22 : i32 to index
        %get3A_37 = arith.constant 0 : index
        %get3A_38 = tpu.vector_load %arg10[%get3A_36, %get3A_37] {strides = array<i32>} : memref<16x1024xf32, #tpu.memory_space<vmem>>, vector<1x16xf32>,
        %get3A_39 = vector.shape_cast %get3A_38 : vector<1x16xf32> to vector<16xf32>
        %mul3A_40 = arith.mulf %get3A_39, %get3A_29 : vector<16xf32>
        %add3A_41 = arith.addf %broadcast_in_dim3A_27, %mul3A_40 : vector<16xf32>
        %get3A_42 = arith.constant 16 : index
        %get3A_43 = tpu.vector_load %arg8[%get3A_42] {strides = array<i32>} : memref<1024xf32, #tpu.memory_space<vmem>>, vector<16xf32>,
        %get3A_44 = vector.shape_cast %get3A_43 : vector<16xf32> to vector<16xf32>
        %get3A_45 = arith.index_cast %scan3A_22 : i32 to index
        %get3A_46 = arith.constant 16 : index
        %get3A_47 = tpu.vector_load %arg9[%get3A_45, %get3A_46] {strides = array<i32>} : memref<16x1024xf32, #tpu.memory_space<vmem>>, vector<1x16xf32>,
        %get3A_48 = vector.shape_cast %get3A_47 : vector<1x16xf32> to vector<16xf32>
        %mul3A_49 = arith.mulf %get3A_48, %get3A_44 : vector<16xf32>
        %add3A_50 = arith.addf %add3A_35, %mul3A_49 : vector<16xf32>
        %get3A_51 = arith.index_cast %scan3A_22 : i32 to index
        %get3A_52 = arith.constant 16 : index
        %get3A_53 = tpu.vector_load %arg10[%get3A_51, %get3A_52] {strides = array<i32>} : memref<16x1024xf32, #tpu.memory_space<vmem>>, vector<1x16xf32>,
        %get3A_54 = vector.shape_cast %get3A_53 : vector<1x16xf32> to vector<16xf32>
        %mul3A_55 = arith.mulf %get3A_54, %get3A_44 : vector<16xf32>
        %add3A_56 = arith.addf %add3A_41, %mul3A_55 : vector<16xf32>
        %get3A_57 = arith.constant 32 : index
        %get3A_58 = tpu.vector_load %arg8[%get3A_57] {strides = array<i32>} : memref<1024xf32, #tpu.memory_space<vmem>>, vector<16xf32>,
        %get3A_59 = vector.shape_cast %get3A_58 : vector<16xf32> to vector<16xf32>
        %get3A_60 = arith.index_cast %scan3A_22 : i32 to index
        %get3A_61 = arith.constant 32 : index
        %get3A_62 = tpu.vector_load %arg9[%get3A_60, %get3A_61] {strides = array<i32>} : memref<16x1024xf32, #tpu.memory_space<vmem>>, vector<1x16xf32>,
        %get3A_63 = vector.shape_cast %get3A_62 : vector<1x16xf32> to vector<16xf32>
        %mul3A_64 = arith.mulf %get3A_63, %get3A_59 : vector<16xf32>
        %add3A_65 = arith.addf %add3A_50, %mul3A_64 : vector<16xf32>
        %get3A_66 = arith.index_cast %scan3A_22 : i32 to index
        %get3A_67 = arith.constant 32 : index
        %get3A_68 = tpu.vector_load %arg10[%get3A_66, %get3A_67] {strides = array<i32>} : memref<16x1024xf32, #tpu.memory_space<vmem>>, vector<1x16xf32>,
        %get3A_69 = vector.shape_cast %get3A_68 : vector<1x16xf32> to vector<16xf32>
        %mul3A_70 = arith.mulf %get3A_69, %get3A_59 : vector<16xf32>
        %add3A_71 = arith.addf %add3A_56, %mul3A_70 : vector<16xf32>
        %get3A_72 = arith.constant 48 : index
        %get3A_73 = tpu.vector_load %arg8[%get3A_72] {strides = array<i32>} : memref<1024xf32, #tpu.memory_space<vmem>>, vector<16xf32>,
        %get3A_74 = vector.shape_cast %get3A_73 : vector<16xf32> to vector<16xf32>
        %get3A_75 = arith.index_cast %scan3A_22 : i32 to index
        %get3A_76 = arith.constant 48 : index
        %get3A_77 = tpu.vector_load %arg9[%get3A_75, %get3A_76] {strides = array<i32>} : memref<16x1024xf32, #tpu.memory_space<vmem>>, vector<1x16xf32>,
        %get3A_78 = vector.shape_cast %get3A_77 : vector<1x16xf32> to vector<16xf32>
        %mul3A_79 = arith.mulf %get3A_78, %get3A_74 : vector<16xf32>
        %add3A_80 = arith.addf %add3A_65, %mul3A_79 : vector<16xf32>
        %get3A_81 = arith.index_cast %scan3A_22 : i32 to index
        %get3A_82 = arith.constant 48 : index
        %get3A_83 = tpu.vector_load %arg10[%get3A_81, %get3A_82] {strides = array<i32>} : memref<16x1024xf32, #tpu.memory_space<vmem>>, vector<1x16xf32>,
        %get3A_84 = vector.shape_cast %get3A_83 : vector<1x16xf32> to vector<16xf32>
        %mul3A_85 = arith.mulf %get3A_84, %get3A_74 : vector<16xf32>
        %add3A_86 = arith.addf %add3A_71, %mul3A_85 : vector<16xf32>
        %get3A_87 = arith.constant 64 : index
        %get3A_88 = tpu.vector_load %arg8[%get3A_87] {strides = array<i32>} : memref<1024xf32, #tpu.memory_space<vmem>>, vector<16xf32>,
        %get3A_89 = vector.shape_cast %get3A_88 : vector<16xf32> to vector<16xf32>
        %get3A_90 = arith.index_cast %scan3A_22 : i32 to index
        %get3A_91 = arith.constant 64 : index
        %get3A_92 = tpu.vector_load %arg9[%get3A_90, %get3A_91] {strides = array<i32>} : memref<16x1024xf32, #tpu.memory_space<vmem>>, vector<1x16xf32>,
        %get3A_93 = vector.shape_cast %get3A_92 : vector<1x16xf32> to vector<16xf32>
        %mul3A_94 = arith.mulf %get3A_93, %get3A_89 : vector<16xf32>
        %add3A_95 = arith.addf %add3A_80, %mul3A_94 : vector<16xf32>
        %get3A_96 = arith.index_cast %scan3A_22 : i32 to index
        %get3A_97 = arith.constant 64 : index
        %get3A_98 = tpu.vector_load %arg10[%get3A_96, %get3A_97] {strides = array<i32>} : memref<16x1024xf32, #tpu.memory_space<vmem>>, vector<1x16xf32>,
        %get3A_99 = vector.shape_cast %get3A_98 : vector<1x16xf32> to vector<16xf32>
        %mul3A_100 = arith.mulf %get3A_99, %get3A_89 : vector<16xf32>
        %add3A_101 = arith.addf %add3A_86, %mul3A_100 : vector<16xf32>
        %get3A_102 = arith.constant 80 : index
        %get3A_103 = tpu.vector_load %arg8[%get3A_102] {strides = array<i32>} : memref<1024xf32, #tpu.memory_space<vmem>>, vector<16xf32>,
        %get3A_104 = vector.shape_cast %get3A_103 : vector<16xf32> to vector<16xf32>
        %get3A_105 = arith.index_cast %scan3A_22 : i32 to index
        %get3A_106 = arith.constant 80 : index
        %get3A_107 = tpu.vector_load %arg9[%get3A_105, %get3A_106] {strides = array<i32>} : memref<16x1024xf32, #tpu.memory_space<vmem>>, vector<1x16xf32>,
        %get3A_108 = vector.shape_cast %get3A_107 : vector<1x16xf32> to vector<16xf32>
        %mul3A_109 = arith.mulf %get3A_108, %get3A_104 : vector<16xf32>
        %add3A_110 = arith.addf %add3A_95, %mul3A_109 : vector<16xf32>
        %get3A_111 = arith.index_cast %scan3A_22 : i32 to index
        %get3A_112 = arith.constant 80 : index
        %get3A_113 = tpu.vector_load %arg10[%get3A_111, %get3A_112] {strides = array<i32>} : memref<16x1024xf32, #tpu.memory_space<vmem>>, vector<1x16xf32>,
        %get3A_114 = vector.shape_cast %get3A_113 : vector<1x16xf32> to vector<16xf32>
        %mul3A_115 = arith.mulf %get3A_114, %get3A_104 : vector<16xf32>
        %add3A_116 = arith.addf %add3A_101, %mul3A_115 : vector<16xf32>
        %get3A_117 = arith.constant 96 : index
        %get3A_118 = tpu.vector_load %arg8[%get3A_117] {strides = array<i32>} : memref<1024xf32, #tpu.memory_space<vmem>>, vector<16xf32>,
        %get3A_119 = vector.shape_cast %get3A_118 : vector<16xf32> to vector<16xf32>
        %get3A_120 = arith.index_cast %scan3A_22 : i32 to index
        %get3A_121 = arith.constant 96 : index
        %get3A_122 = tpu.vector_load %arg9[%get3A_120, %get3A_121] {strides = array<i32>} : memref<16x1024xf32, #tpu.memory_space<vmem>>, vector<1x16xf32>,
        %get3A_123 = vector.shape_cast %get3A_122 : vector<1x16xf32> to vector<16xf32>
        %mul3A_124 = arith.mulf %get3A_123, %get3A_119 : vector<16xf32>
        %add3A_125 = arith.addf %add3A_110, %mul3A_124 : vector<16xf32>
        %get3A_126 = arith.index_cast %scan3A_22 : i32 to index
        %get3A_127 = arith.constant 96 : index
        %get3A_128 = tpu.vector_load %arg10[%get3A_126, %get3A_127] {strides = array<i32>} : memref<16x1024xf32, #tpu.memory_space<vmem>>, vector<1x16xf32>,
        %get3A_129 = vector.shape_cast %get3A_128 : vector<1x16xf32> to vector<16xf32>
        %mul3A_130 = arith.mulf %get3A_129, %get3A_119 : vector<16xf32>
        %add3A_131 = arith.addf %add3A_116, %mul3A_130 : vector<16xf32>
        %get3A_132 = arith.constant 112 : index
        %get3A_133 = tpu.vector_load %arg8[%get3A_132] {strides = array<i32>} : memref<1024xf32, #tpu.memory_space<vmem>>, vector<16xf32>,
        %get3A_134 = vector.shape_cast %get3A_133 : vector<16xf32> to vector<16xf32>
        %get3A_135 = arith.index_cast %scan3A_22 : i32 to index
        %get3A_136 = arith.constant 112 : index
        %get3A_137 = tpu.vector_load %arg9[%get3A_135, %get3A_136] {strides = array<i32>} : memref<16x1024xf32, #tpu.memory_space<vmem>>, vector<1x16xf32>,
        %get3A_138 = vector.shape_cast %get3A_137 : vector<1x16xf32> to vector<16xf32>
        %mul3A_139 = arith.mulf %get3A_138, %get3A_134 : vector<16xf32>
        %add3A_140 = arith.addf %add3A_125, %mul3A_139 : vector<16xf32>
        %get3A_141 = arith.index_cast %scan3A_22 : i32 to index
        %get3A_142 = arith.constant 112 : index
        %get3A_143 = tpu.vector_load %arg10[%get3A_141, %get3A_142] {strides = array<i32>} : memref<16x1024xf32, #tpu.memory_space<vmem>>, vector<1x16xf32>,
        %get3A_144 = vector.shape_cast %get3A_143 : vector<1x16xf32> to vector<16xf32>
        %mul3A_145 = arith.mulf %get3A_144, %get3A_134 : vector<16xf32>
        %add3A_146 = arith.addf %add3A_131, %mul3A_145 : vector<16xf32>
        %get3A_147 = arith.constant 128 : index
        %get3A_148 = tpu.vector_load %arg8[%get3A_147] {strides = array<i32>} : memref<1024xf32, #tpu.memory_space<vmem>>, vector<16xf32>,
        %get3A_149 = vector.shape_cast %get3A_148 : vector<16xf32> to vector<16xf32>
        %get3A_150 = arith.index_cast %scan3A_22 : i32 to index
        %get3A_151 = arith.constant 128 : index
        %get3A_152 = tpu.vector_load %arg9[%get3A_150, %get3A_151] {strides = array<i32>} : memref<16x1024xf32, #tpu.memory_space<vmem>>, vector<1x16xf32>,
        %get3A_153 = vector.shape_cast %get3A_152 : vector<1x16xf32> to vector<16xf32>
        %mul3A_154 = arith.mulf %get3A_153, %get3A_149 : vector<16xf32>
        %add3A_155 = arith.addf %add3A_140, %mul3A_154 : vector<16xf32>
        %get3A_156 = arith.index_cast %scan3A_22 : i32 to index
        %get3A_157 = arith.constant 128 : index
        %get3A_158 = tpu.vector_load %arg10[%get3A_156, %get3A_157] {strides = array<i32>} : memref<16x1024xf32, #tpu.memory_space<vmem>>, vector<1x16xf32>,
        %get3A_159 = vector.shape_cast %get3A_158 : vector<1x16xf32> to vector<16xf32>
        %mul3A_160 = arith.mulf %get3A_159, %get3A_149 : vector<16xf32>
        %add3A_161 = arith.addf %add3A_146, %mul3A_160 : vector<16xf32>
        %get3A_162 = arith.constant 144 : index
        %get3A_163 = tpu.vector_load %arg8[%get3A_162] {strides = array<i32>} : memref<1024xf32, #tpu.memory_space<vmem>>, vector<16xf32>,
        %get3A_164 = vector.shape_cast %get3A_163 : vector<16xf32> to vector<16xf32>
        %get3A_165 = arith.index_cast %scan3A_22 : i32 to index
        %get3A_166 = arith.constant 144 : index
        %get3A_167 = tpu.vector_load %arg9[%get3A_165, %get3A_166] {strides = array<i32>} : memref<16x1024xf32, #tpu.memory_space<vmem>>, vector<1x16xf32>,
        %get3A_168 = vector.shape_cast %get3A_167 : vector<1x16xf32> to vector<16xf32>
        %mul3A_169 = arith.mulf %get3A_168, %get3A_164 : vector<16xf32>
        %add3A_170 = arith.addf %add3A_155, %mul3A_169 : vector<16xf32>
        %get3A_171 = arith.index_cast %scan3A_22 : i32 to index
        %get3A_172 = arith.constant 144 : index
        %get3A_173 = tpu.vector_load %arg10[%get3A_171, %get3A_172] {strides = array<i32>} : memref<16x1024xf32, #tpu.memory_space<vmem>>, vector<1x16xf32>,
        %get3A_174 = vector.shape_cast %get3A_173 : vector<1x16xf32> to vector<16xf32>
        %mul3A_175 = arith.mulf %get3A_174, %get3A_164 : vector<16xf32>
        %add3A_176 = arith.addf %add3A_161, %mul3A_175 : vector<16xf32>
        %get3A_177 = arith.constant 160 : index
        %get3A_178 = tpu.vector_load %arg8[%get3A_177] {strides = array<i32>} : memref<1024xf32, #tpu.memory_space<vmem>>, vector<16xf32>,
        %get3A_179 = vector.shape_cast %get3A_178 : vector<16xf32> to vector<16xf32>
        %get3A_180 = arith.index_cast %scan3A_22 : i32 to index
        %get3A_181 = arith.constant 160 : index
        %get3A_182 = tpu.vector_load %arg9[%get3A_180, %get3A_181] {strides = array<i32>} : memref<16x1024xf32, #tpu.memory_space<vmem>>, vector<1x16xf32>,
        %get3A_183 = vector.shape_cast %get3A_182 : vector<1x16xf32> to vector<16xf32>
        %mul3A_184 = arith.mulf %get3A_183, %get3A_179 : vector<16xf32>
        %add3A_185 = arith.addf %add3A_170, %mul3A_184 : vector<16xf32>
        %get3A_186 = arith.index_cast %scan3A_22 : i32 to index
        %get3A_187 = arith.constant 160 : index
        %get3A_188 = tpu.vector_load %arg10[%get3A_186, %get3A_187] {strides = array<i32>} : memref<16x1024xf32, #tpu.memory_space<vmem>>, vector<1x16xf32>,
        %get3A_189 = vector.shape_cast %get3A_188 : vector<1x16xf32> to vector<16xf32>
        %mul3A_190 = arith.mulf %get3A_189, %get3A_179 : vector<16xf32>
        %add3A_191 = arith.addf %add3A_176, %mul3A_190 : vector<16xf32>
        %get3A_192 = arith.constant 176 : index
        %get3A_193 = tpu.vector_load %arg8[%get3A_192] {strides = array<i32>} : memref<1024xf32, #tpu.memory_space<vmem>>, vector<16xf32>,
        %get3A_194 = vector.shape_cast %get3A_193 : vector<16xf32> to vector<16xf32>
        %get3A_195 = arith.index_cast %scan3A_22 : i32 to index
        %get3A_196 = arith.constant 176 : index
        %get3A_197 = tpu.vector_load %arg9[%get3A_195, %get3A_196] {strides = array<i32>} : memref<16x1024xf32, #tpu.memory_space<vmem>>, vector<1x16xf32>,
        %get3A_198 = vector.shape_cast %get3A_197 : vector<1x16xf32> to vector<16xf32>
        %mul3A_199 = arith.mulf %get3A_198, %get3A_194 : vector<16xf32>
        %add3A_200 = arith.addf %add3A_185, %mul3A_199 : vector<16xf32>
        %get3A_201 = arith.index_cast %scan3A_22 : i32 to index
        %get3A_202 = arith.constant 176 : index
        %get3A_203 = tpu.vector_load %arg10[%get3A_201, %get3A_202] {strides = array<i32>} : memref<16x1024xf32, #tpu.memory_space<vmem>>, vector<1x16xf32>,
        %get3A_204 = vector.shape_cast %get3A_203 : vector<1x16xf32> to vector<16xf32>
        %mul3A_205 = arith.mulf %get3A_204, %get3A_194 : vector<16xf32>
        %add3A_206 = arith.addf %add3A_191, %mul3A_205 : vector<16xf32>
        %get3A_207 = arith.constant 192 : index
        %get3A_208 = tpu.vector_load %arg8[%get3A_207] {strides = array<i32>} : memref<1024xf32, #tpu.memory_space<vmem>>, vector<16xf32>,
        %get3A_209 = vector.shape_cast %get3A_208 : vector<16xf32> to vector<16xf32>
        %get3A_210 = arith.index_cast %scan3A_22 : i32 to index
        %get3A_211 = arith.constant 192 : index
        %get3A_212 = tpu.vector_load %arg9[%get3A_210, %get3A_211] {strides = array<i32>} : memref<16x1024xf32, #tpu.memory_space<vmem>>, vector<1x16xf32>,
        %get3A_213 = vector.shape_cast %get3A_212 : vector<1x16xf32> to vector<16xf32>
        %mul3A_214 = arith.mulf %get3A_213, %get3A_209 : vector<16xf32>
        %add3A_215 = arith.addf %add3A_200, %mul3A_214 : vector<16xf32>
        %get3A_216 = arith.index_cast %scan3A_22 : i32 to index
        %get3A_217 = arith.constant 192 : index
        %get3A_218 = tpu.vector_load %arg10[%get3A_216, %get3A_217] {strides = array<i32>} : memref<16x1024xf32, #tpu.memory_space<vmem>>, vector<1x16xf32>,
        %get3A_219 = vector.shape_cast %get3A_218 : vector<1x16xf32> to vector<16xf32>
        %mul3A_220 = arith.mulf %get3A_219, %get3A_209 : vector<16xf32>
        %add3A_221 = arith.addf %add3A_206, %mul3A_220 : vector<16xf32>
        %get3A_222 = arith.constant 208 : index
        %get3A_223 = tpu.vector_load %arg8[%get3A_222] {strides = array<i32>} : memref<1024xf32, #tpu.memory_space<vmem>>, vector<16xf32>,
        %get3A_224 = vector.shape_cast %get3A_223 : vector<16xf32> to vector<16xf32>
        %get3A_225 = arith.index_cast %scan3A_22 : i32 to index
        %get3A_226 = arith.constant 208 : index
        %get3A_227 = tpu.vector_load %arg9[%get3A_225, %get3A_226] {strides = array<i32>} : memref<16x1024xf32, #tpu.memory_space<vmem>>, vector<1x16xf32>,
        %get3A_228 = vector.shape_cast %get3A_227 : vector<1x16xf32> to vector<16xf32>
        %mul3A_229 = arith.mulf %get3A_228, %get3A_224 : vector<16xf32>
        %add3A_230 = arith.addf %add3A_215, %mul3A_229 : vector<16xf32>
        %get3A_231 = arith.index_cast %scan3A_22 : i32 to index
        %get3A_232 = arith.constant 208 : index
        %get3A_233 = tpu.vector_load %arg10[%get3A_231, %get3A_232] {strides = array<i32>} : memref<16x1024xf32, #tpu.memory_space<vmem>>, vector<1x16xf32>,
        %get3A_234 = vector.shape_cast %get3A_233 : vector<1x16xf32> to vector<16xf32>
        %mul3A_235 = arith.mulf %get3A_234, %get3A_224 : vector<16xf32>
        %add3A_236 = arith.addf %add3A_221, %mul3A_235 : vector<16xf32>
        %get3A_237 = arith.constant 224 : index
        %get3A_238 = tpu.vector_load %arg8[%get3A_237] {strides = array<i32>} : memref<1024xf32, #tpu.memory_space<vmem>>, vector<16xf32>,
        %get3A_239 = vector.shape_cast %get3A_238 : vector<16xf32> to vector<16xf32>
        %get3A_240 = arith.index_cast %scan3A_22 : i32 to index
        %get3A_241 = arith.constant 224 : index
        %get3A_242 = tpu.vector_load %arg9[%get3A_240, %get3A_241] {strides = array<i32>} : memref<16x1024xf32, #tpu.memory_space<vmem>>, vector<1x16xf32>,
        %get3A_243 = vector.shape_cast %get3A_242 : vector<1x16xf32> to vector<16xf32>
        %mul3A_244 = arith.mulf %get3A_243, %get3A_239 : vector<16xf32>
        %add3A_245 = arith.addf %add3A_230, %mul3A_244 : vector<16xf32>
        %get3A_246 = arith.index_cast %scan3A_22 : i32 to index
        %get3A_247 = arith.constant 224 : index
        %get3A_248 = tpu.vector_load %arg10[%get3A_246, %get3A_247] {strides = array<i32>} : memref<16x1024xf32, #tpu.memory_space<vmem>>, vector<1x16xf32>,
        %get3A_249 = vector.shape_cast %get3A_248 : vector<1x16xf32> to vector<16xf32>
        %mul3A_250 = arith.mulf %get3A_249, %get3A_239 : vector<16xf32>
        %add3A_251 = arith.addf %add3A_236, %mul3A_250 : vector<16xf32>
        %get3A_252 = arith.constant 240 : index
        %get3A_253 = tpu.vector_load %arg8[%get3A_252] {strides = array<i32>} : memref<1024xf32, #tpu.memory_space<vmem>>, vector<16xf32>,
        %get3A_254 = vector.shape_cast %get3A_253 : vector<16xf32> to vector<16xf32>
        %get3A_255 = arith.index_cast %scan3A_22 : i32 to index
        %get3A_256 = arith.constant 240 : index
        %get3A_257 = tpu.vector_load %arg9[%get3A_255, %get3A_256] {strides = array<i32>} : memref<16x1024xf32, #tpu.memory_space<vmem>>, vector<1x16xf32>,
        %get3A_258 = vector.shape_cast %get3A_257 : vector<1x16xf32> to vector<16xf32>
        %mul3A_259 = arith.mulf %get3A_258, %get3A_254 : vector<16xf32>
        %add3A_260 = arith.addf %add3A_245, %mul3A_259 : vector<16xf32>
        %get3A_261 = arith.index_cast %scan3A_22 : i32 to index
        %get3A_262 = arith.constant 240 : index
        %get3A_263 = tpu.vector_load %arg10[%get3A_261, %get3A_262] {strides = array<i32>} : memref<16x1024xf32, #tpu.memory_space<vmem>>, vector<1x16xf32>,
        %get3A_264 = vector.shape_cast %get3A_263 : vector<1x16xf32> to vector<16xf32>
        %mul3A_265 = arith.mulf %get3A_264, %get3A_254 : vector<16xf32>
        %add3A_266 = arith.addf %add3A_251, %mul3A_265 : vector<16xf32>
        %get3A_267 = arith.constant 256 : index
        %get3A_268 = tpu.vector_load %arg8[%get3A_267] {strides = array<i32>} : memref<1024xf32, #tpu.memory_space<vmem>>, vector<16xf32>,
        %get3A_269 = vector.shape_cast %get3A_268 : vector<16xf32> to vector<16xf32>
        %get3A_270 = arith.index_cast %scan3A_22 : i32 to index
        %get3A_271 = arith.constant 256 : index
        %get3A_272 = tpu.vector_load %arg9[%get3A_270, %get3A_271] {strides = array<i32>} : memref<16x1024xf32, #tpu.memory_space<vmem>>, vector<1x16xf32>,
        %get3A_273 = vector.shape_cast %get3A_272 : vector<1x16xf32> to vector<16xf32>
        %mul3A_274 = arith.mulf %get3A_273, %get3A_269 : vector<16xf32>
        %add3A_275 = arith.addf %add3A_260, %mul3A_274 : vector<16xf32>
        %get3A_276 = arith.index_cast %scan3A_22 : i32 to index
        %get3A_277 = arith.constant 256 : index
        %get3A_278 = tpu.vector_load %arg10[%get3A_276, %get3A_277] {strides = array<i32>} : memref<16x1024xf32, #tpu.memory_space<vmem>>, vector<1x16xf32>,
        %get3A_279 = vector.shape_cast %get3A_278 : vector<1x16xf32> to vector<16xf32>
        %mul3A_280 = arith.mulf %get3A_279, %get3A_269 : vector<16xf32>
        %add3A_281 = arith.addf %add3A_266, %mul3A_280 : vector<16xf32>
        %get3A_282 = arith.constant 272 : index
        %get3A_283 = tpu.vector_load %arg8[%get3A_282] {strides = array<i32>} : memref<1024xf32, #tpu.memory_space<vmem>>, vector<16xf32>,
        %get3A_284 = vector.shape_cast %get3A_283 : vector<16xf32> to vector<16xf32>
        %get3A_285 = arith.index_cast %scan3A_22 : i32 to index
        %get3A_286 = arith.constant 272 : index
        %get3A_287 = tpu.vector_load %arg9[%get3A_285, %get3A_286] {strides = array<i32>} : memref<16x1024xf32, #tpu.memory_space<vmem>>, vector<1x16xf32>,
        %get3A_288 = vector.shape_cast %get3A_287 : vector<1x16xf32> to vector<16xf32>
        %mul3A_289 = arith.mulf %get3A_288, %get3A_284 : vector<16xf32>
        %add3A_290 = arith.addf %add3A_275, %mul3A_289 : vector<16xf32>
        %get3A_291 = arith.index_cast %scan3A_22 : i32 to index
        %get3A_292 = arith.constant 272 : index
        %get3A_293 = tpu.vector_load %arg10[%get3A_291, %get3A_292] {strides = array<i32>} : memref<16x1024xf32, #tpu.memory_space<vmem>>, vector<1x16xf32>,
        %get3A_294 = vector.shape_cast %get3A_293 : vector<1x16xf32> to vector<16xf32>
        %mul3A_295 = arith.mulf %get3A_294, %get3A_284 : vector<16xf32>
        %add3A_296 = arith.addf %add3A_281, %mul3A_295 : vector<16xf32>
        %get3A_297 = arith.constant 288 : index
        %get3A_298 = tpu.vector_load %arg8[%get3A_297] {strides = array<i32>} : memref<1024xf32, #tpu.memory_space<vmem>>, vector<16xf32>,
        %get3A_299 = vector.shape_cast %get3A_298 : vector<16xf32> to vector<16xf32>
        %get3A_300 = arith.index_cast %scan3A_22 : i32 to index
        %get3A_301 = arith.constant 288 : index
        %get3A_302 = tpu.vector_load %arg9[%get3A_300, %get3A_301] {strides = array<i32>} : memref<16x1024xf32, #tpu.memory_space<vmem>>, vector<1x16xf32>,
        %get3A_303 = vector.shape_cast %get3A_302 : vector<1x16xf32> to vector<16xf32>
        %mul3A_304 = arith.mulf %get3A_303, %get3A_299 : vector<16xf32>
        %add3A_305 = arith.addf %add3A_290, %mul3A_304 : vector<16xf32>
        %get3A_306 = arith.index_cast %scan3A_22 : i32 to index
        %get3A_307 = arith.constant 288 : index
        %get3A_308 = tpu.vector_load %arg10[%get3A_306, %get3A_307] {strides = array<i32>} : memref<16x1024xf32, #tpu.memory_space<vmem>>, vector<1x16xf32>,
        %get3A_309 = vector.shape_cast %get3A_308 : vector<1x16xf32> to vector<16xf32>
        %mul3A_310 = arith.mulf %get3A_309, %get3A_299 : vector<16xf32>
        %add3A_311 = arith.addf %add3A_296, %mul3A_310 : vector<16xf32>
        %get3A_312 = arith.constant 304 : index
        %get3A_313 = tpu.vector_load %arg8[%get3A_312] {strides = array<i32>} : memref<1024xf32, #tpu.memory_space<vmem>>, vector<16xf32>,
        %get3A_314 = vector.shape_cast %get3A_313 : vector<16xf32> to vector<16xf32>
        %get3A_315 = arith.index_cast %scan3A_22 : i32 to index
        %get3A_316 = arith.constant 304 : index
        %get3A_317 = tpu.vector_load %arg9[%get3A_315, %get3A_316] {strides = array<i32>} : memref<16x1024xf32, #tpu.memory_space<vmem>>, vector<1x16xf32>,
        %get3A_318 = vector.shape_cast %get3A_317 : vector<1x16xf32> to vector<16xf32>
        %mul3A_319 = arith.mulf %get3A_318, %get3A_314 : vector<16xf32>
        %add3A_320 = arith.addf %add3A_305, %mul3A_319 : vector<16xf32>
        %get3A_321 = arith.index_cast %scan3A_22 : i32 to index
        %get3A_322 = arith.constant 304 : index
        %get3A_323 = tpu.vector_load %arg10[%get3A_321, %get3A_322] {strides = array<i32>} : memref<16x1024xf32, #tpu.memory_space<vmem>>, vector<1x16xf32>,
        %get3A_324 = vector.shape_cast %get3A_323 : vector<1x16xf32> to vector<16xf32>
        %mul3A_325 = arith.mulf %get3A_324, %get3A_314 : vector<16xf32>
        %add3A_326 = arith.addf %add3A_311, %mul3A_325 : vector<16xf32>
        %get3A_327 = arith.constant 320 : index
        %get3A_328 = tpu.vector_load %arg8[%get3A_327] {strides = array<i32>} : memref<1024xf32, #tpu.memory_space<vmem>>, vector<16xf32>,
        %get3A_329 = vector.shape_cast %get3A_328 : vector<16xf32> to vector<16xf32>
        %get3A_330 = arith.index_cast %scan3A_22 : i32 to index
        %get3A_331 = arith.constant 320 : index
        %get3A_332 = tpu.vector_load %arg9[%get3A_330, %get3A_331] {strides = array<i32>} : memref<16x1024xf32, #tpu.memory_space<vmem>>, vector<1x16xf32>,
        %get3A_333 = vector.shape_cast %get3A_332 : vector<1x16xf32> to vector<16xf32>
        %mul3A_334 = arith.mulf %get3A_333, %get3A_329 : vector<16xf32>
        %add3A_335 = arith.addf %add3A_320, %mul3A_334 : vector<16xf32>
        %get3A_336 = arith.index_cast %scan3A_22 : i32 to index
        %get3A_337 = arith.constant 320 : index
        %get3A_338 = tpu.vector_load %arg10[%get3A_336, %get3A_337] {strides = array<i32>} : memref<16x1024xf32, #tpu.memory_space<vmem>>, vector<1x16xf32>,
        %get3A_339 = vector.shape_cast %get3A_338 : vector<1x16xf32> to vector<16xf32>
        %mul3A_340 = arith.mulf %get3A_339, %get3A_329 : vector<16xf32>
        %add3A_341 = arith.addf %add3A_326, %mul3A_340 : vector<16xf32>
        %get3A_342 = arith.constant 336 : index
        %get3A_343 = tpu.vector_load %arg8[%get3A_342] {strides = array<i32>} : memref<1024xf32, #tpu.memory_space<vmem>>, vector<16xf32>,
        %get3A_344 = vector.shape_cast %get3A_343 : vector<16xf32> to vector<16xf32>
        %get3A_345 = arith.index_cast %scan3A_22 : i32 to index
        %get3A_346 = arith.constant 336 : index
        %get3A_347 = tpu.vector_load %arg9[%get3A_345, %get3A_346] {strides = array<i32>} : memref<16x1024xf32, #tpu.memory_space<vmem>>, vector<1x16xf32>,
        %get3A_348 = vector.shape_cast %get3A_347 : vector<1x16xf32> to vector<16xf32>
        %mul3A_349 = arith.mulf %get3A_348, %get3A_344 : vector<16xf32>
        %add3A_350 = arith.addf %add3A_335, %mul3A_349 : vector<16xf32>
        %get3A_351 = arith.index_cast %scan3A_22 : i32 to index
        %get3A_352 = arith.constant 336 : index
        %get3A_353 = tpu.vector_load %arg10[%get3A_351, %get3A_352] {strides = array<i32>} : memref<16x1024xf32, #tpu.memory_space<vmem>>, vector<1x16xf32>,
        %get3A_354 = vector.shape_cast %get3A_353 : vector<1x16xf32> to vector<16xf32>
        %mul3A_355 = arith.mulf %get3A_354, %get3A_344 : vector<16xf32>
        %add3A_356 = arith.addf %add3A_341, %mul3A_355 : vector<16xf32>
        %get3A_357 = arith.constant 352 : index
        %get3A_358 = tpu.vector_load %arg8[%get3A_357] {strides = array<i32>} : memref<1024xf32, #tpu.memory_space<vmem>>, vector<16xf32>,
        %get3A_359 = vector.shape_cast %get3A_358 : vector<16xf32> to vector<16xf32>
        %get3A_360 = arith.index_cast %scan3A_22 : i32 to index
        %get3A_361 = arith.constant 352 : index
        %get3A_362 = tpu.vector_load %arg9[%get3A_360, %get3A_361] {strides = array<i32>} : memref<16x1024xf32, #tpu.memory_space<vmem>>, vector<1x16xf32>,
        %get3A_363 = vector.shape_cast %get3A_362 : vector<1x16xf32> to vector<16xf32>
        %mul3A_364 = arith.mulf %get3A_363, %get3A_359 : vector<16xf32>
        %add3A_365 = arith.addf %add3A_350, %mul3A_364 : vector<16xf32>
        %get3A_366 = arith.index_cast %scan3A_22 : i32 to index
        %get3A_367 = arith.constant 352 : index
        %get3A_368 = tpu.vector_load %arg10[%get3A_366, %get3A_367] {strides = array<i32>} : memref<16x1024xf32, #tpu.memory_space<vmem>>, vector<1x16xf32>,
        %get3A_369 = vector.shape_cast %get3A_368 : vector<1x16xf32> to vector<16xf32>
        %mul3A_370 = arith.mulf %get3A_369, %get3A_359 : vector<16xf32>
        %add3A_371 = arith.addf %add3A_356, %mul3A_370 : vector<16xf32>
        %get3A_372 = arith.constant 368 : index
        %get3A_373 = tpu.vector_load %arg8[%get3A_372] {strides = array<i32>} : memref<1024xf32, #tpu.memory_space<vmem>>, vector<16xf32>,
        %get3A_374 = vector.shape_cast %get3A_373 : vector<16xf32> to vector<16xf32>
        %get3A_375 = arith.index_cast %scan3A_22 : i32 to index
        %get3A_376 = arith.constant 368 : index
        %get3A_377 = tpu.vector_load %arg9[%get3A_375, %get3A_376] {strides = array<i32>} : memref<16x1024xf32, #tpu.memory_space<vmem>>, vector<1x16xf32>,
        %get3A_378 = vector.shape_cast %get3A_377 : vector<1x16xf32> to vector<16xf32>
        %mul3A_379 = arith.mulf %get3A_378, %get3A_374 : vector<16xf32>
        %add3A_380 = arith.addf %add3A_365, %mul3A_379 : vector<16xf32>
        %get3A_381 = arith.index_cast %scan3A_22 : i32 to index
        %get3A_382 = arith.constant 368 : index
        %get3A_383 = tpu.vector_load %arg10[%get3A_381, %get3A_382] {strides = array<i32>} : memref<16x1024xf32, #tpu.memory_space<vmem>>, vector<1x16xf32>,
        %get3A_384 = vector.shape_cast %get3A_383 : vector<1x16xf32> to vector<16xf32>
        %mul3A_385 = arith.mulf %get3A_384, %get3A_374 : vector<16xf32>
        %add3A_386 = arith.addf %add3A_371, %mul3A_385 : vector<16xf32>
        %get3A_387 = arith.constant 384 : index
        %get3A_388 = tpu.vector_load %arg8[%get3A_387] {strides = array<i32>} : memref<1024xf32, #tpu.memory_space<vmem>>, vector<16xf32>,
        %get3A_389 = vector.shape_cast %get3A_388 : vector<16xf32> to vector<16xf32>
        %get3A_390 = arith.index_cast %scan3A_22 : i32 to index
        %get3A_391 = arith.constant 384 : index
        %get3A_392 = tpu.vector_load %arg9[%get3A_390, %get3A_391] {strides = array<i32>} : memref<16x1024xf32, #tpu.memory_space<vmem>>, vector<1x16xf32>,
        %get3A_393 = vector.shape_cast %get3A_392 : vector<1x16xf32> to vector<16xf32>
        %mul3A_394 = arith.mulf %get3A_393, %get3A_389 : vector<16xf32>
        %add3A_395 = arith.addf %add3A_380, %mul3A_394 : vector<16xf32>
        %get3A_396 = arith.index_cast %scan3A_22 : i32 to index
        %get3A_397 = arith.constant 384 : index
        %get3A_398 = tpu.vector_load %arg10[%get3A_396, %get3A_397] {strides = array<i32>} : memref<16x1024xf32, #tpu.memory_space<vmem>>, vector<1x16xf32>,
        %get3A_399 = vector.shape_cast %get3A_398 : vector<1x16xf32> to vector<16xf32>
        %mul3A_400 = arith.mulf %get3A_399, %get3A_389 : vector<16xf32>
        %add3A_401 = arith.addf %add3A_386, %mul3A_400 : vector<16xf32>
        %get3A_402 = arith.constant 400 : index
        %get3A_403 = tpu.vector_load %arg8[%get3A_402] {strides = array<i32>} : memref<1024xf32, #tpu.memory_space<vmem>>, vector<16xf32>,
        %get3A_404 = vector.shape_cast %get3A_403 : vector<16xf32> to vector<16xf32>
        %get3A_405 = arith.index_cast %scan3A_22 : i32 to index
        %get3A_406 = arith.constant 400 : index
        %get3A_407 = tpu.vector_load %arg9[%get3A_405, %get3A_406] {strides = array<i32>} : memref<16x1024xf32, #tpu.memory_space<vmem>>, vector<1x16xf32>,
        %get3A_408 = vector.shape_cast %get3A_407 : vector<1x16xf32> to vector<16xf32>
        %mul3A_409 = arith.mulf %get3A_408, %get3A_404 : vector<16xf32>
        %add3A_410 = arith.addf %add3A_395, %mul3A_409 : vector<16xf32>
        %get3A_411 = arith.index_cast %scan3A_22 : i32 to index
        %get3A_412 = arith.constant 400 : index
        %get3A_413 = tpu.vector_load %arg10[%get3A_411, %get3A_412] {strides = array<i32>} : memref<16x1024xf32, #tpu.memory_space<vmem>>, vector<1x16xf32>,
        %get3A_414 = vector.shape_cast %get3A_413 : vector<1x16xf32> to vector<16xf32>
        %mul3A_415 = arith.mulf %get3A_414, %get3A_404 : vector<16xf32>
        %add3A_416 = arith.addf %add3A_401, %mul3A_415 : vector<16xf32>
        %get3A_417 = arith.constant 416 : index
        %get3A_418 = tpu.vector_load %arg8[%get3A_417] {strides = array<i32>} : memref<1024xf32, #tpu.memory_space<vmem>>, vector<16xf32>,
        %get3A_419 = vector.shape_cast %get3A_418 : vector<16xf32> to vector<16xf32>
        %get3A_420 = arith.index_cast %scan3A_22 : i32 to index
        %get3A_421 = arith.constant 416 : index
        %get3A_422 = tpu.vector_load %arg9[%get3A_420, %get3A_421] {strides = array<i32>} : memref<16x1024xf32, #tpu.memory_space<vmem>>, vector<1x16xf32>,
        %get3A_423 = vector.shape_cast %get3A_422 : vector<1x16xf32> to vector<16xf32>
        %mul3A_424 = arith.mulf %get3A_423, %get3A_419 : vector<16xf32>
        %add3A_425 = arith.addf %add3A_410, %mul3A_424 : vector<16xf32>
        %get3A_426 = arith.index_cast %scan3A_22 : i32 to index
        %get3A_427 = arith.constant 416 : index
        %get3A_428 = tpu.vector_load %arg10[%get3A_426, %get3A_427] {strides = array<i32>} : memref<16x1024xf32, #tpu.memory_space<vmem>>, vector<1x16xf32>,
        %get3A_429 = vector.shape_cast %get3A_428 : vector<1x16xf32> to vector<16xf32>
        %mul3A_430 = arith.mulf %get3A_429, %get3A_419 : vector<16xf32>
        %add3A_431 = arith.addf %add3A_416, %mul3A_430 : vector<16xf32>
        %get3A_432 = arith.constant 432 : index
        %get3A_433 = tpu.vector_load %arg8[%get3A_432] {strides = array<i32>} : memref<1024xf32, #tpu.memory_space<vmem>>, vector<16xf32>,
        %get3A_434 = vector.shape_cast %get3A_433 : vector<16xf32> to vector<16xf32>
        %get3A_435 = arith.index_cast %scan3A_22 : i32 to index
        %get3A_436 = arith.constant 432 : index
        %get3A_437 = tpu.vector_load %arg9[%get3A_435, %get3A_436] {strides = array<i32>} : memref<16x1024xf32, #tpu.memory_space<vmem>>, vector<1x16xf32>,
        %get3A_438 = vector.shape_cast %get3A_437 : vector<1x16xf32> to vector<16xf32>
        %mul3A_439 = arith.mulf %get3A_438, %get3A_434 : vector<16xf32>
        %add3A_440 = arith.addf %add3A_425, %mul3A_439 : vector<16xf32>
        %get3A_441 = arith.index_cast %scan3A_22 : i32 to index
        %get3A_442 = arith.constant 432 : index
        %get3A_443 = tpu.vector_load %arg10[%get3A_441, %get3A_442] {strides = array<i32>} : memref<16x1024xf32, #tpu.memory_space<vmem>>, vector<1x16xf32>,
        %get3A_444 = vector.shape_cast %get3A_443 : vector<1x16xf32> to vector<16xf32>
        %mul3A_445 = arith.mulf %get3A_444, %get3A_434 : vector<16xf32>
        %add3A_446 = arith.addf %add3A_431, %mul3A_445 : vector<16xf32>
        %get3A_447 = arith.constant 448 : index
        %get3A_448 = tpu.vector_load %arg8[%get3A_447] {strides = array<i32>} : memref<1024xf32, #tpu.memory_space<vmem>>, vector<16xf32>,
        %get3A_449 = vector.shape_cast %get3A_448 : vector<16xf32> to vector<16xf32>
        %get3A_450 = arith.index_cast %scan3A_22 : i32 to index
        %get3A_451 = arith.constant 448 : index
        %get3A_452 = tpu.vector_load %arg9[%get3A_450, %get3A_451] {strides = array<i32>} : memref<16x1024xf32, #tpu.memory_space<vmem>>, vector<1x16xf32>,
        %get3A_453 = vector.shape_cast %get3A_452 : vector<1x16xf32> to vector<16xf32>
        %mul3A_454 = arith.mulf %get3A_453, %get3A_449 : vector<16xf32>
        %add3A_455 = arith.addf %add3A_440, %mul3A_454 : vector<16xf32>
        %get3A_456 = arith.index_cast %scan3A_22 : i32 to index
        %get3A_457 = arith.constant 448 : index
        %get3A_458 = tpu.vector_load %arg10[%get3A_456, %get3A_457] {strides = array<i32>} : memref<16x1024xf32, #tpu.memory_space<vmem>>, vector<1x16xf32>,
        %get3A_459 = vector.shape_cast %get3A_458 : vector<1x16xf32> to vector<16xf32>
        %mul3A_460 = arith.mulf %get3A_459, %get3A_449 : vector<16xf32>
        %add3A_461 = arith.addf %add3A_446, %mul3A_460 : vector<16xf32>
        %get3A_462 = arith.constant 464 : index
        %get3A_463 = tpu.vector_load %arg8[%get3A_462] {strides = array<i32>} : memref<1024xf32, #tpu.memory_space<vmem>>, vector<16xf32>,
        %get3A_464 = vector.shape_cast %get3A_463 : vector<16xf32> to vector<16xf32>
        %get3A_465 = arith.index_cast %scan3A_22 : i32 to index
        %get3A_466 = arith.constant 464 : index
        %get3A_467 = tpu.vector_load %arg9[%get3A_465, %get3A_466] {strides = array<i32>} : memref<16x1024xf32, #tpu.memory_space<vmem>>, vector<1x16xf32>,
        %get3A_468 = vector.shape_cast %get3A_467 : vector<1x16xf32> to vector<16xf32>
        %mul3A_469 = arith.mulf %get3A_468, %get3A_464 : vector<16xf32>
        %add3A_470 = arith.addf %add3A_455, %mul3A_469 : vector<16xf32>
        %get3A_471 = arith.index_cast %scan3A_22 : i32 to index
        %get3A_472 = arith.constant 464 : index
        %get3A_473 = tpu.vector_load %arg10[%get3A_471, %get3A_472] {strides = array<i32>} : memref<16x1024xf32, #tpu.memory_space<vmem>>, vector<1x16xf32>,
        %get3A_474 = vector.shape_cast %get3A_473 : vector<1x16xf32> to vector<16xf32>
        %mul3A_475 = arith.mulf %get3A_474, %get3A_464 : vector<16xf32>
        %add3A_476 = arith.addf %add3A_461, %mul3A_475 : vector<16xf32>
        %get3A_477 = arith.constant 480 : index
        %get3A_478 = tpu.vector_load %arg8[%get3A_477] {strides = array<i32>} : memref<1024xf32, #tpu.memory_space<vmem>>, vector<16xf32>,
        %get3A_479 = vector.shape_cast %get3A_478 : vector<16xf32> to vector<16xf32>
        %get3A_480 = arith.index_cast %scan3A_22 : i32 to index
        %get3A_481 = arith.constant 480 : index
        %get3A_482 = tpu.vector_load %arg9[%get3A_480, %get3A_481] {strides = array<i32>} : memref<16x1024xf32, #tpu.memory_space<vmem>>, vector<1x16xf32>,
        %get3A_483 = vector.shape_cast %get3A_482 : vector<1x16xf32> to vector<16xf32>
        %mul3A_484 = arith.mulf %get3A_483, %get3A_479 : vector<16xf32>
        %add3A_485 = arith.addf %add3A_470, %mul3A_484 : vector<16xf32>
        %get3A_486 = arith.index_cast %scan3A_22 : i32 to index
        %get3A_487 = arith.constant 480 : index
        %get3A_488 = tpu.vector_load %arg10[%get3A_486, %get3A_487] {strides = array<i32>} : memref<16x1024xf32, #tpu.memory_space<vmem>>, vector<1x16xf32>,
        %get3A_489 = vector.shape_cast %get3A_488 : vector<1x16xf32> to vector<16xf32>
        %mul3A_490 = arith.mulf %get3A_489, %get3A_479 : vector<16xf32>
        %add3A_491 = arith.addf %add3A_476, %mul3A_490 : vector<16xf32>
        %get3A_492 = arith.constant 496 : index
        %get3A_493 = tpu.vector_load %arg8[%get3A_492] {strides = array<i32>} : memref<1024xf32, #tpu.memory_space<vmem>>, vector<16xf32>,
        %get3A_494 = vector.shape_cast %get3A_493 : vector<16xf32> to vector<16xf32>
        %get3A_495 = arith.index_cast %scan3A_22 : i32 to index
        %get3A_496 = arith.constant 496 : index
        %get3A_497 = tpu.vector_load %arg9[%get3A_495, %get3A_496] {strides = array<i32>} : memref<16x1024xf32, #tpu.memory_space<vmem>>, vector<1x16xf32>,
        %get3A_498 = vector.shape_cast %get3A_497 : vector<1x16xf32> to vector<16xf32>
        %mul3A_499 = arith.mulf %get3A_498, %get3A_494 : vector<16xf32>
        %add3A_500 = arith.addf %add3A_485, %mul3A_499 : vector<16xf32>
        %get3A_501 = arith.index_cast %scan3A_22 : i32 to index
        %get3A_502 = arith.constant 496 : index
        %get3A_503 = tpu.vector_load %arg10[%get3A_501, %get3A_502] {strides = array<i32>} : memref<16x1024xf32, #tpu.memory_space<vmem>>, vector<1x16xf32>,
        %get3A_504 = vector.shape_cast %get3A_503 : vector<1x16xf32> to vector<16xf32>
        %mul3A_505 = arith.mulf %get3A_504, %get3A_494 : vector<16xf32>
        %add3A_506 = arith.addf %add3A_491, %mul3A_505 : vector<16xf32>
        %get3A_507 = arith.constant 512 : index
        %get3A_508 = tpu.vector_load %arg8[%get3A_507] {strides = array<i32>} : memref<1024xf32, #tpu.memory_space<vmem>>, vector<16xf32>,
        %get3A_509 = vector.shape_cast %get3A_508 : vector<16xf32> to vector<16xf32>
        %get3A_510 = arith.index_cast %scan3A_22 : i32 to index
        %get3A_511 = arith.constant 512 : index
        %get3A_512 = tpu.vector_load %arg9[%get3A_510, %get3A_511] {strides = array<i32>} : memref<16x1024xf32, #tpu.memory_space<vmem>>, vector<1x16xf32>,
        %get3A_513 = vector.shape_cast %get3A_512 : vector<1x16xf32> to vector<16xf32>
        %mul3A_514 = arith.mulf %get3A_513, %get3A_509 : vector<16xf32>
        %add3A_515 = arith.addf %add3A_500, %mul3A_514 : vector<16xf32>
        %get3A_516 = arith.index_cast %scan3A_22 : i32 to index
        %get3A_517 = arith.constant 512 : index
        %get3A_518 = tpu.vector_load %arg10[%get3A_516, %get3A_517] {strides = array<i32>} : memref<16x1024xf32, #tpu.memory_space<vmem>>, vector<1x16xf32>,
        %get3A_519 = vector.shape_cast %get3A_518 : vector<1x16xf32> to vector<16xf32>
        %mul3A_520 = arith.mulf %get3A_519, %get3A_509 : vector<16xf32>
        %add3A_521 = arith.addf %add3A_506, %mul3A_520 : vector<16xf32>
        %get3A_522 = arith.constant 528 : index
        %get3A_523 = tpu.vector_load %arg8[%get3A_522] {strides = array<i32>} : memref<1024xf32, #tpu.memory_space<vmem>>, vector<16xf32>,
        %get3A_524 = vector.shape_cast %get3A_523 : vector<16xf32> to vector<16xf32>
        %get3A_525 = arith.index_cast %scan3A_22 : i32 to index
        %get3A_526 = arith.constant 528 : index
        %get3A_527 = tpu.vector_load %arg9[%get3A_525, %get3A_526] {strides = array<i32>} : memref<16x1024xf32, #tpu.memory_space<vmem>>, vector<1x16xf32>,
        %get3A_528 = vector.shape_cast %get3A_527 : vector<1x16xf32> to vector<16xf32>
        %mul3A_529 = arith.mulf %get3A_528, %get3A_524 : vector<16xf32>
        %add3A_530 = arith.addf %add3A_515, %mul3A_529 : vector<16xf32>
        %get3A_531 = arith.index_cast %scan3A_22 : i32 to index
        %get3A_532 = arith.constant 528 : index
        %get3A_533 = tpu.vector_load %arg10[%get3A_531, %get3A_532] {strides = array<i32>} : memref<16x1024xf32, #tpu.memory_space<vmem>>, vector<1x16xf32>,
        %get3A_534 = vector.shape_cast %get3A_533 : vector<1x16xf32> to vector<16xf32>
        %mul3A_535 = arith.mulf %get3A_534, %get3A_524 : vector<16xf32>
        %add3A_536 = arith.addf %add3A_521, %mul3A_535 : vector<16xf32>
        %get3A_537 = arith.constant 544 : index
        %get3A_538 = tpu.vector_load %arg8[%get3A_537] {strides = array<i32>} : memref<1024xf32, #tpu.memory_space<vmem>>, vector<16xf32>,
        %get3A_539 = vector.shape_cast %get3A_538 : vector<16xf32> to vector<16xf32>
        %get3A_540 = arith.index_cast %scan3A_22 : i32 to index
        %get3A_541 = arith.constant 544 : index
        %get3A_542 = tpu.vector_load %arg9[%get3A_540, %get3A_541] {strides = array<i32>} : memref<16x1024xf32, #tpu.memory_space<vmem>>, vector<1x16xf32>,
        %get3A_543 = vector.shape_cast %get3A_542 : vector<1x16xf32> to vector<16xf32>
        %mul3A_544 = arith.mulf %get3A_543, %get3A_539 : vector<16xf32>
        %add3A_545 = arith.addf %add3A_530, %mul3A_544 : vector<16xf32>
        %get3A_546 = arith.index_cast %scan3A_22 : i32 to index
        %get3A_547 = arith.constant 544 : index
        %get3A_548 = tpu.vector_load %arg10[%get3A_546, %get3A_547] {strides = array<i32>} : memref<16x1024xf32, #tpu.memory_space<vmem>>, vector<1x16xf32>,
        %get3A_549 = vector.shape_cast %get3A_548 : vector<1x16xf32> to vector<16xf32>
        %mul3A_550 = arith.mulf %get3A_549, %get3A_539 : vector<16xf32>
        %add3A_551 = arith.addf %add3A_536, %mul3A_550 : vector<16xf32>
        %get3A_552 = arith.constant 560 : index
        %get3A_553 = tpu.vector_load %arg8[%get3A_552] {strides = array<i32>} : memref<1024xf32, #tpu.memory_space<vmem>>, vector<16xf32>,
        %get3A_554 = vector.shape_cast %get3A_553 : vector<16xf32> to vector<16xf32>
        %get3A_555 = arith.index_cast %scan3A_22 : i32 to index
        %get3A_556 = arith.constant 560 : index
        %get3A_557 = tpu.vector_load %arg9[%get3A_555, %get3A_556] {strides = array<i32>} : memref<16x1024xf32, #tpu.memory_space<vmem>>, vector<1x16xf32>,
        %get3A_558 = vector.shape_cast %get3A_557 : vector<1x16xf32> to vector<16xf32>
        %mul3A_559 = arith.mulf %get3A_558, %get3A_554 : vector<16xf32>
        %add3A_560 = arith.addf %add3A_545, %mul3A_559 : vector<16xf32>
        %get3A_561 = arith.index_cast %scan3A_22 : i32 to index
        %get3A_562 = arith.constant 560 : index
        %get3A_563 = tpu.vector_load %arg10[%get3A_561, %get3A_562] {strides = array<i32>} : memref<16x1024xf32, #tpu.memory_space<vmem>>, vector<1x16xf32>,
        %get3A_564 = vector.shape_cast %get3A_563 : vector<1x16xf32> to vector<16xf32>
        %mul3A_565 = arith.mulf %get3A_564, %get3A_554 : vector<16xf32>
        %add3A_566 = arith.addf %add3A_551, %mul3A_565 : vector<16xf32>
        %get3A_567 = arith.constant 576 : index
        %get3A_568 = tpu.vector_load %arg8[%get3A_567] {strides = array<i32>} : memref<1024xf32, #tpu.memory_space<vmem>>, vector<16xf32>,
        %get3A_569 = vector.shape_cast %get3A_568 : vector<16xf32> to vector<16xf32>
        %get3A_570 = arith.index_cast %scan3A_22 : i32 to index
        %get3A_571 = arith.constant 576 : index
        %get3A_572 = tpu.vector_load %arg9[%get3A_570, %get3A_571] {strides = array<i32>} : memref<16x1024xf32, #tpu.memory_space<vmem>>, vector<1x16xf32>,
        %get3A_573 = vector.shape_cast %get3A_572 : vector<1x16xf32> to vector<16xf32>
        %mul3A_574 = arith.mulf %get3A_573, %get3A_569 : vector<16xf32>
        %add3A_575 = arith.addf %add3A_560, %mul3A_574 : vector<16xf32>
        %get3A_576 = arith.index_cast %scan3A_22 : i32 to index
        %get3A_577 = arith.constant 576 : index
        %get3A_578 = tpu.vector_load %arg10[%get3A_576, %get3A_577] {strides = array<i32>} : memref<16x1024xf32, #tpu.memory_space<vmem>>, vector<1x16xf32>,
        %get3A_579 = vector.shape_cast %get3A_578 : vector<1x16xf32> to vector<16xf32>
        %mul3A_580 = arith.mulf %get3A_579, %get3A_569 : vector<16xf32>
        %add3A_581 = arith.addf %add3A_566, %mul3A_580 : vector<16xf32>
        %get3A_582 = arith.constant 592 : index
        %get3A_583 = tpu.vector_load %arg8[%get3A_582] {strides = array<i32>} : memref<1024xf32, #tpu.memory_space<vmem>>, vector<16xf32>,
        %get3A_584 = vector.shape_cast %get3A_583 : vector<16xf32> to vector<16xf32>
        %get3A_585 = arith.index_cast %scan3A_22 : i32 to index
        %get3A_586 = arith.constant 592 : index
        %get3A_587 = tpu.vector_load %arg9[%get3A_585, %get3A_586] {strides = array<i32>} : memref<16x1024xf32, #tpu.memory_space<vmem>>, vector<1x16xf32>,
        %get3A_588 = vector.shape_cast %get3A_587 : vector<1x16xf32> to vector<16xf32>
        %mul3A_589 = arith.mulf %get3A_588, %get3A_584 : vector<16xf32>
        %add3A_590 = arith.addf %add3A_575, %mul3A_589 : vector<16xf32>
        %get3A_591 = arith.index_cast %scan3A_22 : i32 to index
        %get3A_592 = arith.constant 592 : index
        %get3A_593 = tpu.vector_load %arg10[%get3A_591, %get3A_592] {strides = array<i32>} : memref<16x1024xf32, #tpu.memory_space<vmem>>, vector<1x16xf32>,
        %get3A_594 = vector.shape_cast %get3A_593 : vector<1x16xf32> to vector<16xf32>
        %mul3A_595 = arith.mulf %get3A_594, %get3A_584 : vector<16xf32>
        %add3A_596 = arith.addf %add3A_581, %mul3A_595 : vector<16xf32>
        %get3A_597 = arith.constant 608 : index
        %get3A_598 = tpu.vector_load %arg8[%get3A_597] {strides = array<i32>} : memref<1024xf32, #tpu.memory_space<vmem>>, vector<16xf32>,
        %get3A_599 = vector.shape_cast %get3A_598 : vector<16xf32> to vector<16xf32>
        %get3A_600 = arith.index_cast %scan3A_22 : i32 to index
        %get3A_601 = arith.constant 608 : index
        %get3A_602 = tpu.vector_load %arg9[%get3A_600, %get3A_601] {strides = array<i32>} : memref<16x1024xf32, #tpu.memory_space<vmem>>, vector<1x16xf32>,
        %get3A_603 = vector.shape_cast %get3A_602 : vector<1x16xf32> to vector<16xf32>
        %mul3A_604 = arith.mulf %get3A_603, %get3A_599 : vector<16xf32>
        %add3A_605 = arith.addf %add3A_590, %mul3A_604 : vector<16xf32>
        %get3A_606 = arith.index_cast %scan3A_22 : i32 to index
        %get3A_607 = arith.constant 608 : index
        %get3A_608 = tpu.vector_load %arg10[%get3A_606, %get3A_607] {strides = array<i32>} : memref<16x1024xf32, #tpu.memory_space<vmem>>, vector<1x16xf32>,
        %get3A_609 = vector.shape_cast %get3A_608 : vector<1x16xf32> to vector<16xf32>
        %mul3A_610 = arith.mulf %get3A_609, %get3A_599 : vector<16xf32>
        %add3A_611 = arith.addf %add3A_596, %mul3A_610 : vector<16xf32>
        %get3A_612 = arith.constant 624 : index
        %get3A_613 = tpu.vector_load %arg8[%get3A_612] {strides = array<i32>} : memref<1024xf32, #tpu.memory_space<vmem>>, vector<16xf32>,
        %get3A_614 = vector.shape_cast %get3A_613 : vector<16xf32> to vector<16xf32>
        %get3A_615 = arith.index_cast %scan3A_22 : i32 to index
        %get3A_616 = arith.constant 624 : index
        %get3A_617 = tpu.vector_load %arg9[%get3A_615, %get3A_616] {strides = array<i32>} : memref<16x1024xf32, #tpu.memory_space<vmem>>, vector<1x16xf32>,
        %get3A_618 = vector.shape_cast %get3A_617 : vector<1x16xf32> to vector<16xf32>
        %mul3A_619 = arith.mulf %get3A_618, %get3A_614 : vector<16xf32>
        %add3A_620 = arith.addf %add3A_605, %mul3A_619 : vector<16xf32>
        %get3A_621 = arith.index_cast %scan3A_22 : i32 to index
        %get3A_622 = arith.constant 624 : index
        %get3A_623 = tpu.vector_load %arg10[%get3A_621, %get3A_622] {strides = array<i32>} : memref<16x1024xf32, #tpu.memory_space<vmem>>, vector<1x16xf32>,
        %get3A_624 = vector.shape_cast %get3A_623 : vector<1x16xf32> to vector<16xf32>
        %mul3A_625 = arith.mulf %get3A_624, %get3A_614 : vector<16xf32>
        %add3A_626 = arith.addf %add3A_611, %mul3A_625 : vector<16xf32>
        %get3A_627 = arith.constant 640 : index
        %get3A_628 = tpu.vector_load %arg8[%get3A_627] {strides = array<i32>} : memref<1024xf32, #tpu.memory_space<vmem>>, vector<16xf32>,
        %get3A_629 = vector.shape_cast %get3A_628 : vector<16xf32> to vector<16xf32>
        %get3A_630 = arith.index_cast %scan3A_22 : i32 to index
        %get3A_631 = arith.constant 640 : index
        %get3A_632 = tpu.vector_load %arg9[%get3A_630, %get3A_631] {strides = array<i32>} : memref<16x1024xf32, #tpu.memory_space<vmem>>, vector<1x16xf32>,
        %get3A_633 = vector.shape_cast %get3A_632 : vector<1x16xf32> to vector<16xf32>
        %mul3A_634 = arith.mulf %get3A_633, %get3A_629 : vector<16xf32>
        %add3A_635 = arith.addf %add3A_620, %mul3A_634 : vector<16xf32>
        %get3A_636 = arith.index_cast %scan3A_22 : i32 to index
        %get3A_637 = arith.constant 640 : index
        %get3A_638 = tpu.vector_load %arg10[%get3A_636, %get3A_637] {strides = array<i32>} : memref<16x1024xf32, #tpu.memory_space<vmem>>, vector<1x16xf32>,
        %get3A_639 = vector.shape_cast %get3A_638 : vector<1x16xf32> to vector<16xf32>
        %mul3A_640 = arith.mulf %get3A_639, %get3A_629 : vector<16xf32>
        %add3A_641 = arith.addf %add3A_626, %mul3A_640 : vector<16xf32>
        %get3A_642 = arith.constant 656 : index
        %get3A_643 = tpu.vector_load %arg8[%get3A_642] {strides = array<i32>} : memref<1024xf32, #tpu.memory_space<vmem>>, vector<16xf32>,
        %get3A_644 = vector.shape_cast %get3A_643 : vector<16xf32> to vector<16xf32>
        %get3A_645 = arith.index_cast %scan3A_22 : i32 to index
        %get3A_646 = arith.constant 656 : index
        %get3A_647 = tpu.vector_load %arg9[%get3A_645, %get3A_646] {strides = array<i32>} : memref<16x1024xf32, #tpu.memory_space<vmem>>, vector<1x16xf32>,
        %get3A_648 = vector.shape_cast %get3A_647 : vector<1x16xf32> to vector<16xf32>
        %mul3A_649 = arith.mulf %get3A_648, %get3A_644 : vector<16xf32>
        %add3A_650 = arith.addf %add3A_635, %mul3A_649 : vector<16xf32>
        %get3A_651 = arith.index_cast %scan3A_22 : i32 to index
        %get3A_652 = arith.constant 656 : index
        %get3A_653 = tpu.vector_load %arg10[%get3A_651, %get3A_652] {strides = array<i32>} : memref<16x1024xf32, #tpu.memory_space<vmem>>, vector<1x16xf32>,
        %get3A_654 = vector.shape_cast %get3A_653 : vector<1x16xf32> to vector<16xf32>
        %mul3A_655 = arith.mulf %get3A_654, %get3A_644 : vector<16xf32>
        %add3A_656 = arith.addf %add3A_641, %mul3A_655 : vector<16xf32>
        %get3A_657 = arith.constant 672 : index
        %get3A_658 = tpu.vector_load %arg8[%get3A_657] {strides = array<i32>} : memref<1024xf32, #tpu.memory_space<vmem>>, vector<16xf32>,
        %get3A_659 = vector.shape_cast %get3A_658 : vector<16xf32> to vector<16xf32>
        %get3A_660 = arith.index_cast %scan3A_22 : i32 to index
        %get3A_661 = arith.constant 672 : index
        %get3A_662 = tpu.vector_load %arg9[%get3A_660, %get3A_661] {strides = array<i32>} : memref<16x1024xf32, #tpu.memory_space<vmem>>, vector<1x16xf32>,
        %get3A_663 = vector.shape_cast %get3A_662 : vector<1x16xf32> to vector<16xf32>
        %mul3A_664 = arith.mulf %get3A_663, %get3A_659 : vector<16xf32>
        %add3A_665 = arith.addf %add3A_650, %mul3A_664 : vector<16xf32>
        %get3A_666 = arith.index_cast %scan3A_22 : i32 to index
        %get3A_667 = arith.constant 672 : index
        %get3A_668 = tpu.vector_load %arg10[%get3A_666, %get3A_667] {strides = array<i32>} : memref<16x1024xf32, #tpu.memory_space<vmem>>, vector<1x16xf32>,
        %get3A_669 = vector.shape_cast %get3A_668 : vector<1x16xf32> to vector<16xf32>
        %mul3A_670 = arith.mulf %get3A_669, %get3A_659 : vector<16xf32>
        %add3A_671 = arith.addf %add3A_656, %mul3A_670 : vector<16xf32>
        %get3A_672 = arith.constant 688 : index
        %get3A_673 = tpu.vector_load %arg8[%get3A_672] {strides = array<i32>} : memref<1024xf32, #tpu.memory_space<vmem>>, vector<16xf32>,
        %get3A_674 = vector.shape_cast %get3A_673 : vector<16xf32> to vector<16xf32>
        %get3A_675 = arith.index_cast %scan3A_22 : i32 to index
        %get3A_676 = arith.constant 688 : index
        %get3A_677 = tpu.vector_load %arg9[%get3A_675, %get3A_676] {strides = array<i32>} : memref<16x1024xf32, #tpu.memory_space<vmem>>, vector<1x16xf32>,
        %get3A_678 = vector.shape_cast %get3A_677 : vector<1x16xf32> to vector<16xf32>
        %mul3A_679 = arith.mulf %get3A_678, %get3A_674 : vector<16xf32>
        %add3A_680 = arith.addf %add3A_665, %mul3A_679 : vector<16xf32>
        %get3A_681 = arith.index_cast %scan3A_22 : i32 to index
        %get3A_682 = arith.constant 688 : index
        %get3A_683 = tpu.vector_load %arg10[%get3A_681, %get3A_682] {strides = array<i32>} : memref<16x1024xf32, #tpu.memory_space<vmem>>, vector<1x16xf32>,
        %get3A_684 = vector.shape_cast %get3A_683 : vector<1x16xf32> to vector<16xf32>
        %mul3A_685 = arith.mulf %get3A_684, %get3A_674 : vector<16xf32>
        %add3A_686 = arith.addf %add3A_671, %mul3A_685 : vector<16xf32>
        %get3A_687 = arith.constant 704 : index
        %get3A_688 = tpu.vector_load %arg8[%get3A_687] {strides = array<i32>} : memref<1024xf32, #tpu.memory_space<vmem>>, vector<16xf32>,
        %get3A_689 = vector.shape_cast %get3A_688 : vector<16xf32> to vector<16xf32>
        %get3A_690 = arith.index_cast %scan3A_22 : i32 to index
        %get3A_691 = arith.constant 704 : index
        %get3A_692 = tpu.vector_load %arg9[%get3A_690, %get3A_691] {strides = array<i32>} : memref<16x1024xf32, #tpu.memory_space<vmem>>, vector<1x16xf32>,
        %get3A_693 = vector.shape_cast %get3A_692 : vector<1x16xf32> to vector<16xf32>
        %mul3A_694 = arith.mulf %get3A_693, %get3A_689 : vector<16xf32>
        %add3A_695 = arith.addf %add3A_680, %mul3A_694 : vector<16xf32>
        %get3A_696 = arith.index_cast %scan3A_22 : i32 to index
        %get3A_697 = arith.constant 704 : index
        %get3A_698 = tpu.vector_load %arg10[%get3A_696, %get3A_697] {strides = array<i32>} : memref<16x1024xf32, #tpu.memory_space<vmem>>, vector<1x16xf32>,
        %get3A_699 = vector.shape_cast %get3A_698 : vector<1x16xf32> to vector<16xf32>
        %mul3A_700 = arith.mulf %get3A_699, %get3A_689 : vector<16xf32>
        %add3A_701 = arith.addf %add3A_686, %mul3A_700 : vector<16xf32>
        %get3A_702 = arith.constant 720 : index
        %get3A_703 = tpu.vector_load %arg8[%get3A_702] {strides = array<i32>} : memref<1024xf32, #tpu.memory_space<vmem>>, vector<16xf32>,
        %get3A_704 = vector.shape_cast %get3A_703 : vector<16xf32> to vector<16xf32>
        %get3A_705 = arith.index_cast %scan3A_22 : i32 to index
        %get3A_706 = arith.constant 720 : index
        %get3A_707 = tpu.vector_load %arg9[%get3A_705, %get3A_706] {strides = array<i32>} : memref<16x1024xf32, #tpu.memory_space<vmem>>, vector<1x16xf32>,
        %get3A_708 = vector.shape_cast %get3A_707 : vector<1x16xf32> to vector<16xf32>
        %mul3A_709 = arith.mulf %get3A_708, %get3A_704 : vector<16xf32>
        %add3A_710 = arith.addf %add3A_695, %mul3A_709 : vector<16xf32>
        %get3A_711 = arith.index_cast %scan3A_22 : i32 to index
        %get3A_712 = arith.constant 720 : index
        %get3A_713 = tpu.vector_load %arg10[%get3A_711, %get3A_712] {strides = array<i32>} : memref<16x1024xf32, #tpu.memory_space<vmem>>, vector<1x16xf32>,
        %get3A_714 = vector.shape_cast %get3A_713 : vector<1x16xf32> to vector<16xf32>
        %mul3A_715 = arith.mulf %get3A_714, %get3A_704 : vector<16xf32>
        %add3A_716 = arith.addf %add3A_701, %mul3A_715 : vector<16xf32>
        %get3A_717 = arith.constant 736 : index
        %get3A_718 = tpu.vector_load %arg8[%get3A_717] {strides = array<i32>} : memref<1024xf32, #tpu.memory_space<vmem>>, vector<16xf32>,
        %get3A_719 = vector.shape_cast %get3A_718 : vector<16xf32> to vector<16xf32>
        %get3A_720 = arith.index_cast %scan3A_22 : i32 to index
        %get3A_721 = arith.constant 736 : index
        %get3A_722 = tpu.vector_load %arg9[%get3A_720, %get3A_721] {strides = array<i32>} : memref<16x1024xf32, #tpu.memory_space<vmem>>, vector<1x16xf32>,
        %get3A_723 = vector.shape_cast %get3A_722 : vector<1x16xf32> to vector<16xf32>
        %mul3A_724 = arith.mulf %get3A_723, %get3A_719 : vector<16xf32>
        %add3A_725 = arith.addf %add3A_710, %mul3A_724 : vector<16xf32>
        %get3A_726 = arith.index_cast %scan3A_22 : i32 to index
        %get3A_727 = arith.constant 736 : index
        %get3A_728 = tpu.vector_load %arg10[%get3A_726, %get3A_727] {strides = array<i32>} : memref<16x1024xf32, #tpu.memory_space<vmem>>, vector<1x16xf32>,
        %get3A_729 = vector.shape_cast %get3A_728 : vector<1x16xf32> to vector<16xf32>
        %mul3A_730 = arith.mulf %get3A_729, %get3A_719 : vector<16xf32>
        %add3A_731 = arith.addf %add3A_716, %mul3A_730 : vector<16xf32>
        %get3A_732 = arith.constant 752 : index
        %get3A_733 = tpu.vector_load %arg8[%get3A_732] {strides = array<i32>} : memref<1024xf32, #tpu.memory_space<vmem>>, vector<16xf32>,
        %get3A_734 = vector.shape_cast %get3A_733 : vector<16xf32> to vector<16xf32>
        %get3A_735 = arith.index_cast %scan3A_22 : i32 to index
        %get3A_736 = arith.constant 752 : index
        %get3A_737 = tpu.vector_load %arg9[%get3A_735, %get3A_736] {strides = array<i32>} : memref<16x1024xf32, #tpu.memory_space<vmem>>, vector<1x16xf32>,
        %get3A_738 = vector.shape_cast %get3A_737 : vector<1x16xf32> to vector<16xf32>
        %mul3A_739 = arith.mulf %get3A_738, %get3A_734 : vector<16xf32>
        %add3A_740 = arith.addf %add3A_725, %mul3A_739 : vector<16xf32>
        %get3A_741 = arith.index_cast %scan3A_22 : i32 to index
        %get3A_742 = arith.constant 752 : index
        %get3A_743 = tpu.vector_load %arg10[%get3A_741, %get3A_742] {strides = array<i32>} : memref<16x1024xf32, #tpu.memory_space<vmem>>, vector<1x16xf32>,
        %get3A_744 = vector.shape_cast %get3A_743 : vector<1x16xf32> to vector<16xf32>
        %mul3A_745 = arith.mulf %get3A_744, %get3A_734 : vector<16xf32>
        %add3A_746 = arith.addf %add3A_731, %mul3A_745 : vector<16xf32>
        %get3A_747 = arith.constant 768 : index
        %get3A_748 = tpu.vector_load %arg8[%get3A_747] {strides = array<i32>} : memref<1024xf32, #tpu.memory_space<vmem>>, vector<16xf32>,
        %get3A_749 = vector.shape_cast %get3A_748 : vector<16xf32> to vector<16xf32>
        %get3A_750 = arith.index_cast %scan3A_22 : i32 to index
        %get3A_751 = arith.constant 768 : index
        %get3A_752 = tpu.vector_load %arg9[%get3A_750, %get3A_751] {strides = array<i32>} : memref<16x1024xf32, #tpu.memory_space<vmem>>, vector<1x16xf32>,
        %get3A_753 = vector.shape_cast %get3A_752 : vector<1x16xf32> to vector<16xf32>
        %mul3A_754 = arith.mulf %get3A_753, %get3A_749 : vector<16xf32>
        %add3A_755 = arith.addf %add3A_740, %mul3A_754 : vector<16xf32>
        %get3A_756 = arith.index_cast %scan3A_22 : i32 to index
        %get3A_757 = arith.constant 768 : index
        %get3A_758 = tpu.vector_load %arg10[%get3A_756, %get3A_757] {strides = array<i32>} : memref<16x1024xf32, #tpu.memory_space<vmem>>, vector<1x16xf32>,
        %get3A_759 = vector.shape_cast %get3A_758 : vector<1x16xf32> to vector<16xf32>
        %mul3A_760 = arith.mulf %get3A_759, %get3A_749 : vector<16xf32>
        %add3A_761 = arith.addf %add3A_746, %mul3A_760 : vector<16xf32>
        %get3A_762 = arith.constant 784 : index
        %get3A_763 = tpu.vector_load %arg8[%get3A_762] {strides = array<i32>} : memref<1024xf32, #tpu.memory_space<vmem>>, vector<16xf32>,
        %get3A_764 = vector.shape_cast %get3A_763 : vector<16xf32> to vector<16xf32>
        %get3A_765 = arith.index_cast %scan3A_22 : i32 to index
        %get3A_766 = arith.constant 784 : index
        %get3A_767 = tpu.vector_load %arg9[%get3A_765, %get3A_766] {strides = array<i32>} : memref<16x1024xf32, #tpu.memory_space<vmem>>, vector<1x16xf32>,
        %get3A_768 = vector.shape_cast %get3A_767 : vector<1x16xf32> to vector<16xf32>
        %mul3A_769 = arith.mulf %get3A_768, %get3A_764 : vector<16xf32>
        %add3A_770 = arith.addf %add3A_755, %mul3A_769 : vector<16xf32>
        %get3A_771 = arith.index_cast %scan3A_22 : i32 to index
        %get3A_772 = arith.constant 784 : index
        %get3A_773 = tpu.vector_load %arg10[%get3A_771, %get3A_772] {strides = array<i32>} : memref<16x1024xf32, #tpu.memory_space<vmem>>, vector<1x16xf32>,
        %get3A_774 = vector.shape_cast %get3A_773 : vector<1x16xf32> to vector<16xf32>
        %mul3A_775 = arith.mulf %get3A_774, %get3A_764 : vector<16xf32>
        %add3A_776 = arith.addf %add3A_761, %mul3A_775 : vector<16xf32>
        %get3A_777 = arith.constant 800 : index
        %get3A_778 = tpu.vector_load %arg8[%get3A_777] {strides = array<i32>} : memref<1024xf32, #tpu.memory_space<vmem>>, vector<16xf32>,
        %get3A_779 = vector.shape_cast %get3A_778 : vector<16xf32> to vector<16xf32>
        %get3A_780 = arith.index_cast %scan3A_22 : i32 to index
        %get3A_781 = arith.constant 800 : index
        %get3A_782 = tpu.vector_load %arg9[%get3A_780, %get3A_781] {strides = array<i32>} : memref<16x1024xf32, #tpu.memory_space<vmem>>, vector<1x16xf32>,
        %get3A_783 = vector.shape_cast %get3A_782 : vector<1x16xf32> to vector<16xf32>
        %mul3A_784 = arith.mulf %get3A_783, %get3A_779 : vector<16xf32>
        %add3A_785 = arith.addf %add3A_770, %mul3A_784 : vector<16xf32>
        %get3A_786 = arith.index_cast %scan3A_22 : i32 to index
        %get3A_787 = arith.constant 800 : index
        %get3A_788 = tpu.vector_load %arg10[%get3A_786, %get3A_787] {strides = array<i32>} : memref<16x1024xf32, #tpu.memory_space<vmem>>, vector<1x16xf32>,
        %get3A_789 = vector.shape_cast %get3A_788 : vector<1x16xf32> to vector<16xf32>
        %mul3A_790 = arith.mulf %get3A_789, %get3A_779 : vector<16xf32>
        %add3A_791 = arith.addf %add3A_776, %mul3A_790 : vector<16xf32>
        %get3A_792 = arith.constant 816 : index
        %get3A_793 = tpu.vector_load %arg8[%get3A_792] {strides = array<i32>} : memref<1024xf32, #tpu.memory_space<vmem>>, vector<16xf32>,
        %get3A_794 = vector.shape_cast %get3A_793 : vector<16xf32> to vector<16xf32>
        %get3A_795 = arith.index_cast %scan3A_22 : i32 to index
        %get3A_796 = arith.constant 816 : index
        %get3A_797 = tpu.vector_load %arg9[%get3A_795, %get3A_796] {strides = array<i32>} : memref<16x1024xf32, #tpu.memory_space<vmem>>, vector<1x16xf32>,
        %get3A_798 = vector.shape_cast %get3A_797 : vector<1x16xf32> to vector<16xf32>
        %mul3A_799 = arith.mulf %get3A_798, %get3A_794 : vector<16xf32>
        %add3A_800 = arith.addf %add3A_785, %mul3A_799 : vector<16xf32>
        %get3A_801 = arith.index_cast %scan3A_22 : i32 to index
        %get3A_802 = arith.constant 816 : index
        %get3A_803 = tpu.vector_load %arg10[%get3A_801, %get3A_802] {strides = array<i32>} : memref<16x1024xf32, #tpu.memory_space<vmem>>, vector<1x16xf32>,
        %get3A_804 = vector.shape_cast %get3A_803 : vector<1x16xf32> to vector<16xf32>
        %mul3A_805 = arith.mulf %get3A_804, %get3A_794 : vector<16xf32>
        %add3A_806 = arith.addf %add3A_791, %mul3A_805 : vector<16xf32>
        %get3A_807 = arith.constant 832 : index
        %get3A_808 = tpu.vector_load %arg8[%get3A_807] {strides = array<i32>} : memref<1024xf32, #tpu.memory_space<vmem>>, vector<16xf32>,
        %get3A_809 = vector.shape_cast %get3A_808 : vector<16xf32> to vector<16xf32>
        %get3A_810 = arith.index_cast %scan3A_22 : i32 to index
        %get3A_811 = arith.constant 832 : index
        %get3A_812 = tpu.vector_load %arg9[%get3A_810, %get3A_811] {strides = array<i32>} : memref<16x1024xf32, #tpu.memory_space<vmem>>, vector<1x16xf32>,
        %get3A_813 = vector.shape_cast %get3A_812 : vector<1x16xf32> to vector<16xf32>
        %mul3A_814 = arith.mulf %get3A_813, %get3A_809 : vector<16xf32>
        %add3A_815 = arith.addf %add3A_800, %mul3A_814 : vector<16xf32>
        %get3A_816 = arith.index_cast %scan3A_22 : i32 to index
        %get3A_817 = arith.constant 832 : index
        %get3A_818 = tpu.vector_load %arg10[%get3A_816, %get3A_817] {strides = array<i32>} : memref<16x1024xf32, #tpu.memory_space<vmem>>, vector<1x16xf32>,
        %get3A_819 = vector.shape_cast %get3A_818 : vector<1x16xf32> to vector<16xf32>
        %mul3A_820 = arith.mulf %get3A_819, %get3A_809 : vector<16xf32>
        %add3A_821 = arith.addf %add3A_806, %mul3A_820 : vector<16xf32>
        %get3A_822 = arith.constant 848 : index
        %get3A_823 = tpu.vector_load %arg8[%get3A_822] {strides = array<i32>} : memref<1024xf32, #tpu.memory_space<vmem>>, vector<16xf32>,
        %get3A_824 = vector.shape_cast %get3A_823 : vector<16xf32> to vector<16xf32>
        %get3A_825 = arith.index_cast %scan3A_22 : i32 to index
        %get3A_826 = arith.constant 848 : index
        %get3A_827 = tpu.vector_load %arg9[%get3A_825, %get3A_826] {strides = array<i32>} : memref<16x1024xf32, #tpu.memory_space<vmem>>, vector<1x16xf32>,
        %get3A_828 = vector.shape_cast %get3A_827 : vector<1x16xf32> to vector<16xf32>
        %mul3A_829 = arith.mulf %get3A_828, %get3A_824 : vector<16xf32>
        %add3A_830 = arith.addf %add3A_815, %mul3A_829 : vector<16xf32>
        %get3A_831 = arith.index_cast %scan3A_22 : i32 to index
        %get3A_832 = arith.constant 848 : index
        %get3A_833 = tpu.vector_load %arg10[%get3A_831, %get3A_832] {strides = array<i32>} : memref<16x1024xf32, #tpu.memory_space<vmem>>, vector<1x16xf32>,
        %get3A_834 = vector.shape_cast %get3A_833 : vector<1x16xf32> to vector<16xf32>
        %mul3A_835 = arith.mulf %get3A_834, %get3A_824 : vector<16xf32>
        %add3A_836 = arith.addf %add3A_821, %mul3A_835 : vector<16xf32>
        %get3A_837 = arith.constant 864 : index
        %get3A_838 = tpu.vector_load %arg8[%get3A_837] {strides = array<i32>} : memref<1024xf32, #tpu.memory_space<vmem>>, vector<16xf32>,
        %get3A_839 = vector.shape_cast %get3A_838 : vector<16xf32> to vector<16xf32>
        %get3A_840 = arith.index_cast %scan3A_22 : i32 to index
        %get3A_841 = arith.constant 864 : index
        %get3A_842 = tpu.vector_load %arg9[%get3A_840, %get3A_841] {strides = array<i32>} : memref<16x1024xf32, #tpu.memory_space<vmem>>, vector<1x16xf32>,
        %get3A_843 = vector.shape_cast %get3A_842 : vector<1x16xf32> to vector<16xf32>
        %mul3A_844 = arith.mulf %get3A_843, %get3A_839 : vector<16xf32>
        %add3A_845 = arith.addf %add3A_830, %mul3A_844 : vector<16xf32>
        %get3A_846 = arith.index_cast %scan3A_22 : i32 to index
        %get3A_847 = arith.constant 864 : index
        %get3A_848 = tpu.vector_load %arg10[%get3A_846, %get3A_847] {strides = array<i32>} : memref<16x1024xf32, #tpu.memory_space<vmem>>, vector<1x16xf32>,
        %get3A_849 = vector.shape_cast %get3A_848 : vector<1x16xf32> to vector<16xf32>
        %mul3A_850 = arith.mulf %get3A_849, %get3A_839 : vector<16xf32>
        %add3A_851 = arith.addf %add3A_836, %mul3A_850 : vector<16xf32>
        %get3A_852 = arith.constant 880 : index
        %get3A_853 = tpu.vector_load %arg8[%get3A_852] {strides = array<i32>} : memref<1024xf32, #tpu.memory_space<vmem>>, vector<16xf32>,
        %get3A_854 = vector.shape_cast %get3A_853 : vector<16xf32> to vector<16xf32>
        %get3A_855 = arith.index_cast %scan3A_22 : i32 to index
        %get3A_856 = arith.constant 880 : index
        %get3A_857 = tpu.vector_load %arg9[%get3A_855, %get3A_856] {strides = array<i32>} : memref<16x1024xf32, #tpu.memory_space<vmem>>, vector<1x16xf32>,
        %get3A_858 = vector.shape_cast %get3A_857 : vector<1x16xf32> to vector<16xf32>
        %mul3A_859 = arith.mulf %get3A_858, %get3A_854 : vector<16xf32>
        %add3A_860 = arith.addf %add3A_845, %mul3A_859 : vector<16xf32>
        %get3A_861 = arith.index_cast %scan3A_22 : i32 to index
        %get3A_862 = arith.constant 880 : index
        %get3A_863 = tpu.vector_load %arg10[%get3A_861, %get3A_862] {strides = array<i32>} : memref<16x1024xf32, #tpu.memory_space<vmem>>, vector<1x16xf32>,
        %get3A_864 = vector.shape_cast %get3A_863 : vector<1x16xf32> to vector<16xf32>
        %mul3A_865 = arith.mulf %get3A_864, %get3A_854 : vector<16xf32>
        %add3A_866 = arith.addf %add3A_851, %mul3A_865 : vector<16xf32>
        %get3A_867 = arith.constant 896 : index
        %get3A_868 = tpu.vector_load %arg8[%get3A_867] {strides = array<i32>} : memref<1024xf32, #tpu.memory_space<vmem>>, vector<16xf32>,
        %get3A_869 = vector.shape_cast %get3A_868 : vector<16xf32> to vector<16xf32>
        %get3A_870 = arith.index_cast %scan3A_22 : i32 to index
        %get3A_871 = arith.constant 896 : index
        %get3A_872 = tpu.vector_load %arg9[%get3A_870, %get3A_871] {strides = array<i32>} : memref<16x1024xf32, #tpu.memory_space<vmem>>, vector<1x16xf32>,
        %get3A_873 = vector.shape_cast %get3A_872 : vector<1x16xf32> to vector<16xf32>
        %mul3A_874 = arith.mulf %get3A_873, %get3A_869 : vector<16xf32>
        %add3A_875 = arith.addf %add3A_860, %mul3A_874 : vector<16xf32>
        %get3A_876 = arith.index_cast %scan3A_22 : i32 to index
        %get3A_877 = arith.constant 896 : index
        %get3A_878 = tpu.vector_load %arg10[%get3A_876, %get3A_877] {strides = array<i32>} : memref<16x1024xf32, #tpu.memory_space<vmem>>, vector<1x16xf32>,
        %get3A_879 = vector.shape_cast %get3A_878 : vector<1x16xf32> to vector<16xf32>
        %mul3A_880 = arith.mulf %get3A_879, %get3A_869 : vector<16xf32>
        %add3A_881 = arith.addf %add3A_866, %mul3A_880 : vector<16xf32>
        %get3A_882 = arith.constant 912 : index
        %get3A_883 = tpu.vector_load %arg8[%get3A_882] {strides = array<i32>} : memref<1024xf32, #tpu.memory_space<vmem>>, vector<16xf32>,
        %get3A_884 = vector.shape_cast %get3A_883 : vector<16xf32> to vector<16xf32>
        %get3A_885 = arith.index_cast %scan3A_22 : i32 to index
        %get3A_886 = arith.constant 912 : index
        %get3A_887 = tpu.vector_load %arg9[%get3A_885, %get3A_886] {strides = array<i32>} : memref<16x1024xf32, #tpu.memory_space<vmem>>, vector<1x16xf32>,
        %get3A_888 = vector.shape_cast %get3A_887 : vector<1x16xf32> to vector<16xf32>
        %mul3A_889 = arith.mulf %get3A_888, %get3A_884 : vector<16xf32>
        %add3A_890 = arith.addf %add3A_875, %mul3A_889 : vector<16xf32>
        %get3A_891 = arith.index_cast %scan3A_22 : i32 to index
        %get3A_892 = arith.constant 912 : index
        %get3A_893 = tpu.vector_load %arg10[%get3A_891, %get3A_892] {strides = array<i32>} : memref<16x1024xf32, #tpu.memory_space<vmem>>, vector<1x16xf32>,
        %get3A_894 = vector.shape_cast %get3A_893 : vector<1x16xf32> to vector<16xf32>
        %mul3A_895 = arith.mulf %get3A_894, %get3A_884 : vector<16xf32>
        %add3A_896 = arith.addf %add3A_881, %mul3A_895 : vector<16xf32>
        %get3A_897 = arith.constant 928 : index
        %get3A_898 = tpu.vector_load %arg8[%get3A_897] {strides = array<i32>} : memref<1024xf32, #tpu.memory_space<vmem>>, vector<16xf32>,
        %get3A_899 = vector.shape_cast %get3A_898 : vector<16xf32> to vector<16xf32>
        %get3A_900 = arith.index_cast %scan3A_22 : i32 to index
        %get3A_901 = arith.constant 928 : index
        %get3A_902 = tpu.vector_load %arg9[%get3A_900, %get3A_901] {strides = array<i32>} : memref<16x1024xf32, #tpu.memory_space<vmem>>, vector<1x16xf32>,
        %get3A_903 = vector.shape_cast %get3A_902 : vector<1x16xf32> to vector<16xf32>
        %mul3A_904 = arith.mulf %get3A_903, %get3A_899 : vector<16xf32>
        %add3A_905 = arith.addf %add3A_890, %mul3A_904 : vector<16xf32>
        %get3A_906 = arith.index_cast %scan3A_22 : i32 to index
        %get3A_907 = arith.constant 928 : index
        %get3A_908 = tpu.vector_load %arg10[%get3A_906, %get3A_907] {strides = array<i32>} : memref<16x1024xf32, #tpu.memory_space<vmem>>, vector<1x16xf32>,
        %get3A_909 = vector.shape_cast %get3A_908 : vector<1x16xf32> to vector<16xf32>
        %mul3A_910 = arith.mulf %get3A_909, %get3A_899 : vector<16xf32>
        %add3A_911 = arith.addf %add3A_896, %mul3A_910 : vector<16xf32>
        %get3A_912 = arith.constant 944 : index
        %get3A_913 = tpu.vector_load %arg8[%get3A_912] {strides = array<i32>} : memref<1024xf32, #tpu.memory_space<vmem>>, vector<16xf32>,
        %get3A_914 = vector.shape_cast %get3A_913 : vector<16xf32> to vector<16xf32>
        %get3A_915 = arith.index_cast %scan3A_22 : i32 to index
        %get3A_916 = arith.constant 944 : index
        %get3A_917 = tpu.vector_load %arg9[%get3A_915, %get3A_916] {strides = array<i32>} : memref<16x1024xf32, #tpu.memory_space<vmem>>, vector<1x16xf32>,
        %get3A_918 = vector.shape_cast %get3A_917 : vector<1x16xf32> to vector<16xf32>
        %mul3A_919 = arith.mulf %get3A_918, %get3A_914 : vector<16xf32>
        %add3A_920 = arith.addf %add3A_905, %mul3A_919 : vector<16xf32>
        %get3A_921 = arith.index_cast %scan3A_22 : i32 to index
        %get3A_922 = arith.constant 944 : index
        %get3A_923 = tpu.vector_load %arg10[%get3A_921, %get3A_922] {strides = array<i32>} : memref<16x1024xf32, #tpu.memory_space<vmem>>, vector<1x16xf32>,
        %get3A_924 = vector.shape_cast %get3A_923 : vector<1x16xf32> to vector<16xf32>
        %mul3A_925 = arith.mulf %get3A_924, %get3A_914 : vector<16xf32>
        %add3A_926 = arith.addf %add3A_911, %mul3A_925 : vector<16xf32>
        %get3A_927 = arith.constant 960 : index
        %get3A_928 = tpu.vector_load %arg8[%get3A_927] {strides = array<i32>} : memref<1024xf32, #tpu.memory_space<vmem>>, vector<16xf32>,
        %get3A_929 = vector.shape_cast %get3A_928 : vector<16xf32> to vector<16xf32>
        %get3A_930 = arith.index_cast %scan3A_22 : i32 to index
        %get3A_931 = arith.constant 960 : index
        %get3A_932 = tpu.vector_load %arg9[%get3A_930, %get3A_931] {strides = array<i32>} : memref<16x1024xf32, #tpu.memory_space<vmem>>, vector<1x16xf32>,
        %get3A_933 = vector.shape_cast %get3A_932 : vector<1x16xf32> to vector<16xf32>
        %mul3A_934 = arith.mulf %get3A_933, %get3A_929 : vector<16xf32>
        %add3A_935 = arith.addf %add3A_920, %mul3A_934 : vector<16xf32>
        %get3A_936 = arith.index_cast %scan3A_22 : i32 to index
        %get3A_937 = arith.constant 960 : index
        %get3A_938 = tpu.vector_load %arg10[%get3A_936, %get3A_937] {strides = array<i32>} : memref<16x1024xf32, #tpu.memory_space<vmem>>, vector<1x16xf32>,
        %get3A_939 = vector.shape_cast %get3A_938 : vector<1x16xf32> to vector<16xf32>
        %mul3A_940 = arith.mulf %get3A_939, %get3A_929 : vector<16xf32>
        %add3A_941 = arith.addf %add3A_926, %mul3A_940 : vector<16xf32>
        %get3A_942 = arith.constant 976 : index
        %get3A_943 = tpu.vector_load %arg8[%get3A_942] {strides = array<i32>} : memref<1024xf32, #tpu.memory_space<vmem>>, vector<16xf32>,
        %get3A_944 = vector.shape_cast %get3A_943 : vector<16xf32> to vector<16xf32>
        %get3A_945 = arith.index_cast %scan3A_22 : i32 to index
        %get3A_946 = arith.constant 976 : index
        %get3A_947 = tpu.vector_load %arg9[%get3A_945, %get3A_946] {strides = array<i32>} : memref<16x1024xf32, #tpu.memory_space<vmem>>, vector<1x16xf32>,
        %get3A_948 = vector.shape_cast %get3A_947 : vector<1x16xf32> to vector<16xf32>
        %mul3A_949 = arith.mulf %get3A_948, %get3A_944 : vector<16xf32>
        %add3A_950 = arith.addf %add3A_935, %mul3A_949 : vector<16xf32>
        %get3A_951 = arith.index_cast %scan3A_22 : i32 to index
        %get3A_952 = arith.constant 976 : index
        %get3A_953 = tpu.vector_load %arg10[%get3A_951, %get3A_952] {strides = array<i32>} : memref<16x1024xf32, #tpu.memory_space<vmem>>, vector<1x16xf32>,
        %get3A_954 = vector.shape_cast %get3A_953 : vector<1x16xf32> to vector<16xf32>
        %mul3A_955 = arith.mulf %get3A_954, %get3A_944 : vector<16xf32>
        %add3A_956 = arith.addf %add3A_941, %mul3A_955 : vector<16xf32>
        %get3A_957 = arith.constant 992 : index
        %get3A_958 = tpu.vector_load %arg8[%get3A_957] {strides = array<i32>} : memref<1024xf32, #tpu.memory_space<vmem>>, vector<16xf32>,
        %get3A_959 = vector.shape_cast %get3A_958 : vector<16xf32> to vector<16xf32>
        %get3A_960 = arith.index_cast %scan3A_22 : i32 to index
        %get3A_961 = arith.constant 992 : index
        %get3A_962 = tpu.vector_load %arg9[%get3A_960, %get3A_961] {strides = array<i32>} : memref<16x1024xf32, #tpu.memory_space<vmem>>, vector<1x16xf32>,
        %get3A_963 = vector.shape_cast %get3A_962 : vector<1x16xf32> to vector<16xf32>
        %mul3A_964 = arith.mulf %get3A_963, %get3A_959 : vector<16xf32>
        %add3A_965 = arith.addf %add3A_950, %mul3A_964 : vector<16xf32>
        %get3A_966 = arith.index_cast %scan3A_22 : i32 to index
        %get3A_967 = arith.constant 992 : index
        %get3A_968 = tpu.vector_load %arg10[%get3A_966, %get3A_967] {strides = array<i32>} : memref<16x1024xf32, #tpu.memory_space<vmem>>, vector<1x16xf32>,
        %get3A_969 = vector.shape_cast %get3A_968 : vector<1x16xf32> to vector<16xf32>
        %mul3A_970 = arith.mulf %get3A_969, %get3A_959 : vector<16xf32>
        %add3A_971 = arith.addf %add3A_956, %mul3A_970 : vector<16xf32>
        %get3A_972 = arith.constant 1008 : index
        %get3A_973 = tpu.vector_load %arg8[%get3A_972] {strides = array<i32>} : memref<1024xf32, #tpu.memory_space<vmem>>, vector<16xf32>,
        %get3A_974 = vector.shape_cast %get3A_973 : vector<16xf32> to vector<16xf32>
        %get3A_975 = arith.index_cast %scan3A_22 : i32 to index
        %get3A_976 = arith.constant 1008 : index
        %get3A_977 = tpu.vector_load %arg9[%get3A_975, %get3A_976] {strides = array<i32>} : memref<16x1024xf32, #tpu.memory_space<vmem>>, vector<1x16xf32>,
        %get3A_978 = vector.shape_cast %get3A_977 : vector<1x16xf32> to vector<16xf32>
        %mul3A_979 = arith.mulf %get3A_978, %get3A_974 : vector<16xf32>
        %add3A_980 = arith.addf %add3A_965, %mul3A_979 : vector<16xf32>
        %get3A_981 = arith.index_cast %scan3A_22 : i32 to index
        %get3A_982 = arith.constant 1008 : index
        %get3A_983 = tpu.vector_load %arg10[%get3A_981, %get3A_982] {strides = array<i32>} : memref<16x1024xf32, #tpu.memory_space<vmem>>, vector<1x16xf32>,
        %get3A_984 = vector.shape_cast %get3A_983 : vector<1x16xf32> to vector<16xf32>
        %mul3A_985 = arith.mulf %get3A_984, %get3A_974 : vector<16xf32>
        %add3A_986 = arith.addf %add3A_971, %mul3A_985 : vector<16xf32>
        %iota3A_987 = tpu.iota {dimensions = array<i32: 0>} : vector<16xi32>
        %xor3A = arith.constant 1 : i32
        %xor3A_988 = vector.broadcast %xor3A : i32 to vector<16xi32>
        %xor3A_989 = arith.xori %iota3A_987, %xor3A_988 : vector<16xi32>
        %broadcast_in_dim3A_990 = vector.shape_cast %xor3A_989 : vector<16xi32> to vector<16x1xi32>
        %gather3A = vector.shape_cast %broadcast_in_dim3A_990 : vector<16x1xi32> to vector<16xi32>
        %gather3A_991 = tpu.dynamic_gather %add3A_980[%gather3A] in [0] : vector<16xf32>, vector<16xi32> -> vector<16xf32>
        %add3A_992 = arith.addf %add3A_980, %gather3A_991 : vector<16xf32>
        %xor3A_993 = arith.constant 2 : i32
        %xor3A_994 = vector.broadcast %xor3A_993 : i32 to vector<16xi32>
        %xor3A_995 = arith.xori %iota3A_987, %xor3A_994 : vector<16xi32>
        %broadcast_in_dim3A_996 = vector.shape_cast %xor3A_995 : vector<16xi32> to vector<16x1xi32>
        %gather3A_997 = vector.shape_cast %broadcast_in_dim3A_996 : vector<16x1xi32> to vector<16xi32>
        %gather3A_998 = tpu.dynamic_gather %add3A_992[%gather3A_997] in [0] : vector<16xf32>, vector<16xi32> -> vector<16xf32>
        %add3A_999 = arith.addf %add3A_992, %gather3A_998 : vector<16xf32>
        %xor3A_1000 = arith.constant 4 : i32
        %xor3A_1001 = vector.broadcast %xor3A_1000 : i32 to vector<16xi32>
        %xor3A_1002 = arith.xori %iota3A_987, %xor3A_1001 : vector<16xi32>
        %broadcast_in_dim3A_1003 = vector.shape_cast %xor3A_1002 : vector<16xi32> to vector<16x1xi32>
        %gather3A_1004 = vector.shape_cast %broadcast_in_dim3A_1003 : vector<16x1xi32> to vector<16xi32>
        %gather3A_1005 = tpu.dynamic_gather %add3A_999[%gather3A_1004] in [0] : vector<16xf32>, vector<16xi32> -> vector<16xf32>
        %add3A_1006 = arith.addf %add3A_999, %gather3A_1005 : vector<16xf32>
        %xor3A_1007 = arith.constant 8 : i32
        %xor3A_1008 = vector.broadcast %xor3A_1007 : i32 to vector<16xi32>
        %xor3A_1009 = arith.xori %iota3A_987, %xor3A_1008 : vector<16xi32>
        %broadcast_in_dim3A_1010 = vector.shape_cast %xor3A_1009 : vector<16xi32> to vector<16x1xi32>
        %gather3A_1011 = vector.shape_cast %broadcast_in_dim3A_1010 : vector<16x1xi32> to vector<16xi32>
        %gather3A_1012 = tpu.dynamic_gather %add3A_1006[%gather3A_1011] in [0] : vector<16xf32>, vector<16xi32> -> vector<16xf32>
        %add3A_1013 = arith.addf %add3A_1006, %gather3A_1012 : vector<16xf32>
        %iota3A_1014 = tpu.iota {dimensions = array<i32: 0>} : vector<16xi32>
        %xor3A_1015 = arith.constant 1 : i32
        %xor3A_1016 = vector.broadcast %xor3A_1015 : i32 to vector<16xi32>
        %xor3A_1017 = arith.xori %iota3A_1014, %xor3A_1016 : vector<16xi32>
        %broadcast_in_dim3A_1018 = vector.shape_cast %xor3A_1017 : vector<16xi32> to vector<16x1xi32>
        %gather3A_1019 = vector.shape_cast %broadcast_in_dim3A_1018 : vector<16x1xi32> to vector<16xi32>
        %gather3A_1020 = tpu.dynamic_gather %add3A_986[%gather3A_1019] in [0] : vector<16xf32>, vector<16xi32> -> vector<16xf32>
        %add3A_1021 = arith.addf %add3A_986, %gather3A_1020 : vector<16xf32>
        %xor3A_1022 = arith.constant 2 : i32
        %xor3A_1023 = vector.broadcast %xor3A_1022 : i32 to vector<16xi32>
        %xor3A_1024 = arith.xori %iota3A_1014, %xor3A_1023 : vector<16xi32>
        %broadcast_in_dim3A_1025 = vector.shape_cast %xor3A_1024 : vector<16xi32> to vector<16x1xi32>
        %gather3A_1026 = vector.shape_cast %broadcast_in_dim3A_1025 : vector<16x1xi32> to vector<16xi32>
        %gather3A_1027 = tpu.dynamic_gather %add3A_1021[%gather3A_1026] in [0] : vector<16xf32>, vector<16xi32> -> vector<16xf32>
        %add3A_1028 = arith.addf %add3A_1021, %gather3A_1027 : vector<16xf32>
        %xor3A_1029 = arith.constant 4 : i32
        %xor3A_1030 = vector.broadcast %xor3A_1029 : i32 to vector<16xi32>
        %xor3A_1031 = arith.xori %iota3A_1014, %xor3A_1030 : vector<16xi32>
        %broadcast_in_dim3A_1032 = vector.shape_cast %xor3A_1031 : vector<16xi32> to vector<16x1xi32>
        %gather3A_1033 = vector.shape_cast %broadcast_in_dim3A_1032 : vector<16x1xi32> to vector<16xi32>
        %gather3A_1034 = tpu.dynamic_gather %add3A_1028[%gather3A_1033] in [0] : vector<16xf32>, vector<16xi32> -> vector<16xf32>
        %add3A_1035 = arith.addf %add3A_1028, %gather3A_1034 : vector<16xf32>
        %xor3A_1036 = arith.constant 8 : i32
        %xor3A_1037 = vector.broadcast %xor3A_1036 : i32 to vector<16xi32>
        %xor3A_1038 = arith.xori %iota3A_1014, %xor3A_1037 : vector<16xi32>
        %broadcast_in_dim3A_1039 = vector.shape_cast %xor3A_1038 : vector<16xi32> to vector<16x1xi32>
        %gather3A_1040 = vector.shape_cast %broadcast_in_dim3A_1039 : vector<16x1xi32> to vector<16xi32>
        %gather3A_1041 = tpu.dynamic_gather %add3A_1035[%gather3A_1040] in [0] : vector<16xf32>, vector<16xi32> -> vector<16xf32>
        %add3A_1042 = arith.addf %add3A_1035, %gather3A_1041 : vector<16xf32>
        %neg3A = arith.constant 0.000000e+00 : f32
        %neg3A_1043 = vector.broadcast %neg3A : f32 to vector<16xf32>
        %neg3A_1044 = arith.subf %neg3A_1043, %add3A_1013 : vector<16xf32>
        %exp3A = math.exp %neg3A_1044 : vector<16xf32>
        %add3A_1045 = arith.constant 1.000000e+00 : f32
        %add3A_1046 = vector.broadcast %add3A_1045 : f32 to vector<16xf32>
        %add3A_1047 = arith.addf %add3A_1046, %exp3A : vector<16xf32>
        %div3A = arith.constant 1.000000e+00 : f32
        %div3A_1048 = vector.broadcast %div3A : f32 to vector<16xf32>
        %div3A_1049 = arith.divf %div3A_1048, %add3A_1047 : vector<16xf32>
        %neg3A_1050 = arith.constant 0.000000e+00 : f32
        %neg3A_1051 = vector.broadcast %neg3A_1050 : f32 to vector<16xf32>
        %neg3A_1052 = arith.subf %neg3A_1051, %add3A_1042 : vector<16xf32>
        %exp3A_1053 = math.exp %neg3A_1052 : vector<16xf32>
        %add3A_1054 = arith.constant 1.000000e+00 : f32
        %add3A_1055 = vector.broadcast %add3A_1054 : f32 to vector<16xf32>
        %add3A_1056 = arith.addf %add3A_1055, %exp3A_1053 : vector<16xf32>
        %div3A_1057 = arith.constant 1.000000e+00 : f32
        %div3A_1058 = vector.broadcast %div3A_1057 : f32 to vector<16xf32>
        %div3A_1059 = arith.divf %div3A_1058, %add3A_1056 : vector<16xf32>
        %ge3A = arith.constant 9.990000e-01 : f32
        %ge3A_1060 = vector.broadcast %ge3A : f32 to vector<16xf32>
        %ge3A_1061 = arith.cmpf oge, %div3A_1049, %ge3A_1060 : vector<16xf32>
        %sub3A = arith.constant 1.000000e+00 : f32
        %sub3A_1062 = vector.broadcast %sub3A : f32 to vector<16xf32>
        %sub3A_1063 = arith.subf %sub3A_1062, %div3A_1049 : vector<16xf32>
        %mul3A_1064 = arith.mulf %sub3A_1063, %div3A_1059 : vector<16xf32>
        %jit3A = arith.constant 0.000000e+00 : f32
        %broadcast_in_dim3A_1065 = vector.broadcast %jit3A : f32 to vector<16xf32>
        %select_n3A = arith.select %ge3A_1061, %broadcast_in_dim3A_1065, %mul3A_1064 : vector<16xi1>, vector<16xf32>
        %add3A_1066 = arith.addf %div3A_1049, %select_n3A : vector<16xf32>
        %sub3A_1067 = arith.constant 1.000000e+00 : f32
        %sub3A_1068 = vector.broadcast %sub3A_1067 : f32 to vector<16xf32>
        %sub3A_1069 = arith.subf %sub3A_1068, %add3A_1066 : vector<16xf32>
        %ge3A_1070 = arith.constant 9.990000e-01 : f32
        %ge3A_1071 = vector.broadcast %ge3A_1070 : f32 to vector<16xf32>
        %ge3A_1072 = arith.cmpf oge, %add3A_1066, %ge3A_1071 : vector<16xf32>
        %jit3A_1073 = arith.constant 0.000000e+00 : f32
        %broadcast_in_dim3A_1074 = vector.broadcast %jit3A_1073 : f32 to vector<16xf32>
        %select_n3A_1075 = arith.select %ge3A_1072, %broadcast_in_dim3A_1074, %sub3A_1069 : vector<16xi1>, vector<16xf32>
        %get3A_1076 = arith.index_cast %scan3A_22 : i32 to index
        %get3A_1077 = arith.constant 0 : index
        %get3A_1078 = tpu.vector_load %arg9[%get3A_1076, %get3A_1077] {strides = array<i32>} : memref<16x1024xf32, #tpu.memory_space<vmem>>, vector<1x16xf32>,
        %get3A_1079 = vector.shape_cast %get3A_1078 : vector<1x16xf32> to vector<16xf32>
        %mul3A_1080 = arith.mulf %div3A_1049, %get3A_1079 : vector<16xf32>
        %get3A_1081 = arith.index_cast %scan3A_22 : i32 to index
        %get3A_1082 = arith.constant 0 : index
        %get3A_1083 = tpu.vector_load %arg10[%get3A_1081, %get3A_1082] {strides = array<i32>} : memref<16x1024xf32, #tpu.memory_space<vmem>>, vector<1x16xf32>,
        %get3A_1084 = vector.shape_cast %get3A_1083 : vector<1x16xf32> to vector<16xf32>
        %mul3A_1085 = arith.mulf %select_n3A, %get3A_1084 : vector<16xf32>
        %add3A_1086 = arith.addf %mul3A_1080, %mul3A_1085 : vector<16xf32>
        %get3A_1087 = arith.index_cast %scan3A_22 : i32 to index
        %get3A_1088 = arith.constant 0 : index
        %get3A_1089 = tpu.vector_load %arg11[%get3A_1087, %get3A_1088] {strides = array<i32>} : memref<16x1024xf32, #tpu.memory_space<vmem>>, vector<1x16xf32>,
        %get3A_1090 = vector.shape_cast %get3A_1089 : vector<1x16xf32> to vector<16xf32>
        %mul3A_1091 = arith.mulf %select_n3A_1075, %get3A_1090 : vector<16xf32>
        %add3A_1092 = arith.addf %add3A_1086, %mul3A_1091 : vector<16xf32>
        %swap3A_1093 = arith.index_cast %scan3A_22 : i32 to index
        %swap3A_1094 = arith.constant 0 : index
        %swap3A_1095 = tpu.vector_load %arg12[%swap3A_1093, %swap3A_1094] {strides = array<i32>} : memref<16x1024xf32, #tpu.memory_space<vmem>>, vector<1x16xf32>,
        %swap3A_1096 = vector.shape_cast %swap3A_1095 : vector<1x16xf32> to vector<16xf32>
        %swap3A_1097 = vector.shape_cast %add3A_1092 : vector<16xf32> to vector<1x16xf32>
        tpu.vector_store %arg12[%swap3A_1093, %swap3A_1094], %swap3A_1097 {strides = array<i32>} : memref<16x1024xf32, #tpu.memory_space<vmem>>, vector<1x16xf32>,
        %get3A_1098 = arith.index_cast %scan3A_22 : i32 to index
        %get3A_1099 = arith.constant 16 : index
        %get3A_1100 = tpu.vector_load %arg9[%get3A_1098, %get3A_1099] {strides = array<i32>} : memref<16x1024xf32, #tpu.memory_space<vmem>>, vector<1x16xf32>,
        %get3A_1101 = vector.shape_cast %get3A_1100 : vector<1x16xf32> to vector<16xf32>
        %mul3A_1102 = arith.mulf %div3A_1049, %get3A_1101 : vector<16xf32>
        %get3A_1103 = arith.index_cast %scan3A_22 : i32 to index
        %get3A_1104 = arith.constant 16 : index
        %get3A_1105 = tpu.vector_load %arg10[%get3A_1103, %get3A_1104] {strides = array<i32>} : memref<16x1024xf32, #tpu.memory_space<vmem>>, vector<1x16xf32>,
        %get3A_1106 = vector.shape_cast %get3A_1105 : vector<1x16xf32> to vector<16xf32>
        %mul3A_1107 = arith.mulf %select_n3A, %get3A_1106 : vector<16xf32>
        %add3A_1108 = arith.addf %mul3A_1102, %mul3A_1107 : vector<16xf32>
        %get3A_1109 = arith.index_cast %scan3A_22 : i32 to index
        %get3A_1110 = arith.constant 16 : index
        %get3A_1111 = tpu.vector_load %arg11[%get3A_1109, %get3A_1110] {strides = array<i32>} : memref<16x1024xf32, #tpu.memory_space<vmem>>, vector<1x16xf32>,
        %get3A_1112 = vector.shape_cast %get3A_1111 : vector<1x16xf32> to vector<16xf32>
        %mul3A_1113 = arith.mulf %select_n3A_1075, %get3A_1112 : vector<16xf32>
        %add3A_1114 = arith.addf %add3A_1108, %mul3A_1113 : vector<16xf32>
        %swap3A_1115 = arith.index_cast %scan3A_22 : i32 to index
        %swap3A_1116 = arith.constant 16 : index
        %swap3A_1117 = tpu.vector_load %arg12[%swap3A_1115, %swap3A_1116] {strides = array<i32>} : memref<16x1024xf32, #tpu.memory_space<vmem>>, vector<1x16xf32>,
        %swap3A_1118 = vector.shape_cast %swap3A_1117 : vector<1x16xf32> to vector<16xf32>
        %swap3A_1119 = vector.shape_cast %add3A_1114 : vector<16xf32> to vector<1x16xf32>
        tpu.vector_store %arg12[%swap3A_1115, %swap3A_1116], %swap3A_1119 {strides = array<i32>} : memref<16x1024xf32, #tpu.memory_space<vmem>>, vector<1x16xf32>,
        %get3A_1120 = arith.index_cast %scan3A_22 : i32 to index
        %get3A_1121 = arith.constant 32 : index
        %get3A_1122 = tpu.vector_load %arg9[%get3A_1120, %get3A_1121] {strides = array<i32>} : memref<16x1024xf32, #tpu.memory_space<vmem>>, vector<1x16xf32>,
        %get3A_1123 = vector.shape_cast %get3A_1122 : vector<1x16xf32> to vector<16xf32>
        %mul3A_1124 = arith.mulf %div3A_1049, %get3A_1123 : vector<16xf32>
        %get3A_1125 = arith.index_cast %scan3A_22 : i32 to index
        %get3A_1126 = arith.constant 32 : index
        %get3A_1127 = tpu.vector_load %arg10[%get3A_1125, %get3A_1126] {strides = array<i32>} : memref<16x1024xf32, #tpu.memory_space<vmem>>, vector<1x16xf32>,
        %get3A_1128 = vector.shape_cast %get3A_1127 : vector<1x16xf32> to vector<16xf32>
        %mul3A_1129 = arith.mulf %select_n3A, %get3A_1128 : vector<16xf32>
        %add3A_1130 = arith.addf %mul3A_1124, %mul3A_1129 : vector<16xf32>
        %get3A_1131 = arith.index_cast %scan3A_22 : i32 to index
        %get3A_1132 = arith.constant 32 : index
        %get3A_1133 = tpu.vector_load %arg11[%get3A_1131, %get3A_1132] {strides = array<i32>} : memref<16x1024xf32, #tpu.memory_space<vmem>>, vector<1x16xf32>,
        %get3A_1134 = vector.shape_cast %get3A_1133 : vector<1x16xf32> to vector<16xf32>
        %mul3A_1135 = arith.mulf %select_n3A_1075, %get3A_1134 : vector<16xf32>
        %add3A_1136 = arith.addf %add3A_1130, %mul3A_1135 : vector<16xf32>
        %swap3A_1137 = arith.index_cast %scan3A_22 : i32 to index
        %swap3A_1138 = arith.constant 32 : index
        %swap3A_1139 = tpu.vector_load %arg12[%swap3A_1137, %swap3A_1138] {strides = array<i32>} : memref<16x1024xf32, #tpu.memory_space<vmem>>, vector<1x16xf32>,
        %swap3A_1140 = vector.shape_cast %swap3A_1139 : vector<1x16xf32> to vector<16xf32>
        %swap3A_1141 = vector.shape_cast %add3A_1136 : vector<16xf32> to vector<1x16xf32>
        tpu.vector_store %arg12[%swap3A_1137, %swap3A_1138], %swap3A_1141 {strides = array<i32>} : memref<16x1024xf32, #tpu.memory_space<vmem>>, vector<1x16xf32>,
        %get3A_1142 = arith.index_cast %scan3A_22 : i32 to index
        %get3A_1143 = arith.constant 48 : index
        %get3A_1144 = tpu.vector_load %arg9[%get3A_1142, %get3A_1143] {strides = array<i32>} : memref<16x1024xf32, #tpu.memory_space<vmem>>, vector<1x16xf32>,
        %get3A_1145 = vector.shape_cast %get3A_1144 : vector<1x16xf32> to vector<16xf32>
        %mul3A_1146 = arith.mulf %div3A_1049, %get3A_1145 : vector<16xf32>
        %get3A_1147 = arith.index_cast %scan3A_22 : i32 to index
        %get3A_1148 = arith.constant 48 : index
        %get3A_1149 = tpu.vector_load %arg10[%get3A_1147, %get3A_1148] {strides = array<i32>} : memref<16x1024xf32, #tpu.memory_space<vmem>>, vector<1x16xf32>,
        %get3A_1150 = vector.shape_cast %get3A_1149 : vector<1x16xf32> to vector<16xf32>
        %mul3A_1151 = arith.mulf %select_n3A, %get3A_1150 : vector<16xf32>
        %add3A_1152 = arith.addf %mul3A_1146, %mul3A_1151 : vector<16xf32>
        %get3A_1153 = arith.index_cast %scan3A_22 : i32 to index
        %get3A_1154 = arith.constant 48 : index
        %get3A_1155 = tpu.vector_load %arg11[%get3A_1153, %get3A_1154] {strides = array<i32>} : memref<16x1024xf32, #tpu.memory_space<vmem>>, vector<1x16xf32>,
        %get3A_1156 = vector.shape_cast %get3A_1155 : vector<1x16xf32> to vector<16xf32>
        %mul3A_1157 = arith.mulf %select_n3A_1075, %get3A_1156 : vector<16xf32>
        %add3A_1158 = arith.addf %add3A_1152, %mul3A_1157 : vector<16xf32>
        %swap3A_1159 = arith.index_cast %scan3A_22 : i32 to index
        %swap3A_1160 = arith.constant 48 : index
        %swap3A_1161 = tpu.vector_load %arg12[%swap3A_1159, %swap3A_1160] {strides = array<i32>} : memref<16x1024xf32, #tpu.memory_space<vmem>>, vector<1x16xf32>,
        %swap3A_1162 = vector.shape_cast %swap3A_1161 : vector<1x16xf32> to vector<16xf32>
        %swap3A_1163 = vector.shape_cast %add3A_1158 : vector<16xf32> to vector<1x16xf32>
        tpu.vector_store %arg12[%swap3A_1159, %swap3A_1160], %swap3A_1163 {strides = array<i32>} : memref<16x1024xf32, #tpu.memory_space<vmem>>, vector<1x16xf32>,
        %get3A_1164 = arith.index_cast %scan3A_22 : i32 to index
        %get3A_1165 = arith.constant 64 : index
        %get3A_1166 = tpu.vector_load %arg9[%get3A_1164, %get3A_1165] {strides = array<i32>} : memref<16x1024xf32, #tpu.memory_space<vmem>>, vector<1x16xf32>,
        %get3A_1167 = vector.shape_cast %get3A_1166 : vector<1x16xf32> to vector<16xf32>
        %mul3A_1168 = arith.mulf %div3A_1049, %get3A_1167 : vector<16xf32>
        %get3A_1169 = arith.index_cast %scan3A_22 : i32 to index
        %get3A_1170 = arith.constant 64 : index
        %get3A_1171 = tpu.vector_load %arg10[%get3A_1169, %get3A_1170] {strides = array<i32>} : memref<16x1024xf32, #tpu.memory_space<vmem>>, vector<1x16xf32>,
        %get3A_1172 = vector.shape_cast %get3A_1171 : vector<1x16xf32> to vector<16xf32>
        %mul3A_1173 = arith.mulf %select_n3A, %get3A_1172 : vector<16xf32>
        %add3A_1174 = arith.addf %mul3A_1168, %mul3A_1173 : vector<16xf32>
        %get3A_1175 = arith.index_cast %scan3A_22 : i32 to index
        %get3A_1176 = arith.constant 64 : index
        %get3A_1177 = tpu.vector_load %arg11[%get3A_1175, %get3A_1176] {strides = array<i32>} : memref<16x1024xf32, #tpu.memory_space<vmem>>, vector<1x16xf32>,
        %get3A_1178 = vector.shape_cast %get3A_1177 : vector<1x16xf32> to vector<16xf32>
        %mul3A_1179 = arith.mulf %select_n3A_1075, %get3A_1178 : vector<16xf32>
        %add3A_1180 = arith.addf %add3A_1174, %mul3A_1179 : vector<16xf32>
        %swap3A_1181 = arith.index_cast %scan3A_22 : i32 to index
        %swap3A_1182 = arith.constant 64 : index
        %swap3A_1183 = tpu.vector_load %arg12[%swap3A_1181, %swap3A_1182] {strides = array<i32>} : memref<16x1024xf32, #tpu.memory_space<vmem>>, vector<1x16xf32>,
        %swap3A_1184 = vector.shape_cast %swap3A_1183 : vector<1x16xf32> to vector<16xf32>
        %swap3A_1185 = vector.shape_cast %add3A_1180 : vector<16xf32> to vector<1x16xf32>
        tpu.vector_store %arg12[%swap3A_1181, %swap3A_1182], %swap3A_1185 {strides = array<i32>} : memref<16x1024xf32, #tpu.memory_space<vmem>>, vector<1x16xf32>,
        %get3A_1186 = arith.index_cast %scan3A_22 : i32 to index
        %get3A_1187 = arith.constant 80 : index
        %get3A_1188 = tpu.vector_load %arg9[%get3A_1186, %get3A_1187] {strides = array<i32>} : memref<16x1024xf32, #tpu.memory_space<vmem>>, vector<1x16xf32>,
        %get3A_1189 = vector.shape_cast %get3A_1188 : vector<1x16xf32> to vector<16xf32>
        %mul3A_1190 = arith.mulf %div3A_1049, %get3A_1189 : vector<16xf32>
        %get3A_1191 = arith.index_cast %scan3A_22 : i32 to index
        %get3A_1192 = arith.constant 80 : index
        %get3A_1193 = tpu.vector_load %arg10[%get3A_1191, %get3A_1192] {strides = array<i32>} : memref<16x1024xf32, #tpu.memory_space<vmem>>, vector<1x16xf32>,
        %get3A_1194 = vector.shape_cast %get3A_1193 : vector<1x16xf32> to vector<16xf32>
        %mul3A_1195 = arith.mulf %select_n3A, %get3A_1194 : vector<16xf32>
        %add3A_1196 = arith.addf %mul3A_1190, %mul3A_1195 : vector<16xf32>
        %get3A_1197 = arith.index_cast %scan3A_22 : i32 to index
        %get3A_1198 = arith.constant 80 : index
        %get3A_1199 = tpu.vector_load %arg11[%get3A_1197, %get3A_1198] {strides = array<i32>} : memref<16x1024xf32, #tpu.memory_space<vmem>>, vector<1x16xf32>,
        %get3A_1200 = vector.shape_cast %get3A_1199 : vector<1x16xf32> to vector<16xf32>
        %mul3A_1201 = arith.mulf %select_n3A_1075, %get3A_1200 : vector<16xf32>
        %add3A_1202 = arith.addf %add3A_1196, %mul3A_1201 : vector<16xf32>
        %swap3A_1203 = arith.index_cast %scan3A_22 : i32 to index
        %swap3A_1204 = arith.constant 80 : index
        %swap3A_1205 = tpu.vector_load %arg12[%swap3A_1203, %swap3A_1204] {strides = array<i32>} : memref<16x1024xf32, #tpu.memory_space<vmem>>, vector<1x16xf32>,
        %swap3A_1206 = vector.shape_cast %swap3A_1205 : vector<1x16xf32> to vector<16xf32>
        %swap3A_1207 = vector.shape_cast %add3A_1202 : vector<16xf32> to vector<1x16xf32>
        tpu.vector_store %arg12[%swap3A_1203, %swap3A_1204], %swap3A_1207 {strides = array<i32>} : memref<16x1024xf32, #tpu.memory_space<vmem>>, vector<1x16xf32>,
        %get3A_1208 = arith.index_cast %scan3A_22 : i32 to index
        %get3A_1209 = arith.constant 96 : index
        %get3A_1210 = tpu.vector_load %arg9[%get3A_1208, %get3A_1209] {strides = array<i32>} : memref<16x1024xf32, #tpu.memory_space<vmem>>, vector<1x16xf32>,
        %get3A_1211 = vector.shape_cast %get3A_1210 : vector<1x16xf32> to vector<16xf32>
        %mul3A_1212 = arith.mulf %div3A_1049, %get3A_1211 : vector<16xf32>
        %get3A_1213 = arith.index_cast %scan3A_22 : i32 to index
        %get3A_1214 = arith.constant 96 : index
        %get3A_1215 = tpu.vector_load %arg10[%get3A_1213, %get3A_1214] {strides = array<i32>} : memref<16x1024xf32, #tpu.memory_space<vmem>>, vector<1x16xf32>,
        %get3A_1216 = vector.shape_cast %get3A_1215 : vector<1x16xf32> to vector<16xf32>
        %mul3A_1217 = arith.mulf %select_n3A, %get3A_1216 : vector<16xf32>
        %add3A_1218 = arith.addf %mul3A_1212, %mul3A_1217 : vector<16xf32>
        %get3A_1219 = arith.index_cast %scan3A_22 : i32 to index
        %get3A_1220 = arith.constant 96 : index
        %get3A_1221 = tpu.vector_load %arg11[%get3A_1219, %get3A_1220] {strides = array<i32>} : memref<16x1024xf32, #tpu.memory_space<vmem>>, vector<1x16xf32>,
        %get3A_1222 = vector.shape_cast %get3A_1221 : vector<1x16xf32> to vector<16xf32>
        %mul3A_1223 = arith.mulf %select_n3A_1075, %get3A_1222 : vector<16xf32>
        %add3A_1224 = arith.addf %add3A_1218, %mul3A_1223 : vector<16xf32>
        %swap3A_1225 = arith.index_cast %scan3A_22 : i32 to index
        %swap3A_1226 = arith.constant 96 : index
        %swap3A_1227 = tpu.vector_load %arg12[%swap3A_1225, %swap3A_1226] {strides = array<i32>} : memref<16x1024xf32, #tpu.memory_space<vmem>>, vector<1x16xf32>,
        %swap3A_1228 = vector.shape_cast %swap3A_1227 : vector<1x16xf32> to vector<16xf32>
        %swap3A_1229 = vector.shape_cast %add3A_1224 : vector<16xf32> to vector<1x16xf32>
        tpu.vector_store %arg12[%swap3A_1225, %swap3A_1226], %swap3A_1229 {strides = array<i32>} : memref<16x1024xf32, #tpu.memory_space<vmem>>, vector<1x16xf32>,
        %get3A_1230 = arith.index_cast %scan3A_22 : i32 to index
        %get3A_1231 = arith.constant 112 : index
        %get3A_1232 = tpu.vector_load %arg9[%get3A_1230, %get3A_1231] {strides = array<i32>} : memref<16x1024xf32, #tpu.memory_space<vmem>>, vector<1x16xf32>,
        %get3A_1233 = vector.shape_cast %get3A_1232 : vector<1x16xf32> to vector<16xf32>
        %mul3A_1234 = arith.mulf %div3A_1049, %get3A_1233 : vector<16xf32>
        %get3A_1235 = arith.index_cast %scan3A_22 : i32 to index
        %get3A_1236 = arith.constant 112 : index
        %get3A_1237 = tpu.vector_load %arg10[%get3A_1235, %get3A_1236] {strides = array<i32>} : memref<16x1024xf32, #tpu.memory_space<vmem>>, vector<1x16xf32>,
        %get3A_1238 = vector.shape_cast %get3A_1237 : vector<1x16xf32> to vector<16xf32>
        %mul3A_1239 = arith.mulf %select_n3A, %get3A_1238 : vector<16xf32>
        %add3A_1240 = arith.addf %mul3A_1234, %mul3A_1239 : vector<16xf32>
        %get3A_1241 = arith.index_cast %scan3A_22 : i32 to index
        %get3A_1242 = arith.constant 112 : index
        %get3A_1243 = tpu.vector_load %arg11[%get3A_1241, %get3A_1242] {strides = array<i32>} : memref<16x1024xf32, #tpu.memory_space<vmem>>, vector<1x16xf32>,
        %get3A_1244 = vector.shape_cast %get3A_1243 : vector<1x16xf32> to vector<16xf32>
        %mul3A_1245 = arith.mulf %select_n3A_1075, %get3A_1244 : vector<16xf32>
        %add3A_1246 = arith.addf %add3A_1240, %mul3A_1245 : vector<16xf32>
        %swap3A_1247 = arith.index_cast %scan3A_22 : i32 to index
        %swap3A_1248 = arith.constant 112 : index
        %swap3A_1249 = tpu.vector_load %arg12[%swap3A_1247, %swap3A_1248] {strides = array<i32>} : memref<16x1024xf32, #tpu.memory_space<vmem>>, vector<1x16xf32>,
        %swap3A_1250 = vector.shape_cast %swap3A_1249 : vector<1x16xf32> to vector<16xf32>
        %swap3A_1251 = vector.shape_cast %add3A_1246 : vector<16xf32> to vector<1x16xf32>
        tpu.vector_store %arg12[%swap3A_1247, %swap3A_1248], %swap3A_1251 {strides = array<i32>} : memref<16x1024xf32, #tpu.memory_space<vmem>>, vector<1x16xf32>,
        %get3A_1252 = arith.index_cast %scan3A_22 : i32 to index
        %get3A_1253 = arith.constant 128 : index
        %get3A_1254 = tpu.vector_load %arg9[%get3A_1252, %get3A_1253] {strides = array<i32>} : memref<16x1024xf32, #tpu.memory_space<vmem>>, vector<1x16xf32>,
        %get3A_1255 = vector.shape_cast %get3A_1254 : vector<1x16xf32> to vector<16xf32>
        %mul3A_1256 = arith.mulf %div3A_1049, %get3A_1255 : vector<16xf32>
        %get3A_1257 = arith.index_cast %scan3A_22 : i32 to index
        %get3A_1258 = arith.constant 128 : index
        %get3A_1259 = tpu.vector_load %arg10[%get3A_1257, %get3A_1258] {strides = array<i32>} : memref<16x1024xf32, #tpu.memory_space<vmem>>, vector<1x16xf32>,
        %get3A_1260 = vector.shape_cast %get3A_1259 : vector<1x16xf32> to vector<16xf32>
        %mul3A_1261 = arith.mulf %select_n3A, %get3A_1260 : vector<16xf32>
        %add3A_1262 = arith.addf %mul3A_1256, %mul3A_1261 : vector<16xf32>
        %get3A_1263 = arith.index_cast %scan3A_22 : i32 to index
        %get3A_1264 = arith.constant 128 : index
        %get3A_1265 = tpu.vector_load %arg11[%get3A_1263, %get3A_1264] {strides = array<i32>} : memref<16x1024xf32, #tpu.memory_space<vmem>>, vector<1x16xf32>,
        %get3A_1266 = vector.shape_cast %get3A_1265 : vector<1x16xf32> to vector<16xf32>
        %mul3A_1267 = arith.mulf %select_n3A_1075, %get3A_1266 : vector<16xf32>
        %add3A_1268 = arith.addf %add3A_1262, %mul3A_1267 : vector<16xf32>
        %swap3A_1269 = arith.index_cast %scan3A_22 : i32 to index
        %swap3A_1270 = arith.constant 128 : index
        %swap3A_1271 = tpu.vector_load %arg12[%swap3A_1269, %swap3A_1270] {strides = array<i32>} : memref<16x1024xf32, #tpu.memory_space<vmem>>, vector<1x16xf32>,
        %swap3A_1272 = vector.shape_cast %swap3A_1271 : vector<1x16xf32> to vector<16xf32>
        %swap3A_1273 = vector.shape_cast %add3A_1268 : vector<16xf32> to vector<1x16xf32>
        tpu.vector_store %arg12[%swap3A_1269, %swap3A_1270], %swap3A_1273 {strides = array<i32>} : memref<16x1024xf32, #tpu.memory_space<vmem>>, vector<1x16xf32>,
        %get3A_1274 = arith.index_cast %scan3A_22 : i32 to index
        %get3A_1275 = arith.constant 144 : index
        %get3A_1276 = tpu.vector_load %arg9[%get3A_1274, %get3A_1275] {strides = array<i32>} : memref<16x1024xf32, #tpu.memory_space<vmem>>, vector<1x16xf32>,
        %get3A_1277 = vector.shape_cast %get3A_1276 : vector<1x16xf32> to vector<16xf32>
        %mul3A_1278 = arith.mulf %div3A_1049, %get3A_1277 : vector<16xf32>
        %get3A_1279 = arith.index_cast %scan3A_22 : i32 to index
        %get3A_1280 = arith.constant 144 : index
        %get3A_1281 = tpu.vector_load %arg10[%get3A_1279, %get3A_1280] {strides = array<i32>} : memref<16x1024xf32, #tpu.memory_space<vmem>>, vector<1x16xf32>,
        %get3A_1282 = vector.shape_cast %get3A_1281 : vector<1x16xf32> to vector<16xf32>
        %mul3A_1283 = arith.mulf %select_n3A, %get3A_1282 : vector<16xf32>
        %add3A_1284 = arith.addf %mul3A_1278, %mul3A_1283 : vector<16xf32>
        %get3A_1285 = arith.index_cast %scan3A_22 : i32 to index
        %get3A_1286 = arith.constant 144 : index
        %get3A_1287 = tpu.vector_load %arg11[%get3A_1285, %get3A_1286] {strides = array<i32>} : memref<16x1024xf32, #tpu.memory_space<vmem>>, vector<1x16xf32>,
        %get3A_1288 = vector.shape_cast %get3A_1287 : vector<1x16xf32> to vector<16xf32>
        %mul3A_1289 = arith.mulf %select_n3A_1075, %get3A_1288 : vector<16xf32>
        %add3A_1290 = arith.addf %add3A_1284, %mul3A_1289 : vector<16xf32>
        %swap3A_1291 = arith.index_cast %scan3A_22 : i32 to index
        %swap3A_1292 = arith.constant 144 : index
        %swap3A_1293 = tpu.vector_load %arg12[%swap3A_1291, %swap3A_1292] {strides = array<i32>} : memref<16x1024xf32, #tpu.memory_space<vmem>>, vector<1x16xf32>,
        %swap3A_1294 = vector.shape_cast %swap3A_1293 : vector<1x16xf32> to vector<16xf32>
        %swap3A_1295 = vector.shape_cast %add3A_1290 : vector<16xf32> to vector<1x16xf32>
        tpu.vector_store %arg12[%swap3A_1291, %swap3A_1292], %swap3A_1295 {strides = array<i32>} : memref<16x1024xf32, #tpu.memory_space<vmem>>, vector<1x16xf32>,
        %get3A_1296 = arith.index_cast %scan3A_22 : i32 to index
        %get3A_1297 = arith.constant 160 : index
        %get3A_1298 = tpu.vector_load %arg9[%get3A_1296, %get3A_1297] {strides = array<i32>} : memref<16x1024xf32, #tpu.memory_space<vmem>>, vector<1x16xf32>,
        %get3A_1299 = vector.shape_cast %get3A_1298 : vector<1x16xf32> to vector<16xf32>
        %mul3A_1300 = arith.mulf %div3A_1049, %get3A_1299 : vector<16xf32>
        %get3A_1301 = arith.index_cast %scan3A_22 : i32 to index
        %get3A_1302 = arith.constant 160 : index
        %get3A_1303 = tpu.vector_load %arg10[%get3A_1301, %get3A_1302] {strides = array<i32>} : memref<16x1024xf32, #tpu.memory_space<vmem>>, vector<1x16xf32>,
        %get3A_1304 = vector.shape_cast %get3A_1303 : vector<1x16xf32> to vector<16xf32>
        %mul3A_1305 = arith.mulf %select_n3A, %get3A_1304 : vector<16xf32>
        %add3A_1306 = arith.addf %mul3A_1300, %mul3A_1305 : vector<16xf32>
        %get3A_1307 = arith.index_cast %scan3A_22 : i32 to index
        %get3A_1308 = arith.constant 160 : index
        %get3A_1309 = tpu.vector_load %arg11[%get3A_1307, %get3A_1308] {strides = array<i32>} : memref<16x1024xf32, #tpu.memory_space<vmem>>, vector<1x16xf32>,
        %get3A_1310 = vector.shape_cast %get3A_1309 : vector<1x16xf32> to vector<16xf32>
        %mul3A_1311 = arith.mulf %select_n3A_1075, %get3A_1310 : vector<16xf32>
        %add3A_1312 = arith.addf %add3A_1306, %mul3A_1311 : vector<16xf32>
        %swap3A_1313 = arith.index_cast %scan3A_22 : i32 to index
        %swap3A_1314 = arith.constant 160 : index
        %swap3A_1315 = tpu.vector_load %arg12[%swap3A_1313, %swap3A_1314] {strides = array<i32>} : memref<16x1024xf32, #tpu.memory_space<vmem>>, vector<1x16xf32>,
        %swap3A_1316 = vector.shape_cast %swap3A_1315 : vector<1x16xf32> to vector<16xf32>
        %swap3A_1317 = vector.shape_cast %add3A_1312 : vector<16xf32> to vector<1x16xf32>
        tpu.vector_store %arg12[%swap3A_1313, %swap3A_1314], %swap3A_1317 {strides = array<i32>} : memref<16x1024xf32, #tpu.memory_space<vmem>>, vector<1x16xf32>,
        %get3A_1318 = arith.index_cast %scan3A_22 : i32 to index
        %get3A_1319 = arith.constant 176 : index
        %get3A_1320 = tpu.vector_load %arg9[%get3A_1318, %get3A_1319] {strides = array<i32>} : memref<16x1024xf32, #tpu.memory_space<vmem>>, vector<1x16xf32>,
        %get3A_1321 = vector.shape_cast %get3A_1320 : vector<1x16xf32> to vector<16xf32>
        %mul3A_1322 = arith.mulf %div3A_1049, %get3A_1321 : vector<16xf32>
        %get3A_1323 = arith.index_cast %scan3A_22 : i32 to index
        %get3A_1324 = arith.constant 176 : index
        %get3A_1325 = tpu.vector_load %arg10[%get3A_1323, %get3A_1324] {strides = array<i32>} : memref<16x1024xf32, #tpu.memory_space<vmem>>, vector<1x16xf32>,
        %get3A_1326 = vector.shape_cast %get3A_1325 : vector<1x16xf32> to vector<16xf32>
        %mul3A_1327 = arith.mulf %select_n3A, %get3A_1326 : vector<16xf32>
        %add3A_1328 = arith.addf %mul3A_1322, %mul3A_1327 : vector<16xf32>
        %get3A_1329 = arith.index_cast %scan3A_22 : i32 to index
        %get3A_1330 = arith.constant 176 : index
        %get3A_1331 = tpu.vector_load %arg11[%get3A_1329, %get3A_1330] {strides = array<i32>} : memref<16x1024xf32, #tpu.memory_space<vmem>>, vector<1x16xf32>,
        %get3A_1332 = vector.shape_cast %get3A_1331 : vector<1x16xf32> to vector<16xf32>
        %mul3A_1333 = arith.mulf %select_n3A_1075, %get3A_1332 : vector<16xf32>
        %add3A_1334 = arith.addf %add3A_1328, %mul3A_1333 : vector<16xf32>
        %swap3A_1335 = arith.index_cast %scan3A_22 : i32 to index
        %swap3A_1336 = arith.constant 176 : index
        %swap3A_1337 = tpu.vector_load %arg12[%swap3A_1335, %swap3A_1336] {strides = array<i32>} : memref<16x1024xf32, #tpu.memory_space<vmem>>, vector<1x16xf32>,
        %swap3A_1338 = vector.shape_cast %swap3A_1337 : vector<1x16xf32> to vector<16xf32>
        %swap3A_1339 = vector.shape_cast %add3A_1334 : vector<16xf32> to vector<1x16xf32>
        tpu.vector_store %arg12[%swap3A_1335, %swap3A_1336], %swap3A_1339 {strides = array<i32>} : memref<16x1024xf32, #tpu.memory_space<vmem>>, vector<1x16xf32>,
        %get3A_1340 = arith.index_cast %scan3A_22 : i32 to index
        %get3A_1341 = arith.constant 192 : index
        %get3A_1342 = tpu.vector_load %arg9[%get3A_1340, %get3A_1341] {strides = array<i32>} : memref<16x1024xf32, #tpu.memory_space<vmem>>, vector<1x16xf32>,
        %get3A_1343 = vector.shape_cast %get3A_1342 : vector<1x16xf32> to vector<16xf32>
        %mul3A_1344 = arith.mulf %div3A_1049, %get3A_1343 : vector<16xf32>
        %get3A_1345 = arith.index_cast %scan3A_22 : i32 to index
        %get3A_1346 = arith.constant 192 : index
        %get3A_1347 = tpu.vector_load %arg10[%get3A_1345, %get3A_1346] {strides = array<i32>} : memref<16x1024xf32, #tpu.memory_space<vmem>>, vector<1x16xf32>,
        %get3A_1348 = vector.shape_cast %get3A_1347 : vector<1x16xf32> to vector<16xf32>
        %mul3A_1349 = arith.mulf %select_n3A, %get3A_1348 : vector<16xf32>
        %add3A_1350 = arith.addf %mul3A_1344, %mul3A_1349 : vector<16xf32>
        %get3A_1351 = arith.index_cast %scan3A_22 : i32 to index
        %get3A_1352 = arith.constant 192 : index
        %get3A_1353 = tpu.vector_load %arg11[%get3A_1351, %get3A_1352] {strides = array<i32>} : memref<16x1024xf32, #tpu.memory_space<vmem>>, vector<1x16xf32>,
        %get3A_1354 = vector.shape_cast %get3A_1353 : vector<1x16xf32> to vector<16xf32>
        %mul3A_1355 = arith.mulf %select_n3A_1075, %get3A_1354 : vector<16xf32>
        %add3A_1356 = arith.addf %add3A_1350, %mul3A_1355 : vector<16xf32>
        %swap3A_1357 = arith.index_cast %scan3A_22 : i32 to index
        %swap3A_1358 = arith.constant 192 : index
        %swap3A_1359 = tpu.vector_load %arg12[%swap3A_1357, %swap3A_1358] {strides = array<i32>} : memref<16x1024xf32, #tpu.memory_space<vmem>>, vector<1x16xf32>,
        %swap3A_1360 = vector.shape_cast %swap3A_1359 : vector<1x16xf32> to vector<16xf32>
        %swap3A_1361 = vector.shape_cast %add3A_1356 : vector<16xf32> to vector<1x16xf32>
        tpu.vector_store %arg12[%swap3A_1357, %swap3A_1358], %swap3A_1361 {strides = array<i32>} : memref<16x1024xf32, #tpu.memory_space<vmem>>, vector<1x16xf32>,
        %get3A_1362 = arith.index_cast %scan3A_22 : i32 to index
        %get3A_1363 = arith.constant 208 : index
        %get3A_1364 = tpu.vector_load %arg9[%get3A_1362, %get3A_1363] {strides = array<i32>} : memref<16x1024xf32, #tpu.memory_space<vmem>>, vector<1x16xf32>,
        %get3A_1365 = vector.shape_cast %get3A_1364 : vector<1x16xf32> to vector<16xf32>
        %mul3A_1366 = arith.mulf %div3A_1049, %get3A_1365 : vector<16xf32>
        %get3A_1367 = arith.index_cast %scan3A_22 : i32 to index
        %get3A_1368 = arith.constant 208 : index
        %get3A_1369 = tpu.vector_load %arg10[%get3A_1367, %get3A_1368] {strides = array<i32>} : memref<16x1024xf32, #tpu.memory_space<vmem>>, vector<1x16xf32>,
        %get3A_1370 = vector.shape_cast %get3A_1369 : vector<1x16xf32> to vector<16xf32>
        %mul3A_1371 = arith.mulf %select_n3A, %get3A_1370 : vector<16xf32>
        %add3A_1372 = arith.addf %mul3A_1366, %mul3A_1371 : vector<16xf32>
        %get3A_1373 = arith.index_cast %scan3A_22 : i32 to index
        %get3A_1374 = arith.constant 208 : index
        %get3A_1375 = tpu.vector_load %arg11[%get3A_1373, %get3A_1374] {strides = array<i32>} : memref<16x1024xf32, #tpu.memory_space<vmem>>, vector<1x16xf32>,
        %get3A_1376 = vector.shape_cast %get3A_1375 : vector<1x16xf32> to vector<16xf32>
        %mul3A_1377 = arith.mulf %select_n3A_1075, %get3A_1376 : vector<16xf32>
        %add3A_1378 = arith.addf %add3A_1372, %mul3A_1377 : vector<16xf32>
        %swap3A_1379 = arith.index_cast %scan3A_22 : i32 to index
        %swap3A_1380 = arith.constant 208 : index
        %swap3A_1381 = tpu.vector_load %arg12[%swap3A_1379, %swap3A_1380] {strides = array<i32>} : memref<16x1024xf32, #tpu.memory_space<vmem>>, vector<1x16xf32>,
        %swap3A_1382 = vector.shape_cast %swap3A_1381 : vector<1x16xf32> to vector<16xf32>
        %swap3A_1383 = vector.shape_cast %add3A_1378 : vector<16xf32> to vector<1x16xf32>
        tpu.vector_store %arg12[%swap3A_1379, %swap3A_1380], %swap3A_1383 {strides = array<i32>} : memref<16x1024xf32, #tpu.memory_space<vmem>>, vector<1x16xf32>,
        %get3A_1384 = arith.index_cast %scan3A_22 : i32 to index
        %get3A_1385 = arith.constant 224 : index
        %get3A_1386 = tpu.vector_load %arg9[%get3A_1384, %get3A_1385] {strides = array<i32>} : memref<16x1024xf32, #tpu.memory_space<vmem>>, vector<1x16xf32>,
        %get3A_1387 = vector.shape_cast %get3A_1386 : vector<1x16xf32> to vector<16xf32>
        %mul3A_1388 = arith.mulf %div3A_1049, %get3A_1387 : vector<16xf32>
        %get3A_1389 = arith.index_cast %scan3A_22 : i32 to index
        %get3A_1390 = arith.constant 224 : index
        %get3A_1391 = tpu.vector_load %arg10[%get3A_1389, %get3A_1390] {strides = array<i32>} : memref<16x1024xf32, #tpu.memory_space<vmem>>, vector<1x16xf32>,
        %get3A_1392 = vector.shape_cast %get3A_1391 : vector<1x16xf32> to vector<16xf32>
        %mul3A_1393 = arith.mulf %select_n3A, %get3A_1392 : vector<16xf32>
        %add3A_1394 = arith.addf %mul3A_1388, %mul3A_1393 : vector<16xf32>
        %get3A_1395 = arith.index_cast %scan3A_22 : i32 to index
        %get3A_1396 = arith.constant 224 : index
        %get3A_1397 = tpu.vector_load %arg11[%get3A_1395, %get3A_1396] {strides = array<i32>} : memref<16x1024xf32, #tpu.memory_space<vmem>>, vector<1x16xf32>,
        %get3A_1398 = vector.shape_cast %get3A_1397 : vector<1x16xf32> to vector<16xf32>
        %mul3A_1399 = arith.mulf %select_n3A_1075, %get3A_1398 : vector<16xf32>
        %add3A_1400 = arith.addf %add3A_1394, %mul3A_1399 : vector<16xf32>
        %swap3A_1401 = arith.index_cast %scan3A_22 : i32 to index
        %swap3A_1402 = arith.constant 224 : index
        %swap3A_1403 = tpu.vector_load %arg12[%swap3A_1401, %swap3A_1402] {strides = array<i32>} : memref<16x1024xf32, #tpu.memory_space<vmem>>, vector<1x16xf32>,
        %swap3A_1404 = vector.shape_cast %swap3A_1403 : vector<1x16xf32> to vector<16xf32>
        %swap3A_1405 = vector.shape_cast %add3A_1400 : vector<16xf32> to vector<1x16xf32>
        tpu.vector_store %arg12[%swap3A_1401, %swap3A_1402], %swap3A_1405 {strides = array<i32>} : memref<16x1024xf32, #tpu.memory_space<vmem>>, vector<1x16xf32>,
        %get3A_1406 = arith.index_cast %scan3A_22 : i32 to index
        %get3A_1407 = arith.constant 240 : index
        %get3A_1408 = tpu.vector_load %arg9[%get3A_1406, %get3A_1407] {strides = array<i32>} : memref<16x1024xf32, #tpu.memory_space<vmem>>, vector<1x16xf32>,
        %get3A_1409 = vector.shape_cast %get3A_1408 : vector<1x16xf32> to vector<16xf32>
        %mul3A_1410 = arith.mulf %div3A_1049, %get3A_1409 : vector<16xf32>
        %get3A_1411 = arith.index_cast %scan3A_22 : i32 to index
        %get3A_1412 = arith.constant 240 : index
        %get3A_1413 = tpu.vector_load %arg10[%get3A_1411, %get3A_1412] {strides = array<i32>} : memref<16x1024xf32, #tpu.memory_space<vmem>>, vector<1x16xf32>,
        %get3A_1414 = vector.shape_cast %get3A_1413 : vector<1x16xf32> to vector<16xf32>
        %mul3A_1415 = arith.mulf %select_n3A, %get3A_1414 : vector<16xf32>
        %add3A_1416 = arith.addf %mul3A_1410, %mul3A_1415 : vector<16xf32>
        %get3A_1417 = arith.index_cast %scan3A_22 : i32 to index
        %get3A_1418 = arith.constant 240 : index
        %get3A_1419 = tpu.vector_load %arg11[%get3A_1417, %get3A_1418] {strides = array<i32>} : memref<16x1024xf32, #tpu.memory_space<vmem>>, vector<1x16xf32>,
        %get3A_1420 = vector.shape_cast %get3A_1419 : vector<1x16xf32> to vector<16xf32>
        %mul3A_1421 = arith.mulf %select_n3A_1075, %get3A_1420 : vector<16xf32>
        %add3A_1422 = arith.addf %add3A_1416, %mul3A_1421 : vector<16xf32>
        %swap3A_1423 = arith.index_cast %scan3A_22 : i32 to index
        %swap3A_1424 = arith.constant 240 : index
        %swap3A_1425 = tpu.vector_load %arg12[%swap3A_1423, %swap3A_1424] {strides = array<i32>} : memref<16x1024xf32, #tpu.memory_space<vmem>>, vector<1x16xf32>,
        %swap3A_1426 = vector.shape_cast %swap3A_1425 : vector<1x16xf32> to vector<16xf32>
        %swap3A_1427 = vector.shape_cast %add3A_1422 : vector<16xf32> to vector<1x16xf32>
        tpu.vector_store %arg12[%swap3A_1423, %swap3A_1424], %swap3A_1427 {strides = array<i32>} : memref<16x1024xf32, #tpu.memory_space<vmem>>, vector<1x16xf32>,
        %get3A_1428 = arith.index_cast %scan3A_22 : i32 to index
        %get3A_1429 = arith.constant 256 : index
        %get3A_1430 = tpu.vector_load %arg9[%get3A_1428, %get3A_1429] {strides = array<i32>} : memref<16x1024xf32, #tpu.memory_space<vmem>>, vector<1x16xf32>,
        %get3A_1431 = vector.shape_cast %get3A_1430 : vector<1x16xf32> to vector<16xf32>
        %mul3A_1432 = arith.mulf %div3A_1049, %get3A_1431 : vector<16xf32>
        %get3A_1433 = arith.index_cast %scan3A_22 : i32 to index
        %get3A_1434 = arith.constant 256 : index
        %get3A_1435 = tpu.vector_load %arg10[%get3A_1433, %get3A_1434] {strides = array<i32>} : memref<16x1024xf32, #tpu.memory_space<vmem>>, vector<1x16xf32>,
        %get3A_1436 = vector.shape_cast %get3A_1435 : vector<1x16xf32> to vector<16xf32>
        %mul3A_1437 = arith.mulf %select_n3A, %get3A_1436 : vector<16xf32>
        %add3A_1438 = arith.addf %mul3A_1432, %mul3A_1437 : vector<16xf32>
        %get3A_1439 = arith.index_cast %scan3A_22 : i32 to index
        %get3A_1440 = arith.constant 256 : index
        %get3A_1441 = tpu.vector_load %arg11[%get3A_1439, %get3A_1440] {strides = array<i32>} : memref<16x1024xf32, #tpu.memory_space<vmem>>, vector<1x16xf32>,
        %get3A_1442 = vector.shape_cast %get3A_1441 : vector<1x16xf32> to vector<16xf32>
        %mul3A_1443 = arith.mulf %select_n3A_1075, %get3A_1442 : vector<16xf32>
        %add3A_1444 = arith.addf %add3A_1438, %mul3A_1443 : vector<16xf32>
        %swap3A_1445 = arith.index_cast %scan3A_22 : i32 to index
        %swap3A_1446 = arith.constant 256 : index
        %swap3A_1447 = tpu.vector_load %arg12[%swap3A_1445, %swap3A_1446] {strides = array<i32>} : memref<16x1024xf32, #tpu.memory_space<vmem>>, vector<1x16xf32>,
        %swap3A_1448 = vector.shape_cast %swap3A_1447 : vector<1x16xf32> to vector<16xf32>
        %swap3A_1449 = vector.shape_cast %add3A_1444 : vector<16xf32> to vector<1x16xf32>
        tpu.vector_store %arg12[%swap3A_1445, %swap3A_1446], %swap3A_1449 {strides = array<i32>} : memref<16x1024xf32, #tpu.memory_space<vmem>>, vector<1x16xf32>,
        %get3A_1450 = arith.index_cast %scan3A_22 : i32 to index
        %get3A_1451 = arith.constant 272 : index
        %get3A_1452 = tpu.vector_load %arg9[%get3A_1450, %get3A_1451] {strides = array<i32>} : memref<16x1024xf32, #tpu.memory_space<vmem>>, vector<1x16xf32>,
        %get3A_1453 = vector.shape_cast %get3A_1452 : vector<1x16xf32> to vector<16xf32>
        %mul3A_1454 = arith.mulf %div3A_1049, %get3A_1453 : vector<16xf32>
        %get3A_1455 = arith.index_cast %scan3A_22 : i32 to index
        %get3A_1456 = arith.constant 272 : index
        %get3A_1457 = tpu.vector_load %arg10[%get3A_1455, %get3A_1456] {strides = array<i32>} : memref<16x1024xf32, #tpu.memory_space<vmem>>, vector<1x16xf32>,
        %get3A_1458 = vector.shape_cast %get3A_1457 : vector<1x16xf32> to vector<16xf32>
        %mul3A_1459 = arith.mulf %select_n3A, %get3A_1458 : vector<16xf32>
        %add3A_1460 = arith.addf %mul3A_1454, %mul3A_1459 : vector<16xf32>
        %get3A_1461 = arith.index_cast %scan3A_22 : i32 to index
        %get3A_1462 = arith.constant 272 : index
        %get3A_1463 = tpu.vector_load %arg11[%get3A_1461, %get3A_1462] {strides = array<i32>} : memref<16x1024xf32, #tpu.memory_space<vmem>>, vector<1x16xf32>,
        %get3A_1464 = vector.shape_cast %get3A_1463 : vector<1x16xf32> to vector<16xf32>
        %mul3A_1465 = arith.mulf %select_n3A_1075, %get3A_1464 : vector<16xf32>
        %add3A_1466 = arith.addf %add3A_1460, %mul3A_1465 : vector<16xf32>
        %swap3A_1467 = arith.index_cast %scan3A_22 : i32 to index
        %swap3A_1468 = arith.constant 272 : index
        %swap3A_1469 = tpu.vector_load %arg12[%swap3A_1467, %swap3A_1468] {strides = array<i32>} : memref<16x1024xf32, #tpu.memory_space<vmem>>, vector<1x16xf32>,
        %swap3A_1470 = vector.shape_cast %swap3A_1469 : vector<1x16xf32> to vector<16xf32>
        %swap3A_1471 = vector.shape_cast %add3A_1466 : vector<16xf32> to vector<1x16xf32>
        tpu.vector_store %arg12[%swap3A_1467, %swap3A_1468], %swap3A_1471 {strides = array<i32>} : memref<16x1024xf32, #tpu.memory_space<vmem>>, vector<1x16xf32>,
        %get3A_1472 = arith.index_cast %scan3A_22 : i32 to index
        %get3A_1473 = arith.constant 288 : index
        %get3A_1474 = tpu.vector_load %arg9[%get3A_1472, %get3A_1473] {strides = array<i32>} : memref<16x1024xf32, #tpu.memory_space<vmem>>, vector<1x16xf32>,
        %get3A_1475 = vector.shape_cast %get3A_1474 : vector<1x16xf32> to vector<16xf32>
        %mul3A_1476 = arith.mulf %div3A_1049, %get3A_1475 : vector<16xf32>
        %get3A_1477 = arith.index_cast %scan3A_22 : i32 to index
        %get3A_1478 = arith.constant 288 : index
        %get3A_1479 = tpu.vector_load %arg10[%get3A_1477, %get3A_1478] {strides = array<i32>} : memref<16x1024xf32, #tpu.memory_space<vmem>>, vector<1x16xf32>,
        %get3A_1480 = vector.shape_cast %get3A_1479 : vector<1x16xf32> to vector<16xf32>
        %mul3A_1481 = arith.mulf %select_n3A, %get3A_1480 : vector<16xf32>
        %add3A_1482 = arith.addf %mul3A_1476, %mul3A_1481 : vector<16xf32>
        %get3A_1483 = arith.index_cast %scan3A_22 : i32 to index
        %get3A_1484 = arith.constant 288 : index
        %get3A_1485 = tpu.vector_load %arg11[%get3A_1483, %get3A_1484] {strides = array<i32>} : memref<16x1024xf32, #tpu.memory_space<vmem>>, vector<1x16xf32>,
        %get3A_1486 = vector.shape_cast %get3A_1485 : vector<1x16xf32> to vector<16xf32>
        %mul3A_1487 = arith.mulf %select_n3A_1075, %get3A_1486 : vector<16xf32>
        %add3A_1488 = arith.addf %add3A_1482, %mul3A_1487 : vector<16xf32>
        %swap3A_1489 = arith.index_cast %scan3A_22 : i32 to index
        %swap3A_1490 = arith.constant 288 : index
        %swap3A_1491 = tpu.vector_load %arg12[%swap3A_1489, %swap3A_1490] {strides = array<i32>} : memref<16x1024xf32, #tpu.memory_space<vmem>>, vector<1x16xf32>,
        %swap3A_1492 = vector.shape_cast %swap3A_1491 : vector<1x16xf32> to vector<16xf32>
        %swap3A_1493 = vector.shape_cast %add3A_1488 : vector<16xf32> to vector<1x16xf32>
        tpu.vector_store %arg12[%swap3A_1489, %swap3A_1490], %swap3A_1493 {strides = array<i32>} : memref<16x1024xf32, #tpu.memory_space<vmem>>, vector<1x16xf32>,
        %get3A_1494 = arith.index_cast %scan3A_22 : i32 to index
        %get3A_1495 = arith.constant 304 : index
        %get3A_1496 = tpu.vector_load %arg9[%get3A_1494, %get3A_1495] {strides = array<i32>} : memref<16x1024xf32, #tpu.memory_space<vmem>>, vector<1x16xf32>,
        %get3A_1497 = vector.shape_cast %get3A_1496 : vector<1x16xf32> to vector<16xf32>
        %mul3A_1498 = arith.mulf %div3A_1049, %get3A_1497 : vector<16xf32>
        %get3A_1499 = arith.index_cast %scan3A_22 : i32 to index
        %get3A_1500 = arith.constant 304 : index
        %get3A_1501 = tpu.vector_load %arg10[%get3A_1499, %get3A_1500] {strides = array<i32>} : memref<16x1024xf32, #tpu.memory_space<vmem>>, vector<1x16xf32>,
        %get3A_1502 = vector.shape_cast %get3A_1501 : vector<1x16xf32> to vector<16xf32>
        %mul3A_1503 = arith.mulf %select_n3A, %get3A_1502 : vector<16xf32>
        %add3A_1504 = arith.addf %mul3A_1498, %mul3A_1503 : vector<16xf32>
        %get3A_1505 = arith.index_cast %scan3A_22 : i32 to index
        %get3A_1506 = arith.constant 304 : index
        %get3A_1507 = tpu.vector_load %arg11[%get3A_1505, %get3A_1506] {strides = array<i32>} : memref<16x1024xf32, #tpu.memory_space<vmem>>, vector<1x16xf32>,
        %get3A_1508 = vector.shape_cast %get3A_1507 : vector<1x16xf32> to vector<16xf32>
        %mul3A_1509 = arith.mulf %select_n3A_1075, %get3A_1508 : vector<16xf32>
        %add3A_1510 = arith.addf %add3A_1504, %mul3A_1509 : vector<16xf32>
        %swap3A_1511 = arith.index_cast %scan3A_22 : i32 to index
        %swap3A_1512 = arith.constant 304 : index
        %swap3A_1513 = tpu.vector_load %arg12[%swap3A_1511, %swap3A_1512] {strides = array<i32>} : memref<16x1024xf32, #tpu.memory_space<vmem>>, vector<1x16xf32>,
        %swap3A_1514 = vector.shape_cast %swap3A_1513 : vector<1x16xf32> to vector<16xf32>
        %swap3A_1515 = vector.shape_cast %add3A_1510 : vector<16xf32> to vector<1x16xf32>
        tpu.vector_store %arg12[%swap3A_1511, %swap3A_1512], %swap3A_1515 {strides = array<i32>} : memref<16x1024xf32, #tpu.memory_space<vmem>>, vector<1x16xf32>,
        %get3A_1516 = arith.index_cast %scan3A_22 : i32 to index
        %get3A_1517 = arith.constant 320 : index
        %get3A_1518 = tpu.vector_load %arg9[%get3A_1516, %get3A_1517] {strides = array<i32>} : memref<16x1024xf32, #tpu.memory_space<vmem>>, vector<1x16xf32>,
        %get3A_1519 = vector.shape_cast %get3A_1518 : vector<1x16xf32> to vector<16xf32>
        %mul3A_1520 = arith.mulf %div3A_1049, %get3A_1519 : vector<16xf32>
        %get3A_1521 = arith.index_cast %scan3A_22 : i32 to index
        %get3A_1522 = arith.constant 320 : index
        %get3A_1523 = tpu.vector_load %arg10[%get3A_1521, %get3A_1522] {strides = array<i32>} : memref<16x1024xf32, #tpu.memory_space<vmem>>, vector<1x16xf32>,
        %get3A_1524 = vector.shape_cast %get3A_1523 : vector<1x16xf32> to vector<16xf32>
        %mul3A_1525 = arith.mulf %select_n3A, %get3A_1524 : vector<16xf32>
        %add3A_1526 = arith.addf %mul3A_1520, %mul3A_1525 : vector<16xf32>
        %get3A_1527 = arith.index_cast %scan3A_22 : i32 to index
        %get3A_1528 = arith.constant 320 : index
        %get3A_1529 = tpu.vector_load %arg11[%get3A_1527, %get3A_1528] {strides = array<i32>} : memref<16x1024xf32, #tpu.memory_space<vmem>>, vector<1x16xf32>,
        %get3A_1530 = vector.shape_cast %get3A_1529 : vector<1x16xf32> to vector<16xf32>
        %mul3A_1531 = arith.mulf %select_n3A_1075, %get3A_1530 : vector<16xf32>
        %add3A_1532 = arith.addf %add3A_1526, %mul3A_1531 : vector<16xf32>
        %swap3A_1533 = arith.index_cast %scan3A_22 : i32 to index
        %swap3A_1534 = arith.constant 320 : index
        %swap3A_1535 = tpu.vector_load %arg12[%swap3A_1533, %swap3A_1534] {strides = array<i32>} : memref<16x1024xf32, #tpu.memory_space<vmem>>, vector<1x16xf32>,
        %swap3A_1536 = vector.shape_cast %swap3A_1535 : vector<1x16xf32> to vector<16xf32>
        %swap3A_1537 = vector.shape_cast %add3A_1532 : vector<16xf32> to vector<1x16xf32>
        tpu.vector_store %arg12[%swap3A_1533, %swap3A_1534], %swap3A_1537 {strides = array<i32>} : memref<16x1024xf32, #tpu.memory_space<vmem>>, vector<1x16xf32>,
        %get3A_1538 = arith.index_cast %scan3A_22 : i32 to index
        %get3A_1539 = arith.constant 336 : index
        %get3A_1540 = tpu.vector_load %arg9[%get3A_1538, %get3A_1539] {strides = array<i32>} : memref<16x1024xf32, #tpu.memory_space<vmem>>, vector<1x16xf32>,
        %get3A_1541 = vector.shape_cast %get3A_1540 : vector<1x16xf32> to vector<16xf32>
        %mul3A_1542 = arith.mulf %div3A_1049, %get3A_1541 : vector<16xf32>
        %get3A_1543 = arith.index_cast %scan3A_22 : i32 to index
        %get3A_1544 = arith.constant 336 : index
        %get3A_1545 = tpu.vector_load %arg10[%get3A_1543, %get3A_1544] {strides = array<i32>} : memref<16x1024xf32, #tpu.memory_space<vmem>>, vector<1x16xf32>,
        %get3A_1546 = vector.shape_cast %get3A_1545 : vector<1x16xf32> to vector<16xf32>
        %mul3A_1547 = arith.mulf %select_n3A, %get3A_1546 : vector<16xf32>
        %add3A_1548 = arith.addf %mul3A_1542, %mul3A_1547 : vector<16xf32>
        %get3A_1549 = arith.index_cast %scan3A_22 : i32 to index
        %get3A_1550 = arith.constant 336 : index
        %get3A_1551 = tpu.vector_load %arg11[%get3A_1549, %get3A_1550] {strides = array<i32>} : memref<16x1024xf32, #tpu.memory_space<vmem>>, vector<1x16xf32>,
        %get3A_1552 = vector.shape_cast %get3A_1551 : vector<1x16xf32> to vector<16xf32>
        %mul3A_1553 = arith.mulf %select_n3A_1075, %get3A_1552 : vector<16xf32>
        %add3A_1554 = arith.addf %add3A_1548, %mul3A_1553 : vector<16xf32>
        %swap3A_1555 = arith.index_cast %scan3A_22 : i32 to index
        %swap3A_1556 = arith.constant 336 : index
        %swap3A_1557 = tpu.vector_load %arg12[%swap3A_1555, %swap3A_1556] {strides = array<i32>} : memref<16x1024xf32, #tpu.memory_space<vmem>>, vector<1x16xf32>,
        %swap3A_1558 = vector.shape_cast %swap3A_1557 : vector<1x16xf32> to vector<16xf32>
        %swap3A_1559 = vector.shape_cast %add3A_1554 : vector<16xf32> to vector<1x16xf32>
        tpu.vector_store %arg12[%swap3A_1555, %swap3A_1556], %swap3A_1559 {strides = array<i32>} : memref<16x1024xf32, #tpu.memory_space<vmem>>, vector<1x16xf32>,
        %get3A_1560 = arith.index_cast %scan3A_22 : i32 to index
        %get3A_1561 = arith.constant 352 : index
        %get3A_1562 = tpu.vector_load %arg9[%get3A_1560, %get3A_1561] {strides = array<i32>} : memref<16x1024xf32, #tpu.memory_space<vmem>>, vector<1x16xf32>,
        %get3A_1563 = vector.shape_cast %get3A_1562 : vector<1x16xf32> to vector<16xf32>
        %mul3A_1564 = arith.mulf %div3A_1049, %get3A_1563 : vector<16xf32>
        %get3A_1565 = arith.index_cast %scan3A_22 : i32 to index
        %get3A_1566 = arith.constant 352 : index
        %get3A_1567 = tpu.vector_load %arg10[%get3A_1565, %get3A_1566] {strides = array<i32>} : memref<16x1024xf32, #tpu.memory_space<vmem>>, vector<1x16xf32>,
        %get3A_1568 = vector.shape_cast %get3A_1567 : vector<1x16xf32> to vector<16xf32>
        %mul3A_1569 = arith.mulf %select_n3A, %get3A_1568 : vector<16xf32>
        %add3A_1570 = arith.addf %mul3A_1564, %mul3A_1569 : vector<16xf32>
        %get3A_1571 = arith.index_cast %scan3A_22 : i32 to index
        %get3A_1572 = arith.constant 352 : index
        %get3A_1573 = tpu.vector_load %arg11[%get3A_1571, %get3A_1572] {strides = array<i32>} : memref<16x1024xf32, #tpu.memory_space<vmem>>, vector<1x16xf32>,
        %get3A_1574 = vector.shape_cast %get3A_1573 : vector<1x16xf32> to vector<16xf32>
        %mul3A_1575 = arith.mulf %select_n3A_1075, %get3A_1574 : vector<16xf32>
        %add3A_1576 = arith.addf %add3A_1570, %mul3A_1575 : vector<16xf32>
        %swap3A_1577 = arith.index_cast %scan3A_22 : i32 to index
        %swap3A_1578 = arith.constant 352 : index
        %swap3A_1579 = tpu.vector_load %arg12[%swap3A_1577, %swap3A_1578] {strides = array<i32>} : memref<16x1024xf32, #tpu.memory_space<vmem>>, vector<1x16xf32>,
        %swap3A_1580 = vector.shape_cast %swap3A_1579 : vector<1x16xf32> to vector<16xf32>
        %swap3A_1581 = vector.shape_cast %add3A_1576 : vector<16xf32> to vector<1x16xf32>
        tpu.vector_store %arg12[%swap3A_1577, %swap3A_1578], %swap3A_1581 {strides = array<i32>} : memref<16x1024xf32, #tpu.memory_space<vmem>>, vector<1x16xf32>,
        %get3A_1582 = arith.index_cast %scan3A_22 : i32 to index
        %get3A_1583 = arith.constant 368 : index
        %get3A_1584 = tpu.vector_load %arg9[%get3A_1582, %get3A_1583] {strides = array<i32>} : memref<16x1024xf32, #tpu.memory_space<vmem>>, vector<1x16xf32>,
        %get3A_1585 = vector.shape_cast %get3A_1584 : vector<1x16xf32> to vector<16xf32>
        %mul3A_1586 = arith.mulf %div3A_1049, %get3A_1585 : vector<16xf32>
        %get3A_1587 = arith.index_cast %scan3A_22 : i32 to index
        %get3A_1588 = arith.constant 368 : index
        %get3A_1589 = tpu.vector_load %arg10[%get3A_1587, %get3A_1588] {strides = array<i32>} : memref<16x1024xf32, #tpu.memory_space<vmem>>, vector<1x16xf32>,
        %get3A_1590 = vector.shape_cast %get3A_1589 : vector<1x16xf32> to vector<16xf32>
        %mul3A_1591 = arith.mulf %select_n3A, %get3A_1590 : vector<16xf32>
        %add3A_1592 = arith.addf %mul3A_1586, %mul3A_1591 : vector<16xf32>
        %get3A_1593 = arith.index_cast %scan3A_22 : i32 to index
        %get3A_1594 = arith.constant 368 : index
        %get3A_1595 = tpu.vector_load %arg11[%get3A_1593, %get3A_1594] {strides = array<i32>} : memref<16x1024xf32, #tpu.memory_space<vmem>>, vector<1x16xf32>,
        %get3A_1596 = vector.shape_cast %get3A_1595 : vector<1x16xf32> to vector<16xf32>
        %mul3A_1597 = arith.mulf %select_n3A_1075, %get3A_1596 : vector<16xf32>
        %add3A_1598 = arith.addf %add3A_1592, %mul3A_1597 : vector<16xf32>
        %swap3A_1599 = arith.index_cast %scan3A_22 : i32 to index
        %swap3A_1600 = arith.constant 368 : index
        %swap3A_1601 = tpu.vector_load %arg12[%swap3A_1599, %swap3A_1600] {strides = array<i32>} : memref<16x1024xf32, #tpu.memory_space<vmem>>, vector<1x16xf32>,
        %swap3A_1602 = vector.shape_cast %swap3A_1601 : vector<1x16xf32> to vector<16xf32>
        %swap3A_1603 = vector.shape_cast %add3A_1598 : vector<16xf32> to vector<1x16xf32>
        tpu.vector_store %arg12[%swap3A_1599, %swap3A_1600], %swap3A_1603 {strides = array<i32>} : memref<16x1024xf32, #tpu.memory_space<vmem>>, vector<1x16xf32>,
        %get3A_1604 = arith.index_cast %scan3A_22 : i32 to index
        %get3A_1605 = arith.constant 384 : index
        %get3A_1606 = tpu.vector_load %arg9[%get3A_1604, %get3A_1605] {strides = array<i32>} : memref<16x1024xf32, #tpu.memory_space<vmem>>, vector<1x16xf32>,
        %get3A_1607 = vector.shape_cast %get3A_1606 : vector<1x16xf32> to vector<16xf32>
        %mul3A_1608 = arith.mulf %div3A_1049, %get3A_1607 : vector<16xf32>
        %get3A_1609 = arith.index_cast %scan3A_22 : i32 to index
        %get3A_1610 = arith.constant 384 : index
        %get3A_1611 = tpu.vector_load %arg10[%get3A_1609, %get3A_1610] {strides = array<i32>} : memref<16x1024xf32, #tpu.memory_space<vmem>>, vector<1x16xf32>,
        %get3A_1612 = vector.shape_cast %get3A_1611 : vector<1x16xf32> to vector<16xf32>
        %mul3A_1613 = arith.mulf %select_n3A, %get3A_1612 : vector<16xf32>
        %add3A_1614 = arith.addf %mul3A_1608, %mul3A_1613 : vector<16xf32>
        %get3A_1615 = arith.index_cast %scan3A_22 : i32 to index
        %get3A_1616 = arith.constant 384 : index
        %get3A_1617 = tpu.vector_load %arg11[%get3A_1615, %get3A_1616] {strides = array<i32>} : memref<16x1024xf32, #tpu.memory_space<vmem>>, vector<1x16xf32>,
        %get3A_1618 = vector.shape_cast %get3A_1617 : vector<1x16xf32> to vector<16xf32>
        %mul3A_1619 = arith.mulf %select_n3A_1075, %get3A_1618 : vector<16xf32>
        %add3A_1620 = arith.addf %add3A_1614, %mul3A_1619 : vector<16xf32>
        %swap3A_1621 = arith.index_cast %scan3A_22 : i32 to index
        %swap3A_1622 = arith.constant 384 : index
        %swap3A_1623 = tpu.vector_load %arg12[%swap3A_1621, %swap3A_1622] {strides = array<i32>} : memref<16x1024xf32, #tpu.memory_space<vmem>>, vector<1x16xf32>,
        %swap3A_1624 = vector.shape_cast %swap3A_1623 : vector<1x16xf32> to vector<16xf32>
        %swap3A_1625 = vector.shape_cast %add3A_1620 : vector<16xf32> to vector<1x16xf32>
        tpu.vector_store %arg12[%swap3A_1621, %swap3A_1622], %swap3A_1625 {strides = array<i32>} : memref<16x1024xf32, #tpu.memory_space<vmem>>, vector<1x16xf32>,
        %get3A_1626 = arith.index_cast %scan3A_22 : i32 to index
        %get3A_1627 = arith.constant 400 : index
        %get3A_1628 = tpu.vector_load %arg9[%get3A_1626, %get3A_1627] {strides = array<i32>} : memref<16x1024xf32, #tpu.memory_space<vmem>>, vector<1x16xf32>,
        %get3A_1629 = vector.shape_cast %get3A_1628 : vector<1x16xf32> to vector<16xf32>
        %mul3A_1630 = arith.mulf %div3A_1049, %get3A_1629 : vector<16xf32>
        %get3A_1631 = arith.index_cast %scan3A_22 : i32 to index
        %get3A_1632 = arith.constant 400 : index
        %get3A_1633 = tpu.vector_load %arg10[%get3A_1631, %get3A_1632] {strides = array<i32>} : memref<16x1024xf32, #tpu.memory_space<vmem>>, vector<1x16xf32>,
        %get3A_1634 = vector.shape_cast %get3A_1633 : vector<1x16xf32> to vector<16xf32>
        %mul3A_1635 = arith.mulf %select_n3A, %get3A_1634 : vector<16xf32>
        %add3A_1636 = arith.addf %mul3A_1630, %mul3A_1635 : vector<16xf32>
        %get3A_1637 = arith.index_cast %scan3A_22 : i32 to index
        %get3A_1638 = arith.constant 400 : index
        %get3A_1639 = tpu.vector_load %arg11[%get3A_1637, %get3A_1638] {strides = array<i32>} : memref<16x1024xf32, #tpu.memory_space<vmem>>, vector<1x16xf32>,
        %get3A_1640 = vector.shape_cast %get3A_1639 : vector<1x16xf32> to vector<16xf32>
        %mul3A_1641 = arith.mulf %select_n3A_1075, %get3A_1640 : vector<16xf32>
        %add3A_1642 = arith.addf %add3A_1636, %mul3A_1641 : vector<16xf32>
        %swap3A_1643 = arith.index_cast %scan3A_22 : i32 to index
        %swap3A_1644 = arith.constant 400 : index
        %swap3A_1645 = tpu.vector_load %arg12[%swap3A_1643, %swap3A_1644] {strides = array<i32>} : memref<16x1024xf32, #tpu.memory_space<vmem>>, vector<1x16xf32>,
        %swap3A_1646 = vector.shape_cast %swap3A_1645 : vector<1x16xf32> to vector<16xf32>
        %swap3A_1647 = vector.shape_cast %add3A_1642 : vector<16xf32> to vector<1x16xf32>
        tpu.vector_store %arg12[%swap3A_1643, %swap3A_1644], %swap3A_1647 {strides = array<i32>} : memref<16x1024xf32, #tpu.memory_space<vmem>>, vector<1x16xf32>,
        %get3A_1648 = arith.index_cast %scan3A_22 : i32 to index
        %get3A_1649 = arith.constant 416 : index
        %get3A_1650 = tpu.vector_load %arg9[%get3A_1648, %get3A_1649] {strides = array<i32>} : memref<16x1024xf32, #tpu.memory_space<vmem>>, vector<1x16xf32>,
        %get3A_1651 = vector.shape_cast %get3A_1650 : vector<1x16xf32> to vector<16xf32>
        %mul3A_1652 = arith.mulf %div3A_1049, %get3A_1651 : vector<16xf32>
        %get3A_1653 = arith.index_cast %scan3A_22 : i32 to index
        %get3A_1654 = arith.constant 416 : index
        %get3A_1655 = tpu.vector_load %arg10[%get3A_1653, %get3A_1654] {strides = array<i32>} : memref<16x1024xf32, #tpu.memory_space<vmem>>, vector<1x16xf32>,
        %get3A_1656 = vector.shape_cast %get3A_1655 : vector<1x16xf32> to vector<16xf32>
        %mul3A_1657 = arith.mulf %select_n3A, %get3A_1656 : vector<16xf32>
        %add3A_1658 = arith.addf %mul3A_1652, %mul3A_1657 : vector<16xf32>
        %get3A_1659 = arith.index_cast %scan3A_22 : i32 to index
        %get3A_1660 = arith.constant 416 : index
        %get3A_1661 = tpu.vector_load %arg11[%get3A_1659, %get3A_1660] {strides = array<i32>} : memref<16x1024xf32, #tpu.memory_space<vmem>>, vector<1x16xf32>,
        %get3A_1662 = vector.shape_cast %get3A_1661 : vector<1x16xf32> to vector<16xf32>
        %mul3A_1663 = arith.mulf %select_n3A_1075, %get3A_1662 : vector<16xf32>
        %add3A_1664 = arith.addf %add3A_1658, %mul3A_1663 : vector<16xf32>
        %swap3A_1665 = arith.index_cast %scan3A_22 : i32 to index
        %swap3A_1666 = arith.constant 416 : index
        %swap3A_1667 = tpu.vector_load %arg12[%swap3A_1665, %swap3A_1666] {strides = array<i32>} : memref<16x1024xf32, #tpu.memory_space<vmem>>, vector<1x16xf32>,
        %swap3A_1668 = vector.shape_cast %swap3A_1667 : vector<1x16xf32> to vector<16xf32>
        %swap3A_1669 = vector.shape_cast %add3A_1664 : vector<16xf32> to vector<1x16xf32>
        tpu.vector_store %arg12[%swap3A_1665, %swap3A_1666], %swap3A_1669 {strides = array<i32>} : memref<16x1024xf32, #tpu.memory_space<vmem>>, vector<1x16xf32>,
        %get3A_1670 = arith.index_cast %scan3A_22 : i32 to index
        %get3A_1671 = arith.constant 432 : index
        %get3A_1672 = tpu.vector_load %arg9[%get3A_1670, %get3A_1671] {strides = array<i32>} : memref<16x1024xf32, #tpu.memory_space<vmem>>, vector<1x16xf32>,
        %get3A_1673 = vector.shape_cast %get3A_1672 : vector<1x16xf32> to vector<16xf32>
        %mul3A_1674 = arith.mulf %div3A_1049, %get3A_1673 : vector<16xf32>
        %get3A_1675 = arith.index_cast %scan3A_22 : i32 to index
        %get3A_1676 = arith.constant 432 : index
        %get3A_1677 = tpu.vector_load %arg10[%get3A_1675, %get3A_1676] {strides = array<i32>} : memref<16x1024xf32, #tpu.memory_space<vmem>>, vector<1x16xf32>,
        %get3A_1678 = vector.shape_cast %get3A_1677 : vector<1x16xf32> to vector<16xf32>
        %mul3A_1679 = arith.mulf %select_n3A, %get3A_1678 : vector<16xf32>
        %add3A_1680 = arith.addf %mul3A_1674, %mul3A_1679 : vector<16xf32>
        %get3A_1681 = arith.index_cast %scan3A_22 : i32 to index
        %get3A_1682 = arith.constant 432 : index
        %get3A_1683 = tpu.vector_load %arg11[%get3A_1681, %get3A_1682] {strides = array<i32>} : memref<16x1024xf32, #tpu.memory_space<vmem>>, vector<1x16xf32>,
        %get3A_1684 = vector.shape_cast %get3A_1683 : vector<1x16xf32> to vector<16xf32>
        %mul3A_1685 = arith.mulf %select_n3A_1075, %get3A_1684 : vector<16xf32>
        %add3A_1686 = arith.addf %add3A_1680, %mul3A_1685 : vector<16xf32>
        %swap3A_1687 = arith.index_cast %scan3A_22 : i32 to index
        %swap3A_1688 = arith.constant 432 : index
        %swap3A_1689 = tpu.vector_load %arg12[%swap3A_1687, %swap3A_1688] {strides = array<i32>} : memref<16x1024xf32, #tpu.memory_space<vmem>>, vector<1x16xf32>,
        %swap3A_1690 = vector.shape_cast %swap3A_1689 : vector<1x16xf32> to vector<16xf32>
        %swap3A_1691 = vector.shape_cast %add3A_1686 : vector<16xf32> to vector<1x16xf32>
        tpu.vector_store %arg12[%swap3A_1687, %swap3A_1688], %swap3A_1691 {strides = array<i32>} : memref<16x1024xf32, #tpu.memory_space<vmem>>, vector<1x16xf32>,
        %get3A_1692 = arith.index_cast %scan3A_22 : i32 to index
        %get3A_1693 = arith.constant 448 : index
        %get3A_1694 = tpu.vector_load %arg9[%get3A_1692, %get3A_1693] {strides = array<i32>} : memref<16x1024xf32, #tpu.memory_space<vmem>>, vector<1x16xf32>,
        %get3A_1695 = vector.shape_cast %get3A_1694 : vector<1x16xf32> to vector<16xf32>
        %mul3A_1696 = arith.mulf %div3A_1049, %get3A_1695 : vector<16xf32>
        %get3A_1697 = arith.index_cast %scan3A_22 : i32 to index
        %get3A_1698 = arith.constant 448 : index
        %get3A_1699 = tpu.vector_load %arg10[%get3A_1697, %get3A_1698] {strides = array<i32>} : memref<16x1024xf32, #tpu.memory_space<vmem>>, vector<1x16xf32>,
        %get3A_1700 = vector.shape_cast %get3A_1699 : vector<1x16xf32> to vector<16xf32>
        %mul3A_1701 = arith.mulf %select_n3A, %get3A_1700 : vector<16xf32>
        %add3A_1702 = arith.addf %mul3A_1696, %mul3A_1701 : vector<16xf32>
        %get3A_1703 = arith.index_cast %scan3A_22 : i32 to index
        %get3A_1704 = arith.constant 448 : index
        %get3A_1705 = tpu.vector_load %arg11[%get3A_1703, %get3A_1704] {strides = array<i32>} : memref<16x1024xf32, #tpu.memory_space<vmem>>, vector<1x16xf32>,
        %get3A_1706 = vector.shape_cast %get3A_1705 : vector<1x16xf32> to vector<16xf32>
        %mul3A_1707 = arith.mulf %select_n3A_1075, %get3A_1706 : vector<16xf32>
        %add3A_1708 = arith.addf %add3A_1702, %mul3A_1707 : vector<16xf32>
        %swap3A_1709 = arith.index_cast %scan3A_22 : i32 to index
        %swap3A_1710 = arith.constant 448 : index
        %swap3A_1711 = tpu.vector_load %arg12[%swap3A_1709, %swap3A_1710] {strides = array<i32>} : memref<16x1024xf32, #tpu.memory_space<vmem>>, vector<1x16xf32>,
        %swap3A_1712 = vector.shape_cast %swap3A_1711 : vector<1x16xf32> to vector<16xf32>
        %swap3A_1713 = vector.shape_cast %add3A_1708 : vector<16xf32> to vector<1x16xf32>
        tpu.vector_store %arg12[%swap3A_1709, %swap3A_1710], %swap3A_1713 {strides = array<i32>} : memref<16x1024xf32, #tpu.memory_space<vmem>>, vector<1x16xf32>,
        %get3A_1714 = arith.index_cast %scan3A_22 : i32 to index
        %get3A_1715 = arith.constant 464 : index
        %get3A_1716 = tpu.vector_load %arg9[%get3A_1714, %get3A_1715] {strides = array<i32>} : memref<16x1024xf32, #tpu.memory_space<vmem>>, vector<1x16xf32>,
        %get3A_1717 = vector.shape_cast %get3A_1716 : vector<1x16xf32> to vector<16xf32>
        %mul3A_1718 = arith.mulf %div3A_1049, %get3A_1717 : vector<16xf32>
        %get3A_1719 = arith.index_cast %scan3A_22 : i32 to index
        %get3A_1720 = arith.constant 464 : index
        %get3A_1721 = tpu.vector_load %arg10[%get3A_1719, %get3A_1720] {strides = array<i32>} : memref<16x1024xf32, #tpu.memory_space<vmem>>, vector<1x16xf32>,
        %get3A_1722 = vector.shape_cast %get3A_1721 : vector<1x16xf32> to vector<16xf32>
        %mul3A_1723 = arith.mulf %select_n3A, %get3A_1722 : vector<16xf32>
        %add3A_1724 = arith.addf %mul3A_1718, %mul3A_1723 : vector<16xf32>
        %get3A_1725 = arith.index_cast %scan3A_22 : i32 to index
        %get3A_1726 = arith.constant 464 : index
        %get3A_1727 = tpu.vector_load %arg11[%get3A_1725, %get3A_1726] {strides = array<i32>} : memref<16x1024xf32, #tpu.memory_space<vmem>>, vector<1x16xf32>,
        %get3A_1728 = vector.shape_cast %get3A_1727 : vector<1x16xf32> to vector<16xf32>
        %mul3A_1729 = arith.mulf %select_n3A_1075, %get3A_1728 : vector<16xf32>
        %add3A_1730 = arith.addf %add3A_1724, %mul3A_1729 : vector<16xf32>
        %swap3A_1731 = arith.index_cast %scan3A_22 : i32 to index
        %swap3A_1732 = arith.constant 464 : index
        %swap3A_1733 = tpu.vector_load %arg12[%swap3A_1731, %swap3A_1732] {strides = array<i32>} : memref<16x1024xf32, #tpu.memory_space<vmem>>, vector<1x16xf32>,
        %swap3A_1734 = vector.shape_cast %swap3A_1733 : vector<1x16xf32> to vector<16xf32>
        %swap3A_1735 = vector.shape_cast %add3A_1730 : vector<16xf32> to vector<1x16xf32>
        tpu.vector_store %arg12[%swap3A_1731, %swap3A_1732], %swap3A_1735 {strides = array<i32>} : memref<16x1024xf32, #tpu.memory_space<vmem>>, vector<1x16xf32>,
        %get3A_1736 = arith.index_cast %scan3A_22 : i32 to index
        %get3A_1737 = arith.constant 480 : index
        %get3A_1738 = tpu.vector_load %arg9[%get3A_1736, %get3A_1737] {strides = array<i32>} : memref<16x1024xf32, #tpu.memory_space<vmem>>, vector<1x16xf32>,
        %get3A_1739 = vector.shape_cast %get3A_1738 : vector<1x16xf32> to vector<16xf32>
        %mul3A_1740 = arith.mulf %div3A_1049, %get3A_1739 : vector<16xf32>
        %get3A_1741 = arith.index_cast %scan3A_22 : i32 to index
        %get3A_1742 = arith.constant 480 : index
        %get3A_1743 = tpu.vector_load %arg10[%get3A_1741, %get3A_1742] {strides = array<i32>} : memref<16x1024xf32, #tpu.memory_space<vmem>>, vector<1x16xf32>,
        %get3A_1744 = vector.shape_cast %get3A_1743 : vector<1x16xf32> to vector<16xf32>
        %mul3A_1745 = arith.mulf %select_n3A, %get3A_1744 : vector<16xf32>
        %add3A_1746 = arith.addf %mul3A_1740, %mul3A_1745 : vector<16xf32>
        %get3A_1747 = arith.index_cast %scan3A_22 : i32 to index
        %get3A_1748 = arith.constant 480 : index
        %get3A_1749 = tpu.vector_load %arg11[%get3A_1747, %get3A_1748] {strides = array<i32>} : memref<16x1024xf32, #tpu.memory_space<vmem>>, vector<1x16xf32>,
        %get3A_1750 = vector.shape_cast %get3A_1749 : vector<1x16xf32> to vector<16xf32>
        %mul3A_1751 = arith.mulf %select_n3A_1075, %get3A_1750 : vector<16xf32>
        %add3A_1752 = arith.addf %add3A_1746, %mul3A_1751 : vector<16xf32>
        %swap3A_1753 = arith.index_cast %scan3A_22 : i32 to index
        %swap3A_1754 = arith.constant 480 : index
        %swap3A_1755 = tpu.vector_load %arg12[%swap3A_1753, %swap3A_1754] {strides = array<i32>} : memref<16x1024xf32, #tpu.memory_space<vmem>>, vector<1x16xf32>,
        %swap3A_1756 = vector.shape_cast %swap3A_1755 : vector<1x16xf32> to vector<16xf32>
        %swap3A_1757 = vector.shape_cast %add3A_1752 : vector<16xf32> to vector<1x16xf32>
        tpu.vector_store %arg12[%swap3A_1753, %swap3A_1754], %swap3A_1757 {strides = array<i32>} : memref<16x1024xf32, #tpu.memory_space<vmem>>, vector<1x16xf32>,
        %get3A_1758 = arith.index_cast %scan3A_22 : i32 to index
        %get3A_1759 = arith.constant 496 : index
        %get3A_1760 = tpu.vector_load %arg9[%get3A_1758, %get3A_1759] {strides = array<i32>} : memref<16x1024xf32, #tpu.memory_space<vmem>>, vector<1x16xf32>,
        %get3A_1761 = vector.shape_cast %get3A_1760 : vector<1x16xf32> to vector<16xf32>
        %mul3A_1762 = arith.mulf %div3A_1049, %get3A_1761 : vector<16xf32>
        %get3A_1763 = arith.index_cast %scan3A_22 : i32 to index
        %get3A_1764 = arith.constant 496 : index
        %get3A_1765 = tpu.vector_load %arg10[%get3A_1763, %get3A_1764] {strides = array<i32>} : memref<16x1024xf32, #tpu.memory_space<vmem>>, vector<1x16xf32>,
        %get3A_1766 = vector.shape_cast %get3A_1765 : vector<1x16xf32> to vector<16xf32>
        %mul3A_1767 = arith.mulf %select_n3A, %get3A_1766 : vector<16xf32>
        %add3A_1768 = arith.addf %mul3A_1762, %mul3A_1767 : vector<16xf32>
        %get3A_1769 = arith.index_cast %scan3A_22 : i32 to index
        %get3A_1770 = arith.constant 496 : index
        %get3A_1771 = tpu.vector_load %arg11[%get3A_1769, %get3A_1770] {strides = array<i32>} : memref<16x1024xf32, #tpu.memory_space<vmem>>, vector<1x16xf32>,
        %get3A_1772 = vector.shape_cast %get3A_1771 : vector<1x16xf32> to vector<16xf32>
        %mul3A_1773 = arith.mulf %select_n3A_1075, %get3A_1772 : vector<16xf32>
        %add3A_1774 = arith.addf %add3A_1768, %mul3A_1773 : vector<16xf32>
        %swap3A_1775 = arith.index_cast %scan3A_22 : i32 to index
        %swap3A_1776 = arith.constant 496 : index
        %swap3A_1777 = tpu.vector_load %arg12[%swap3A_1775, %swap3A_1776] {strides = array<i32>} : memref<16x1024xf32, #tpu.memory_space<vmem>>, vector<1x16xf32>,
        %swap3A_1778 = vector.shape_cast %swap3A_1777 : vector<1x16xf32> to vector<16xf32>
        %swap3A_1779 = vector.shape_cast %add3A_1774 : vector<16xf32> to vector<1x16xf32>
        tpu.vector_store %arg12[%swap3A_1775, %swap3A_1776], %swap3A_1779 {strides = array<i32>} : memref<16x1024xf32, #tpu.memory_space<vmem>>, vector<1x16xf32>,
        %get3A_1780 = arith.index_cast %scan3A_22 : i32 to index
        %get3A_1781 = arith.constant 512 : index
        %get3A_1782 = tpu.vector_load %arg9[%get3A_1780, %get3A_1781] {strides = array<i32>} : memref<16x1024xf32, #tpu.memory_space<vmem>>, vector<1x16xf32>,
        %get3A_1783 = vector.shape_cast %get3A_1782 : vector<1x16xf32> to vector<16xf32>
        %mul3A_1784 = arith.mulf %div3A_1049, %get3A_1783 : vector<16xf32>
        %get3A_1785 = arith.index_cast %scan3A_22 : i32 to index
        %get3A_1786 = arith.constant 512 : index
        %get3A_1787 = tpu.vector_load %arg10[%get3A_1785, %get3A_1786] {strides = array<i32>} : memref<16x1024xf32, #tpu.memory_space<vmem>>, vector<1x16xf32>,
        %get3A_1788 = vector.shape_cast %get3A_1787 : vector<1x16xf32> to vector<16xf32>
        %mul3A_1789 = arith.mulf %select_n3A, %get3A_1788 : vector<16xf32>
        %add3A_1790 = arith.addf %mul3A_1784, %mul3A_1789 : vector<16xf32>
        %get3A_1791 = arith.index_cast %scan3A_22 : i32 to index
        %get3A_1792 = arith.constant 512 : index
        %get3A_1793 = tpu.vector_load %arg11[%get3A_1791, %get3A_1792] {strides = array<i32>} : memref<16x1024xf32, #tpu.memory_space<vmem>>, vector<1x16xf32>,
        %get3A_1794 = vector.shape_cast %get3A_1793 : vector<1x16xf32> to vector<16xf32>
        %mul3A_1795 = arith.mulf %select_n3A_1075, %get3A_1794 : vector<16xf32>
        %add3A_1796 = arith.addf %add3A_1790, %mul3A_1795 : vector<16xf32>
        %swap3A_1797 = arith.index_cast %scan3A_22 : i32 to index
        %swap3A_1798 = arith.constant 512 : index
        %swap3A_1799 = tpu.vector_load %arg12[%swap3A_1797, %swap3A_1798] {strides = array<i32>} : memref<16x1024xf32, #tpu.memory_space<vmem>>, vector<1x16xf32>,
        %swap3A_1800 = vector.shape_cast %swap3A_1799 : vector<1x16xf32> to vector<16xf32>
        %swap3A_1801 = vector.shape_cast %add3A_1796 : vector<16xf32> to vector<1x16xf32>
        tpu.vector_store %arg12[%swap3A_1797, %swap3A_1798], %swap3A_1801 {strides = array<i32>} : memref<16x1024xf32, #tpu.memory_space<vmem>>, vector<1x16xf32>,
        %get3A_1802 = arith.index_cast %scan3A_22 : i32 to index
        %get3A_1803 = arith.constant 528 : index
        %get3A_1804 = tpu.vector_load %arg9[%get3A_1802, %get3A_1803] {strides = array<i32>} : memref<16x1024xf32, #tpu.memory_space<vmem>>, vector<1x16xf32>,
        %get3A_1805 = vector.shape_cast %get3A_1804 : vector<1x16xf32> to vector<16xf32>
        %mul3A_1806 = arith.mulf %div3A_1049, %get3A_1805 : vector<16xf32>
        %get3A_1807 = arith.index_cast %scan3A_22 : i32 to index
        %get3A_1808 = arith.constant 528 : index
        %get3A_1809 = tpu.vector_load %arg10[%get3A_1807, %get3A_1808] {strides = array<i32>} : memref<16x1024xf32, #tpu.memory_space<vmem>>, vector<1x16xf32>,
        %get3A_1810 = vector.shape_cast %get3A_1809 : vector<1x16xf32> to vector<16xf32>
        %mul3A_1811 = arith.mulf %select_n3A, %get3A_1810 : vector<16xf32>
        %add3A_1812 = arith.addf %mul3A_1806, %mul3A_1811 : vector<16xf32>
        %get3A_1813 = arith.index_cast %scan3A_22 : i32 to index
        %get3A_1814 = arith.constant 528 : index
        %get3A_1815 = tpu.vector_load %arg11[%get3A_1813, %get3A_1814] {strides = array<i32>} : memref<16x1024xf32, #tpu.memory_space<vmem>>, vector<1x16xf32>,
        %get3A_1816 = vector.shape_cast %get3A_1815 : vector<1x16xf32> to vector<16xf32>
        %mul3A_1817 = arith.mulf %select_n3A_1075, %get3A_1816 : vector<16xf32>
        %add3A_1818 = arith.addf %add3A_1812, %mul3A_1817 : vector<16xf32>
        %swap3A_1819 = arith.index_cast %scan3A_22 : i32 to index
        %swap3A_1820 = arith.constant 528 : index
        %swap3A_1821 = tpu.vector_load %arg12[%swap3A_1819, %swap3A_1820] {strides = array<i32>} : memref<16x1024xf32, #tpu.memory_space<vmem>>, vector<1x16xf32>,
        %swap3A_1822 = vector.shape_cast %swap3A_1821 : vector<1x16xf32> to vector<16xf32>
        %swap3A_1823 = vector.shape_cast %add3A_1818 : vector<16xf32> to vector<1x16xf32>
        tpu.vector_store %arg12[%swap3A_1819, %swap3A_1820], %swap3A_1823 {strides = array<i32>} : memref<16x1024xf32, #tpu.memory_space<vmem>>, vector<1x16xf32>,
        %get3A_1824 = arith.index_cast %scan3A_22 : i32 to index
        %get3A_1825 = arith.constant 544 : index
        %get3A_1826 = tpu.vector_load %arg9[%get3A_1824, %get3A_1825] {strides = array<i32>} : memref<16x1024xf32, #tpu.memory_space<vmem>>, vector<1x16xf32>,
        %get3A_1827 = vector.shape_cast %get3A_1826 : vector<1x16xf32> to vector<16xf32>
        %mul3A_1828 = arith.mulf %div3A_1049, %get3A_1827 : vector<16xf32>
        %get3A_1829 = arith.index_cast %scan3A_22 : i32 to index
        %get3A_1830 = arith.constant 544 : index
        %get3A_1831 = tpu.vector_load %arg10[%get3A_1829, %get3A_1830] {strides = array<i32>} : memref<16x1024xf32, #tpu.memory_space<vmem>>, vector<1x16xf32>,
        %get3A_1832 = vector.shape_cast %get3A_1831 : vector<1x16xf32> to vector<16xf32>
        %mul3A_1833 = arith.mulf %select_n3A, %get3A_1832 : vector<16xf32>
        %add3A_1834 = arith.addf %mul3A_1828, %mul3A_1833 : vector<16xf32>
        %get3A_1835 = arith.index_cast %scan3A_22 : i32 to index
        %get3A_1836 = arith.constant 544 : index
        %get3A_1837 = tpu.vector_load %arg11[%get3A_1835, %get3A_1836] {strides = array<i32>} : memref<16x1024xf32, #tpu.memory_space<vmem>>, vector<1x16xf32>,
        %get3A_1838 = vector.shape_cast %get3A_1837 : vector<1x16xf32> to vector<16xf32>
        %mul3A_1839 = arith.mulf %select_n3A_1075, %get3A_1838 : vector<16xf32>
        %add3A_1840 = arith.addf %add3A_1834, %mul3A_1839 : vector<16xf32>
        %swap3A_1841 = arith.index_cast %scan3A_22 : i32 to index
        %swap3A_1842 = arith.constant 544 : index
        %swap3A_1843 = tpu.vector_load %arg12[%swap3A_1841, %swap3A_1842] {strides = array<i32>} : memref<16x1024xf32, #tpu.memory_space<vmem>>, vector<1x16xf32>,
        %swap3A_1844 = vector.shape_cast %swap3A_1843 : vector<1x16xf32> to vector<16xf32>
        %swap3A_1845 = vector.shape_cast %add3A_1840 : vector<16xf32> to vector<1x16xf32>
        tpu.vector_store %arg12[%swap3A_1841, %swap3A_1842], %swap3A_1845 {strides = array<i32>} : memref<16x1024xf32, #tpu.memory_space<vmem>>, vector<1x16xf32>,
        %get3A_1846 = arith.index_cast %scan3A_22 : i32 to index
        %get3A_1847 = arith.constant 560 : index
        %get3A_1848 = tpu.vector_load %arg9[%get3A_1846, %get3A_1847] {strides = array<i32>} : memref<16x1024xf32, #tpu.memory_space<vmem>>, vector<1x16xf32>,
        %get3A_1849 = vector.shape_cast %get3A_1848 : vector<1x16xf32> to vector<16xf32>
        %mul3A_1850 = arith.mulf %div3A_1049, %get3A_1849 : vector<16xf32>
        %get3A_1851 = arith.index_cast %scan3A_22 : i32 to index
        %get3A_1852 = arith.constant 560 : index
        %get3A_1853 = tpu.vector_load %arg10[%get3A_1851, %get3A_1852] {strides = array<i32>} : memref<16x1024xf32, #tpu.memory_space<vmem>>, vector<1x16xf32>,
        %get3A_1854 = vector.shape_cast %get3A_1853 : vector<1x16xf32> to vector<16xf32>
        %mul3A_1855 = arith.mulf %select_n3A, %get3A_1854 : vector<16xf32>
        %add3A_1856 = arith.addf %mul3A_1850, %mul3A_1855 : vector<16xf32>
        %get3A_1857 = arith.index_cast %scan3A_22 : i32 to index
        %get3A_1858 = arith.constant 560 : index
        %get3A_1859 = tpu.vector_load %arg11[%get3A_1857, %get3A_1858] {strides = array<i32>} : memref<16x1024xf32, #tpu.memory_space<vmem>>, vector<1x16xf32>,
        %get3A_1860 = vector.shape_cast %get3A_1859 : vector<1x16xf32> to vector<16xf32>
        %mul3A_1861 = arith.mulf %select_n3A_1075, %get3A_1860 : vector<16xf32>
        %add3A_1862 = arith.addf %add3A_1856, %mul3A_1861 : vector<16xf32>
        %swap3A_1863 = arith.index_cast %scan3A_22 : i32 to index
        %swap3A_1864 = arith.constant 560 : index
        %swap3A_1865 = tpu.vector_load %arg12[%swap3A_1863, %swap3A_1864] {strides = array<i32>} : memref<16x1024xf32, #tpu.memory_space<vmem>>, vector<1x16xf32>,
        %swap3A_1866 = vector.shape_cast %swap3A_1865 : vector<1x16xf32> to vector<16xf32>
        %swap3A_1867 = vector.shape_cast %add3A_1862 : vector<16xf32> to vector<1x16xf32>
        tpu.vector_store %arg12[%swap3A_1863, %swap3A_1864], %swap3A_1867 {strides = array<i32>} : memref<16x1024xf32, #tpu.memory_space<vmem>>, vector<1x16xf32>,
        %get3A_1868 = arith.index_cast %scan3A_22 : i32 to index
        %get3A_1869 = arith.constant 576 : index
        %get3A_1870 = tpu.vector_load %arg9[%get3A_1868, %get3A_1869] {strides = array<i32>} : memref<16x1024xf32, #tpu.memory_space<vmem>>, vector<1x16xf32>,
        %get3A_1871 = vector.shape_cast %get3A_1870 : vector<1x16xf32> to vector<16xf32>
        %mul3A_1872 = arith.mulf %div3A_1049, %get3A_1871 : vector<16xf32>
        %get3A_1873 = arith.index_cast %scan3A_22 : i32 to index
        %get3A_1874 = arith.constant 576 : index
        %get3A_1875 = tpu.vector_load %arg10[%get3A_1873, %get3A_1874] {strides = array<i32>} : memref<16x1024xf32, #tpu.memory_space<vmem>>, vector<1x16xf32>,
        %get3A_1876 = vector.shape_cast %get3A_1875 : vector<1x16xf32> to vector<16xf32>
        %mul3A_1877 = arith.mulf %select_n3A, %get3A_1876 : vector<16xf32>
        %add3A_1878 = arith.addf %mul3A_1872, %mul3A_1877 : vector<16xf32>
        %get3A_1879 = arith.index_cast %scan3A_22 : i32 to index
        %get3A_1880 = arith.constant 576 : index
        %get3A_1881 = tpu.vector_load %arg11[%get3A_1879, %get3A_1880] {strides = array<i32>} : memref<16x1024xf32, #tpu.memory_space<vmem>>, vector<1x16xf32>,
        %get3A_1882 = vector.shape_cast %get3A_1881 : vector<1x16xf32> to vector<16xf32>
        %mul3A_1883 = arith.mulf %select_n3A_1075, %get3A_1882 : vector<16xf32>
        %add3A_1884 = arith.addf %add3A_1878, %mul3A_1883 : vector<16xf32>
        %swap3A_1885 = arith.index_cast %scan3A_22 : i32 to index
        %swap3A_1886 = arith.constant 576 : index
        %swap3A_1887 = tpu.vector_load %arg12[%swap3A_1885, %swap3A_1886] {strides = array<i32>} : memref<16x1024xf32, #tpu.memory_space<vmem>>, vector<1x16xf32>,
        %swap3A_1888 = vector.shape_cast %swap3A_1887 : vector<1x16xf32> to vector<16xf32>
        %swap3A_1889 = vector.shape_cast %add3A_1884 : vector<16xf32> to vector<1x16xf32>
        tpu.vector_store %arg12[%swap3A_1885, %swap3A_1886], %swap3A_1889 {strides = array<i32>} : memref<16x1024xf32, #tpu.memory_space<vmem>>, vector<1x16xf32>,
        %get3A_1890 = arith.index_cast %scan3A_22 : i32 to index
        %get3A_1891 = arith.constant 592 : index
        %get3A_1892 = tpu.vector_load %arg9[%get3A_1890, %get3A_1891] {strides = array<i32>} : memref<16x1024xf32, #tpu.memory_space<vmem>>, vector<1x16xf32>,
        %get3A_1893 = vector.shape_cast %get3A_1892 : vector<1x16xf32> to vector<16xf32>
        %mul3A_1894 = arith.mulf %div3A_1049, %get3A_1893 : vector<16xf32>
        %get3A_1895 = arith.index_cast %scan3A_22 : i32 to index
        %get3A_1896 = arith.constant 592 : index
        %get3A_1897 = tpu.vector_load %arg10[%get3A_1895, %get3A_1896] {strides = array<i32>} : memref<16x1024xf32, #tpu.memory_space<vmem>>, vector<1x16xf32>,
        %get3A_1898 = vector.shape_cast %get3A_1897 : vector<1x16xf32> to vector<16xf32>
        %mul3A_1899 = arith.mulf %select_n3A, %get3A_1898 : vector<16xf32>
        %add3A_1900 = arith.addf %mul3A_1894, %mul3A_1899 : vector<16xf32>
        %get3A_1901 = arith.index_cast %scan3A_22 : i32 to index
        %get3A_1902 = arith.constant 592 : index
        %get3A_1903 = tpu.vector_load %arg11[%get3A_1901, %get3A_1902] {strides = array<i32>} : memref<16x1024xf32, #tpu.memory_space<vmem>>, vector<1x16xf32>,
        %get3A_1904 = vector.shape_cast %get3A_1903 : vector<1x16xf32> to vector<16xf32>
        %mul3A_1905 = arith.mulf %select_n3A_1075, %get3A_1904 : vector<16xf32>
        %add3A_1906 = arith.addf %add3A_1900, %mul3A_1905 : vector<16xf32>
        %swap3A_1907 = arith.index_cast %scan3A_22 : i32 to index
        %swap3A_1908 = arith.constant 592 : index
        %swap3A_1909 = tpu.vector_load %arg12[%swap3A_1907, %swap3A_1908] {strides = array<i32>} : memref<16x1024xf32, #tpu.memory_space<vmem>>, vector<1x16xf32>,
        %swap3A_1910 = vector.shape_cast %swap3A_1909 : vector<1x16xf32> to vector<16xf32>
        %swap3A_1911 = vector.shape_cast %add3A_1906 : vector<16xf32> to vector<1x16xf32>
        tpu.vector_store %arg12[%swap3A_1907, %swap3A_1908], %swap3A_1911 {strides = array<i32>} : memref<16x1024xf32, #tpu.memory_space<vmem>>, vector<1x16xf32>,
        %get3A_1912 = arith.index_cast %scan3A_22 : i32 to index
        %get3A_1913 = arith.constant 608 : index
        %get3A_1914 = tpu.vector_load %arg9[%get3A_1912, %get3A_1913] {strides = array<i32>} : memref<16x1024xf32, #tpu.memory_space<vmem>>, vector<1x16xf32>,
        %get3A_1915 = vector.shape_cast %get3A_1914 : vector<1x16xf32> to vector<16xf32>
        %mul3A_1916 = arith.mulf %div3A_1049, %get3A_1915 : vector<16xf32>
        %get3A_1917 = arith.index_cast %scan3A_22 : i32 to index
        %get3A_1918 = arith.constant 608 : index
        %get3A_1919 = tpu.vector_load %arg10[%get3A_1917, %get3A_1918] {strides = array<i32>} : memref<16x1024xf32, #tpu.memory_space<vmem>>, vector<1x16xf32>,
        %get3A_1920 = vector.shape_cast %get3A_1919 : vector<1x16xf32> to vector<16xf32>
        %mul3A_1921 = arith.mulf %select_n3A, %get3A_1920 : vector<16xf32>
        %add3A_1922 = arith.addf %mul3A_1916, %mul3A_1921 : vector<16xf32>
        %get3A_1923 = arith.index_cast %scan3A_22 : i32 to index
        %get3A_1924 = arith.constant 608 : index
        %get3A_1925 = tpu.vector_load %arg11[%get3A_1923, %get3A_1924] {strides = array<i32>} : memref<16x1024xf32, #tpu.memory_space<vmem>>, vector<1x16xf32>,
        %get3A_1926 = vector.shape_cast %get3A_1925 : vector<1x16xf32> to vector<16xf32>
        %mul3A_1927 = arith.mulf %select_n3A_1075, %get3A_1926 : vector<16xf32>
        %add3A_1928 = arith.addf %add3A_1922, %mul3A_1927 : vector<16xf32>
        %swap3A_1929 = arith.index_cast %scan3A_22 : i32 to index
        %swap3A_1930 = arith.constant 608 : index
        %swap3A_1931 = tpu.vector_load %arg12[%swap3A_1929, %swap3A_1930] {strides = array<i32>} : memref<16x1024xf32, #tpu.memory_space<vmem>>, vector<1x16xf32>,
        %swap3A_1932 = vector.shape_cast %swap3A_1931 : vector<1x16xf32> to vector<16xf32>
        %swap3A_1933 = vector.shape_cast %add3A_1928 : vector<16xf32> to vector<1x16xf32>
        tpu.vector_store %arg12[%swap3A_1929, %swap3A_1930], %swap3A_1933 {strides = array<i32>} : memref<16x1024xf32, #tpu.memory_space<vmem>>, vector<1x16xf32>,
        %get3A_1934 = arith.index_cast %scan3A_22 : i32 to index
        %get3A_1935 = arith.constant 624 : index
        %get3A_1936 = tpu.vector_load %arg9[%get3A_1934, %get3A_1935] {strides = array<i32>} : memref<16x1024xf32, #tpu.memory_space<vmem>>, vector<1x16xf32>,
        %get3A_1937 = vector.shape_cast %get3A_1936 : vector<1x16xf32> to vector<16xf32>
        %mul3A_1938 = arith.mulf %div3A_1049, %get3A_1937 : vector<16xf32>
        %get3A_1939 = arith.index_cast %scan3A_22 : i32 to index
        %get3A_1940 = arith.constant 624 : index
        %get3A_1941 = tpu.vector_load %arg10[%get3A_1939, %get3A_1940] {strides = array<i32>} : memref<16x1024xf32, #tpu.memory_space<vmem>>, vector<1x16xf32>,
        %get3A_1942 = vector.shape_cast %get3A_1941 : vector<1x16xf32> to vector<16xf32>
        %mul3A_1943 = arith.mulf %select_n3A, %get3A_1942 : vector<16xf32>
        %add3A_1944 = arith.addf %mul3A_1938, %mul3A_1943 : vector<16xf32>
        %get3A_1945 = arith.index_cast %scan3A_22 : i32 to index
        %get3A_1946 = arith.constant 624 : index
        %get3A_1947 = tpu.vector_load %arg11[%get3A_1945, %get3A_1946] {strides = array<i32>} : memref<16x1024xf32, #tpu.memory_space<vmem>>, vector<1x16xf32>,
        %get3A_1948 = vector.shape_cast %get3A_1947 : vector<1x16xf32> to vector<16xf32>
        %mul3A_1949 = arith.mulf %select_n3A_1075, %get3A_1948 : vector<16xf32>
        %add3A_1950 = arith.addf %add3A_1944, %mul3A_1949 : vector<16xf32>
        %swap3A_1951 = arith.index_cast %scan3A_22 : i32 to index
        %swap3A_1952 = arith.constant 624 : index
        %swap3A_1953 = tpu.vector_load %arg12[%swap3A_1951, %swap3A_1952] {strides = array<i32>} : memref<16x1024xf32, #tpu.memory_space<vmem>>, vector<1x16xf32>,
        %swap3A_1954 = vector.shape_cast %swap3A_1953 : vector<1x16xf32> to vector<16xf32>
        %swap3A_1955 = vector.shape_cast %add3A_1950 : vector<16xf32> to vector<1x16xf32>
        tpu.vector_store %arg12[%swap3A_1951, %swap3A_1952], %swap3A_1955 {strides = array<i32>} : memref<16x1024xf32, #tpu.memory_space<vmem>>, vector<1x16xf32>,
        %get3A_1956 = arith.index_cast %scan3A_22 : i32 to index
        %get3A_1957 = arith.constant 640 : index
        %get3A_1958 = tpu.vector_load %arg9[%get3A_1956, %get3A_1957] {strides = array<i32>} : memref<16x1024xf32, #tpu.memory_space<vmem>>, vector<1x16xf32>,
        %get3A_1959 = vector.shape_cast %get3A_1958 : vector<1x16xf32> to vector<16xf32>
        %mul3A_1960 = arith.mulf %div3A_1049, %get3A_1959 : vector<16xf32>
        %get3A_1961 = arith.index_cast %scan3A_22 : i32 to index
        %get3A_1962 = arith.constant 640 : index
        %get3A_1963 = tpu.vector_load %arg10[%get3A_1961, %get3A_1962] {strides = array<i32>} : memref<16x1024xf32, #tpu.memory_space<vmem>>, vector<1x16xf32>,
        %get3A_1964 = vector.shape_cast %get3A_1963 : vector<1x16xf32> to vector<16xf32>
        %mul3A_1965 = arith.mulf %select_n3A, %get3A_1964 : vector<16xf32>
        %add3A_1966 = arith.addf %mul3A_1960, %mul3A_1965 : vector<16xf32>
        %get3A_1967 = arith.index_cast %scan3A_22 : i32 to index
        %get3A_1968 = arith.constant 640 : index
        %get3A_1969 = tpu.vector_load %arg11[%get3A_1967, %get3A_1968] {strides = array<i32>} : memref<16x1024xf32, #tpu.memory_space<vmem>>, vector<1x16xf32>,
        %get3A_1970 = vector.shape_cast %get3A_1969 : vector<1x16xf32> to vector<16xf32>
        %mul3A_1971 = arith.mulf %select_n3A_1075, %get3A_1970 : vector<16xf32>
        %add3A_1972 = arith.addf %add3A_1966, %mul3A_1971 : vector<16xf32>
        %swap3A_1973 = arith.index_cast %scan3A_22 : i32 to index
        %swap3A_1974 = arith.constant 640 : index
        %swap3A_1975 = tpu.vector_load %arg12[%swap3A_1973, %swap3A_1974] {strides = array<i32>} : memref<16x1024xf32, #tpu.memory_space<vmem>>, vector<1x16xf32>,
        %swap3A_1976 = vector.shape_cast %swap3A_1975 : vector<1x16xf32> to vector<16xf32>
        %swap3A_1977 = vector.shape_cast %add3A_1972 : vector<16xf32> to vector<1x16xf32>
        tpu.vector_store %arg12[%swap3A_1973, %swap3A_1974], %swap3A_1977 {strides = array<i32>} : memref<16x1024xf32, #tpu.memory_space<vmem>>, vector<1x16xf32>,
        %get3A_1978 = arith.index_cast %scan3A_22 : i32 to index
        %get3A_1979 = arith.constant 656 : index
        %get3A_1980 = tpu.vector_load %arg9[%get3A_1978, %get3A_1979] {strides = array<i32>} : memref<16x1024xf32, #tpu.memory_space<vmem>>, vector<1x16xf32>,
        %get3A_1981 = vector.shape_cast %get3A_1980 : vector<1x16xf32> to vector<16xf32>
        %mul3A_1982 = arith.mulf %div3A_1049, %get3A_1981 : vector<16xf32>
        %get3A_1983 = arith.index_cast %scan3A_22 : i32 to index
        %get3A_1984 = arith.constant 656 : index
        %get3A_1985 = tpu.vector_load %arg10[%get3A_1983, %get3A_1984] {strides = array<i32>} : memref<16x1024xf32, #tpu.memory_space<vmem>>, vector<1x16xf32>,
        %get3A_1986 = vector.shape_cast %get3A_1985 : vector<1x16xf32> to vector<16xf32>
        %mul3A_1987 = arith.mulf %select_n3A, %get3A_1986 : vector<16xf32>
        %add3A_1988 = arith.addf %mul3A_1982, %mul3A_1987 : vector<16xf32>
        %get3A_1989 = arith.index_cast %scan3A_22 : i32 to index
        %get3A_1990 = arith.constant 656 : index
        %get3A_1991 = tpu.vector_load %arg11[%get3A_1989, %get3A_1990] {strides = array<i32>} : memref<16x1024xf32, #tpu.memory_space<vmem>>, vector<1x16xf32>,
        %get3A_1992 = vector.shape_cast %get3A_1991 : vector<1x16xf32> to vector<16xf32>
        %mul3A_1993 = arith.mulf %select_n3A_1075, %get3A_1992 : vector<16xf32>
        %add3A_1994 = arith.addf %add3A_1988, %mul3A_1993 : vector<16xf32>
        %swap3A_1995 = arith.index_cast %scan3A_22 : i32 to index
        %swap3A_1996 = arith.constant 656 : index
        %swap3A_1997 = tpu.vector_load %arg12[%swap3A_1995, %swap3A_1996] {strides = array<i32>} : memref<16x1024xf32, #tpu.memory_space<vmem>>, vector<1x16xf32>,
        %swap3A_1998 = vector.shape_cast %swap3A_1997 : vector<1x16xf32> to vector<16xf32>
        %swap3A_1999 = vector.shape_cast %add3A_1994 : vector<16xf32> to vector<1x16xf32>
        tpu.vector_store %arg12[%swap3A_1995, %swap3A_1996], %swap3A_1999 {strides = array<i32>} : memref<16x1024xf32, #tpu.memory_space<vmem>>, vector<1x16xf32>,
        %get3A_2000 = arith.index_cast %scan3A_22 : i32 to index
        %get3A_2001 = arith.constant 672 : index
        %get3A_2002 = tpu.vector_load %arg9[%get3A_2000, %get3A_2001] {strides = array<i32>} : memref<16x1024xf32, #tpu.memory_space<vmem>>, vector<1x16xf32>,
        %get3A_2003 = vector.shape_cast %get3A_2002 : vector<1x16xf32> to vector<16xf32>
        %mul3A_2004 = arith.mulf %div3A_1049, %get3A_2003 : vector<16xf32>
        %get3A_2005 = arith.index_cast %scan3A_22 : i32 to index
        %get3A_2006 = arith.constant 672 : index
        %get3A_2007 = tpu.vector_load %arg10[%get3A_2005, %get3A_2006] {strides = array<i32>} : memref<16x1024xf32, #tpu.memory_space<vmem>>, vector<1x16xf32>,
        %get3A_2008 = vector.shape_cast %get3A_2007 : vector<1x16xf32> to vector<16xf32>
        %mul3A_2009 = arith.mulf %select_n3A, %get3A_2008 : vector<16xf32>
        %add3A_2010 = arith.addf %mul3A_2004, %mul3A_2009 : vector<16xf32>
        %get3A_2011 = arith.index_cast %scan3A_22 : i32 to index
        %get3A_2012 = arith.constant 672 : index
        %get3A_2013 = tpu.vector_load %arg11[%get3A_2011, %get3A_2012] {strides = array<i32>} : memref<16x1024xf32, #tpu.memory_space<vmem>>, vector<1x16xf32>,
        %get3A_2014 = vector.shape_cast %get3A_2013 : vector<1x16xf32> to vector<16xf32>
        %mul3A_2015 = arith.mulf %select_n3A_1075, %get3A_2014 : vector<16xf32>
        %add3A_2016 = arith.addf %add3A_2010, %mul3A_2015 : vector<16xf32>
        %swap3A_2017 = arith.index_cast %scan3A_22 : i32 to index
        %swap3A_2018 = arith.constant 672 : index
        %swap3A_2019 = tpu.vector_load %arg12[%swap3A_2017, %swap3A_2018] {strides = array<i32>} : memref<16x1024xf32, #tpu.memory_space<vmem>>, vector<1x16xf32>,
        %swap3A_2020 = vector.shape_cast %swap3A_2019 : vector<1x16xf32> to vector<16xf32>
        %swap3A_2021 = vector.shape_cast %add3A_2016 : vector<16xf32> to vector<1x16xf32>
        tpu.vector_store %arg12[%swap3A_2017, %swap3A_2018], %swap3A_2021 {strides = array<i32>} : memref<16x1024xf32, #tpu.memory_space<vmem>>, vector<1x16xf32>,
        %get3A_2022 = arith.index_cast %scan3A_22 : i32 to index
        %get3A_2023 = arith.constant 688 : index
        %get3A_2024 = tpu.vector_load %arg9[%get3A_2022, %get3A_2023] {strides = array<i32>} : memref<16x1024xf32, #tpu.memory_space<vmem>>, vector<1x16xf32>,
        %get3A_2025 = vector.shape_cast %get3A_2024 : vector<1x16xf32> to vector<16xf32>
        %mul3A_2026 = arith.mulf %div3A_1049, %get3A_2025 : vector<16xf32>
        %get3A_2027 = arith.index_cast %scan3A_22 : i32 to index
        %get3A_2028 = arith.constant 688 : index
        %get3A_2029 = tpu.vector_load %arg10[%get3A_2027, %get3A_2028] {strides = array<i32>} : memref<16x1024xf32, #tpu.memory_space<vmem>>, vector<1x16xf32>,
        %get3A_2030 = vector.shape_cast %get3A_2029 : vector<1x16xf32> to vector<16xf32>
        %mul3A_2031 = arith.mulf %select_n3A, %get3A_2030 : vector<16xf32>
        %add3A_2032 = arith.addf %mul3A_2026, %mul3A_2031 : vector<16xf32>
        %get3A_2033 = arith.index_cast %scan3A_22 : i32 to index
        %get3A_2034 = arith.constant 688 : index
        %get3A_2035 = tpu.vector_load %arg11[%get3A_2033, %get3A_2034] {strides = array<i32>} : memref<16x1024xf32, #tpu.memory_space<vmem>>, vector<1x16xf32>,
        %get3A_2036 = vector.shape_cast %get3A_2035 : vector<1x16xf32> to vector<16xf32>
        %mul3A_2037 = arith.mulf %select_n3A_1075, %get3A_2036 : vector<16xf32>
        %add3A_2038 = arith.addf %add3A_2032, %mul3A_2037 : vector<16xf32>
        %swap3A_2039 = arith.index_cast %scan3A_22 : i32 to index
        %swap3A_2040 = arith.constant 688 : index
        %swap3A_2041 = tpu.vector_load %arg12[%swap3A_2039, %swap3A_2040] {strides = array<i32>} : memref<16x1024xf32, #tpu.memory_space<vmem>>, vector<1x16xf32>,
        %swap3A_2042 = vector.shape_cast %swap3A_2041 : vector<1x16xf32> to vector<16xf32>
        %swap3A_2043 = vector.shape_cast %add3A_2038 : vector<16xf32> to vector<1x16xf32>
        tpu.vector_store %arg12[%swap3A_2039, %swap3A_2040], %swap3A_2043 {strides = array<i32>} : memref<16x1024xf32, #tpu.memory_space<vmem>>, vector<1x16xf32>,
        %get3A_2044 = arith.index_cast %scan3A_22 : i32 to index
        %get3A_2045 = arith.constant 704 : index
        %get3A_2046 = tpu.vector_load %arg9[%get3A_2044, %get3A_2045] {strides = array<i32>} : memref<16x1024xf32, #tpu.memory_space<vmem>>, vector<1x16xf32>,
        %get3A_2047 = vector.shape_cast %get3A_2046 : vector<1x16xf32> to vector<16xf32>
        %mul3A_2048 = arith.mulf %div3A_1049, %get3A_2047 : vector<16xf32>
        %get3A_2049 = arith.index_cast %scan3A_22 : i32 to index
        %get3A_2050 = arith.constant 704 : index
        %get3A_2051 = tpu.vector_load %arg10[%get3A_2049, %get3A_2050] {strides = array<i32>} : memref<16x1024xf32, #tpu.memory_space<vmem>>, vector<1x16xf32>,
        %get3A_2052 = vector.shape_cast %get3A_2051 : vector<1x16xf32> to vector<16xf32>
        %mul3A_2053 = arith.mulf %select_n3A, %get3A_2052 : vector<16xf32>
        %add3A_2054 = arith.addf %mul3A_2048, %mul3A_2053 : vector<16xf32>
        %get3A_2055 = arith.index_cast %scan3A_22 : i32 to index
        %get3A_2056 = arith.constant 704 : index
        %get3A_2057 = tpu.vector_load %arg11[%get3A_2055, %get3A_2056] {strides = array<i32>} : memref<16x1024xf32, #tpu.memory_space<vmem>>, vector<1x16xf32>,
        %get3A_2058 = vector.shape_cast %get3A_2057 : vector<1x16xf32> to vector<16xf32>
        %mul3A_2059 = arith.mulf %select_n3A_1075, %get3A_2058 : vector<16xf32>
        %add3A_2060 = arith.addf %add3A_2054, %mul3A_2059 : vector<16xf32>
        %swap3A_2061 = arith.index_cast %scan3A_22 : i32 to index
        %swap3A_2062 = arith.constant 704 : index
        %swap3A_2063 = tpu.vector_load %arg12[%swap3A_2061, %swap3A_2062] {strides = array<i32>} : memref<16x1024xf32, #tpu.memory_space<vmem>>, vector<1x16xf32>,
        %swap3A_2064 = vector.shape_cast %swap3A_2063 : vector<1x16xf32> to vector<16xf32>
        %swap3A_2065 = vector.shape_cast %add3A_2060 : vector<16xf32> to vector<1x16xf32>
        tpu.vector_store %arg12[%swap3A_2061, %swap3A_2062], %swap3A_2065 {strides = array<i32>} : memref<16x1024xf32, #tpu.memory_space<vmem>>, vector<1x16xf32>,
        %get3A_2066 = arith.index_cast %scan3A_22 : i32 to index
        %get3A_2067 = arith.constant 720 : index
        %get3A_2068 = tpu.vector_load %arg9[%get3A_2066, %get3A_2067] {strides = array<i32>} : memref<16x1024xf32, #tpu.memory_space<vmem>>, vector<1x16xf32>,
        %get3A_2069 = vector.shape_cast %get3A_2068 : vector<1x16xf32> to vector<16xf32>
        %mul3A_2070 = arith.mulf %div3A_1049, %get3A_2069 : vector<16xf32>
        %get3A_2071 = arith.index_cast %scan3A_22 : i32 to index
        %get3A_2072 = arith.constant 720 : index
        %get3A_2073 = tpu.vector_load %arg10[%get3A_2071, %get3A_2072] {strides = array<i32>} : memref<16x1024xf32, #tpu.memory_space<vmem>>, vector<1x16xf32>,
        %get3A_2074 = vector.shape_cast %get3A_2073 : vector<1x16xf32> to vector<16xf32>
        %mul3A_2075 = arith.mulf %select_n3A, %get3A_2074 : vector<16xf32>
        %add3A_2076 = arith.addf %mul3A_2070, %mul3A_2075 : vector<16xf32>
        %get3A_2077 = arith.index_cast %scan3A_22 : i32 to index
        %get3A_2078 = arith.constant 720 : index
        %get3A_2079 = tpu.vector_load %arg11[%get3A_2077, %get3A_2078] {strides = array<i32>} : memref<16x1024xf32, #tpu.memory_space<vmem>>, vector<1x16xf32>,
        %get3A_2080 = vector.shape_cast %get3A_2079 : vector<1x16xf32> to vector<16xf32>
        %mul3A_2081 = arith.mulf %select_n3A_1075, %get3A_2080 : vector<16xf32>
        %add3A_2082 = arith.addf %add3A_2076, %mul3A_2081 : vector<16xf32>
        %swap3A_2083 = arith.index_cast %scan3A_22 : i32 to index
        %swap3A_2084 = arith.constant 720 : index
        %swap3A_2085 = tpu.vector_load %arg12[%swap3A_2083, %swap3A_2084] {strides = array<i32>} : memref<16x1024xf32, #tpu.memory_space<vmem>>, vector<1x16xf32>,
        %swap3A_2086 = vector.shape_cast %swap3A_2085 : vector<1x16xf32> to vector<16xf32>
        %swap3A_2087 = vector.shape_cast %add3A_2082 : vector<16xf32> to vector<1x16xf32>
        tpu.vector_store %arg12[%swap3A_2083, %swap3A_2084], %swap3A_2087 {strides = array<i32>} : memref<16x1024xf32, #tpu.memory_space<vmem>>, vector<1x16xf32>,
        %get3A_2088 = arith.index_cast %scan3A_22 : i32 to index
        %get3A_2089 = arith.constant 736 : index
        %get3A_2090 = tpu.vector_load %arg9[%get3A_2088, %get3A_2089] {strides = array<i32>} : memref<16x1024xf32, #tpu.memory_space<vmem>>, vector<1x16xf32>,
        %get3A_2091 = vector.shape_cast %get3A_2090 : vector<1x16xf32> to vector<16xf32>
        %mul3A_2092 = arith.mulf %div3A_1049, %get3A_2091 : vector<16xf32>
        %get3A_2093 = arith.index_cast %scan3A_22 : i32 to index
        %get3A_2094 = arith.constant 736 : index
        %get3A_2095 = tpu.vector_load %arg10[%get3A_2093, %get3A_2094] {strides = array<i32>} : memref<16x1024xf32, #tpu.memory_space<vmem>>, vector<1x16xf32>,
        %get3A_2096 = vector.shape_cast %get3A_2095 : vector<1x16xf32> to vector<16xf32>
        %mul3A_2097 = arith.mulf %select_n3A, %get3A_2096 : vector<16xf32>
        %add3A_2098 = arith.addf %mul3A_2092, %mul3A_2097 : vector<16xf32>
        %get3A_2099 = arith.index_cast %scan3A_22 : i32 to index
        %get3A_2100 = arith.constant 736 : index
        %get3A_2101 = tpu.vector_load %arg11[%get3A_2099, %get3A_2100] {strides = array<i32>} : memref<16x1024xf32, #tpu.memory_space<vmem>>, vector<1x16xf32>,
        %get3A_2102 = vector.shape_cast %get3A_2101 : vector<1x16xf32> to vector<16xf32>
        %mul3A_2103 = arith.mulf %select_n3A_1075, %get3A_2102 : vector<16xf32>
        %add3A_2104 = arith.addf %add3A_2098, %mul3A_2103 : vector<16xf32>
        %swap3A_2105 = arith.index_cast %scan3A_22 : i32 to index
        %swap3A_2106 = arith.constant 736 : index
        %swap3A_2107 = tpu.vector_load %arg12[%swap3A_2105, %swap3A_2106] {strides = array<i32>} : memref<16x1024xf32, #tpu.memory_space<vmem>>, vector<1x16xf32>,
        %swap3A_2108 = vector.shape_cast %swap3A_2107 : vector<1x16xf32> to vector<16xf32>
        %swap3A_2109 = vector.shape_cast %add3A_2104 : vector<16xf32> to vector<1x16xf32>
        tpu.vector_store %arg12[%swap3A_2105, %swap3A_2106], %swap3A_2109 {strides = array<i32>} : memref<16x1024xf32, #tpu.memory_space<vmem>>, vector<1x16xf32>,
        %get3A_2110 = arith.index_cast %scan3A_22 : i32 to index
        %get3A_2111 = arith.constant 752 : index
        %get3A_2112 = tpu.vector_load %arg9[%get3A_2110, %get3A_2111] {strides = array<i32>} : memref<16x1024xf32, #tpu.memory_space<vmem>>, vector<1x16xf32>,
        %get3A_2113 = vector.shape_cast %get3A_2112 : vector<1x16xf32> to vector<16xf32>
        %mul3A_2114 = arith.mulf %div3A_1049, %get3A_2113 : vector<16xf32>
        %get3A_2115 = arith.index_cast %scan3A_22 : i32 to index
        %get3A_2116 = arith.constant 752 : index
        %get3A_2117 = tpu.vector_load %arg10[%get3A_2115, %get3A_2116] {strides = array<i32>} : memref<16x1024xf32, #tpu.memory_space<vmem>>, vector<1x16xf32>,
        %get3A_2118 = vector.shape_cast %get3A_2117 : vector<1x16xf32> to vector<16xf32>
        %mul3A_2119 = arith.mulf %select_n3A, %get3A_2118 : vector<16xf32>
        %add3A_2120 = arith.addf %mul3A_2114, %mul3A_2119 : vector<16xf32>
        %get3A_2121 = arith.index_cast %scan3A_22 : i32 to index
        %get3A_2122 = arith.constant 752 : index
        %get3A_2123 = tpu.vector_load %arg11[%get3A_2121, %get3A_2122] {strides = array<i32>} : memref<16x1024xf32, #tpu.memory_space<vmem>>, vector<1x16xf32>,
        %get3A_2124 = vector.shape_cast %get3A_2123 : vector<1x16xf32> to vector<16xf32>
        %mul3A_2125 = arith.mulf %select_n3A_1075, %get3A_2124 : vector<16xf32>
        %add3A_2126 = arith.addf %add3A_2120, %mul3A_2125 : vector<16xf32>
        %swap3A_2127 = arith.index_cast %scan3A_22 : i32 to index
        %swap3A_2128 = arith.constant 752 : index
        %swap3A_2129 = tpu.vector_load %arg12[%swap3A_2127, %swap3A_2128] {strides = array<i32>} : memref<16x1024xf32, #tpu.memory_space<vmem>>, vector<1x16xf32>,
        %swap3A_2130 = vector.shape_cast %swap3A_2129 : vector<1x16xf32> to vector<16xf32>
        %swap3A_2131 = vector.shape_cast %add3A_2126 : vector<16xf32> to vector<1x16xf32>
        tpu.vector_store %arg12[%swap3A_2127, %swap3A_2128], %swap3A_2131 {strides = array<i32>} : memref<16x1024xf32, #tpu.memory_space<vmem>>, vector<1x16xf32>,
        %get3A_2132 = arith.index_cast %scan3A_22 : i32 to index
        %get3A_2133 = arith.constant 768 : index
        %get3A_2134 = tpu.vector_load %arg9[%get3A_2132, %get3A_2133] {strides = array<i32>} : memref<16x1024xf32, #tpu.memory_space<vmem>>, vector<1x16xf32>,
        %get3A_2135 = vector.shape_cast %get3A_2134 : vector<1x16xf32> to vector<16xf32>
        %mul3A_2136 = arith.mulf %div3A_1049, %get3A_2135 : vector<16xf32>
        %get3A_2137 = arith.index_cast %scan3A_22 : i32 to index
        %get3A_2138 = arith.constant 768 : index
        %get3A_2139 = tpu.vector_load %arg10[%get3A_2137, %get3A_2138] {strides = array<i32>} : memref<16x1024xf32, #tpu.memory_space<vmem>>, vector<1x16xf32>,
        %get3A_2140 = vector.shape_cast %get3A_2139 : vector<1x16xf32> to vector<16xf32>
        %mul3A_2141 = arith.mulf %select_n3A, %get3A_2140 : vector<16xf32>
        %add3A_2142 = arith.addf %mul3A_2136, %mul3A_2141 : vector<16xf32>
        %get3A_2143 = arith.index_cast %scan3A_22 : i32 to index
        %get3A_2144 = arith.constant 768 : index
        %get3A_2145 = tpu.vector_load %arg11[%get3A_2143, %get3A_2144] {strides = array<i32>} : memref<16x1024xf32, #tpu.memory_space<vmem>>, vector<1x16xf32>,
        %get3A_2146 = vector.shape_cast %get3A_2145 : vector<1x16xf32> to vector<16xf32>
        %mul3A_2147 = arith.mulf %select_n3A_1075, %get3A_2146 : vector<16xf32>
        %add3A_2148 = arith.addf %add3A_2142, %mul3A_2147 : vector<16xf32>
        %swap3A_2149 = arith.index_cast %scan3A_22 : i32 to index
        %swap3A_2150 = arith.constant 768 : index
        %swap3A_2151 = tpu.vector_load %arg12[%swap3A_2149, %swap3A_2150] {strides = array<i32>} : memref<16x1024xf32, #tpu.memory_space<vmem>>, vector<1x16xf32>,
        %swap3A_2152 = vector.shape_cast %swap3A_2151 : vector<1x16xf32> to vector<16xf32>
        %swap3A_2153 = vector.shape_cast %add3A_2148 : vector<16xf32> to vector<1x16xf32>
        tpu.vector_store %arg12[%swap3A_2149, %swap3A_2150], %swap3A_2153 {strides = array<i32>} : memref<16x1024xf32, #tpu.memory_space<vmem>>, vector<1x16xf32>,
        %get3A_2154 = arith.index_cast %scan3A_22 : i32 to index
        %get3A_2155 = arith.constant 784 : index
        %get3A_2156 = tpu.vector_load %arg9[%get3A_2154, %get3A_2155] {strides = array<i32>} : memref<16x1024xf32, #tpu.memory_space<vmem>>, vector<1x16xf32>,
        %get3A_2157 = vector.shape_cast %get3A_2156 : vector<1x16xf32> to vector<16xf32>
        %mul3A_2158 = arith.mulf %div3A_1049, %get3A_2157 : vector<16xf32>
        %get3A_2159 = arith.index_cast %scan3A_22 : i32 to index
        %get3A_2160 = arith.constant 784 : index
        %get3A_2161 = tpu.vector_load %arg10[%get3A_2159, %get3A_2160] {strides = array<i32>} : memref<16x1024xf32, #tpu.memory_space<vmem>>, vector<1x16xf32>,
        %get3A_2162 = vector.shape_cast %get3A_2161 : vector<1x16xf32> to vector<16xf32>
        %mul3A_2163 = arith.mulf %select_n3A, %get3A_2162 : vector<16xf32>
        %add3A_2164 = arith.addf %mul3A_2158, %mul3A_2163 : vector<16xf32>
        %get3A_2165 = arith.index_cast %scan3A_22 : i32 to index
        %get3A_2166 = arith.constant 784 : index
        %get3A_2167 = tpu.vector_load %arg11[%get3A_2165, %get3A_2166] {strides = array<i32>} : memref<16x1024xf32, #tpu.memory_space<vmem>>, vector<1x16xf32>,
        %get3A_2168 = vector.shape_cast %get3A_2167 : vector<1x16xf32> to vector<16xf32>
        %mul3A_2169 = arith.mulf %select_n3A_1075, %get3A_2168 : vector<16xf32>
        %add3A_2170 = arith.addf %add3A_2164, %mul3A_2169 : vector<16xf32>
        %swap3A_2171 = arith.index_cast %scan3A_22 : i32 to index
        %swap3A_2172 = arith.constant 784 : index
        %swap3A_2173 = tpu.vector_load %arg12[%swap3A_2171, %swap3A_2172] {strides = array<i32>} : memref<16x1024xf32, #tpu.memory_space<vmem>>, vector<1x16xf32>,
        %swap3A_2174 = vector.shape_cast %swap3A_2173 : vector<1x16xf32> to vector<16xf32>
        %swap3A_2175 = vector.shape_cast %add3A_2170 : vector<16xf32> to vector<1x16xf32>
        tpu.vector_store %arg12[%swap3A_2171, %swap3A_2172], %swap3A_2175 {strides = array<i32>} : memref<16x1024xf32, #tpu.memory_space<vmem>>, vector<1x16xf32>,
        %get3A_2176 = arith.index_cast %scan3A_22 : i32 to index
        %get3A_2177 = arith.constant 800 : index
        %get3A_2178 = tpu.vector_load %arg9[%get3A_2176, %get3A_2177] {strides = array<i32>} : memref<16x1024xf32, #tpu.memory_space<vmem>>, vector<1x16xf32>,
        %get3A_2179 = vector.shape_cast %get3A_2178 : vector<1x16xf32> to vector<16xf32>
        %mul3A_2180 = arith.mulf %div3A_1049, %get3A_2179 : vector<16xf32>
        %get3A_2181 = arith.index_cast %scan3A_22 : i32 to index
        %get3A_2182 = arith.constant 800 : index
        %get3A_2183 = tpu.vector_load %arg10[%get3A_2181, %get3A_2182] {strides = array<i32>} : memref<16x1024xf32, #tpu.memory_space<vmem>>, vector<1x16xf32>,
        %get3A_2184 = vector.shape_cast %get3A_2183 : vector<1x16xf32> to vector<16xf32>
        %mul3A_2185 = arith.mulf %select_n3A, %get3A_2184 : vector<16xf32>
        %add3A_2186 = arith.addf %mul3A_2180, %mul3A_2185 : vector<16xf32>
        %get3A_2187 = arith.index_cast %scan3A_22 : i32 to index
        %get3A_2188 = arith.constant 800 : index
        %get3A_2189 = tpu.vector_load %arg11[%get3A_2187, %get3A_2188] {strides = array<i32>} : memref<16x1024xf32, #tpu.memory_space<vmem>>, vector<1x16xf32>,
        %get3A_2190 = vector.shape_cast %get3A_2189 : vector<1x16xf32> to vector<16xf32>
        %mul3A_2191 = arith.mulf %select_n3A_1075, %get3A_2190 : vector<16xf32>
        %add3A_2192 = arith.addf %add3A_2186, %mul3A_2191 : vector<16xf32>
        %swap3A_2193 = arith.index_cast %scan3A_22 : i32 to index
        %swap3A_2194 = arith.constant 800 : index
        %swap3A_2195 = tpu.vector_load %arg12[%swap3A_2193, %swap3A_2194] {strides = array<i32>} : memref<16x1024xf32, #tpu.memory_space<vmem>>, vector<1x16xf32>,
        %swap3A_2196 = vector.shape_cast %swap3A_2195 : vector<1x16xf32> to vector<16xf32>
        %swap3A_2197 = vector.shape_cast %add3A_2192 : vector<16xf32> to vector<1x16xf32>
        tpu.vector_store %arg12[%swap3A_2193, %swap3A_2194], %swap3A_2197 {strides = array<i32>} : memref<16x1024xf32, #tpu.memory_space<vmem>>, vector<1x16xf32>,
        %get3A_2198 = arith.index_cast %scan3A_22 : i32 to index
        %get3A_2199 = arith.constant 816 : index
        %get3A_2200 = tpu.vector_load %arg9[%get3A_2198, %get3A_2199] {strides = array<i32>} : memref<16x1024xf32, #tpu.memory_space<vmem>>, vector<1x16xf32>,
        %get3A_2201 = vector.shape_cast %get3A_2200 : vector<1x16xf32> to vector<16xf32>
        %mul3A_2202 = arith.mulf %div3A_1049, %get3A_2201 : vector<16xf32>
        %get3A_2203 = arith.index_cast %scan3A_22 : i32 to index
        %get3A_2204 = arith.constant 816 : index
        %get3A_2205 = tpu.vector_load %arg10[%get3A_2203, %get3A_2204] {strides = array<i32>} : memref<16x1024xf32, #tpu.memory_space<vmem>>, vector<1x16xf32>,
        %get3A_2206 = vector.shape_cast %get3A_2205 : vector<1x16xf32> to vector<16xf32>
        %mul3A_2207 = arith.mulf %select_n3A, %get3A_2206 : vector<16xf32>
        %add3A_2208 = arith.addf %mul3A_2202, %mul3A_2207 : vector<16xf32>
        %get3A_2209 = arith.index_cast %scan3A_22 : i32 to index
        %get3A_2210 = arith.constant 816 : index
        %get3A_2211 = tpu.vector_load %arg11[%get3A_2209, %get3A_2210] {strides = array<i32>} : memref<16x1024xf32, #tpu.memory_space<vmem>>, vector<1x16xf32>,
        %get3A_2212 = vector.shape_cast %get3A_2211 : vector<1x16xf32> to vector<16xf32>
        %mul3A_2213 = arith.mulf %select_n3A_1075, %get3A_2212 : vector<16xf32>
        %add3A_2214 = arith.addf %add3A_2208, %mul3A_2213 : vector<16xf32>
        %swap3A_2215 = arith.index_cast %scan3A_22 : i32 to index
        %swap3A_2216 = arith.constant 816 : index
        %swap3A_2217 = tpu.vector_load %arg12[%swap3A_2215, %swap3A_2216] {strides = array<i32>} : memref<16x1024xf32, #tpu.memory_space<vmem>>, vector<1x16xf32>,
        %swap3A_2218 = vector.shape_cast %swap3A_2217 : vector<1x16xf32> to vector<16xf32>
        %swap3A_2219 = vector.shape_cast %add3A_2214 : vector<16xf32> to vector<1x16xf32>
        tpu.vector_store %arg12[%swap3A_2215, %swap3A_2216], %swap3A_2219 {strides = array<i32>} : memref<16x1024xf32, #tpu.memory_space<vmem>>, vector<1x16xf32>,
        %get3A_2220 = arith.index_cast %scan3A_22 : i32 to index
        %get3A_2221 = arith.constant 832 : index
        %get3A_2222 = tpu.vector_load %arg9[%get3A_2220, %get3A_2221] {strides = array<i32>} : memref<16x1024xf32, #tpu.memory_space<vmem>>, vector<1x16xf32>,
        %get3A_2223 = vector.shape_cast %get3A_2222 : vector<1x16xf32> to vector<16xf32>
        %mul3A_2224 = arith.mulf %div3A_1049, %get3A_2223 : vector<16xf32>
        %get3A_2225 = arith.index_cast %scan3A_22 : i32 to index
        %get3A_2226 = arith.constant 832 : index
        %get3A_2227 = tpu.vector_load %arg10[%get3A_2225, %get3A_2226] {strides = array<i32>} : memref<16x1024xf32, #tpu.memory_space<vmem>>, vector<1x16xf32>,
        %get3A_2228 = vector.shape_cast %get3A_2227 : vector<1x16xf32> to vector<16xf32>
        %mul3A_2229 = arith.mulf %select_n3A, %get3A_2228 : vector<16xf32>
        %add3A_2230 = arith.addf %mul3A_2224, %mul3A_2229 : vector<16xf32>
        %get3A_2231 = arith.index_cast %scan3A_22 : i32 to index
        %get3A_2232 = arith.constant 832 : index
        %get3A_2233 = tpu.vector_load %arg11[%get3A_2231, %get3A_2232] {strides = array<i32>} : memref<16x1024xf32, #tpu.memory_space<vmem>>, vector<1x16xf32>,
        %get3A_2234 = vector.shape_cast %get3A_2233 : vector<1x16xf32> to vector<16xf32>
        %mul3A_2235 = arith.mulf %select_n3A_1075, %get3A_2234 : vector<16xf32>
        %add3A_2236 = arith.addf %add3A_2230, %mul3A_2235 : vector<16xf32>
        %swap3A_2237 = arith.index_cast %scan3A_22 : i32 to index
        %swap3A_2238 = arith.constant 832 : index
        %swap3A_2239 = tpu.vector_load %arg12[%swap3A_2237, %swap3A_2238] {strides = array<i32>} : memref<16x1024xf32, #tpu.memory_space<vmem>>, vector<1x16xf32>,
        %swap3A_2240 = vector.shape_cast %swap3A_2239 : vector<1x16xf32> to vector<16xf32>
        %swap3A_2241 = vector.shape_cast %add3A_2236 : vector<16xf32> to vector<1x16xf32>
        tpu.vector_store %arg12[%swap3A_2237, %swap3A_2238], %swap3A_2241 {strides = array<i32>} : memref<16x1024xf32, #tpu.memory_space<vmem>>, vector<1x16xf32>,
        %get3A_2242 = arith.index_cast %scan3A_22 : i32 to index
        %get3A_2243 = arith.constant 848 : index
        %get3A_2244 = tpu.vector_load %arg9[%get3A_2242, %get3A_2243] {strides = array<i32>} : memref<16x1024xf32, #tpu.memory_space<vmem>>, vector<1x16xf32>,
        %get3A_2245 = vector.shape_cast %get3A_2244 : vector<1x16xf32> to vector<16xf32>
        %mul3A_2246 = arith.mulf %div3A_1049, %get3A_2245 : vector<16xf32>
        %get3A_2247 = arith.index_cast %scan3A_22 : i32 to index
        %get3A_2248 = arith.constant 848 : index
        %get3A_2249 = tpu.vector_load %arg10[%get3A_2247, %get3A_2248] {strides = array<i32>} : memref<16x1024xf32, #tpu.memory_space<vmem>>, vector<1x16xf32>,
        %get3A_2250 = vector.shape_cast %get3A_2249 : vector<1x16xf32> to vector<16xf32>
        %mul3A_2251 = arith.mulf %select_n3A, %get3A_2250 : vector<16xf32>
        %add3A_2252 = arith.addf %mul3A_2246, %mul3A_2251 : vector<16xf32>
        %get3A_2253 = arith.index_cast %scan3A_22 : i32 to index
        %get3A_2254 = arith.constant 848 : index
        %get3A_2255 = tpu.vector_load %arg11[%get3A_2253, %get3A_2254] {strides = array<i32>} : memref<16x1024xf32, #tpu.memory_space<vmem>>, vector<1x16xf32>,
        %get3A_2256 = vector.shape_cast %get3A_2255 : vector<1x16xf32> to vector<16xf32>
        %mul3A_2257 = arith.mulf %select_n3A_1075, %get3A_2256 : vector<16xf32>
        %add3A_2258 = arith.addf %add3A_2252, %mul3A_2257 : vector<16xf32>
        %swap3A_2259 = arith.index_cast %scan3A_22 : i32 to index
        %swap3A_2260 = arith.constant 848 : index
        %swap3A_2261 = tpu.vector_load %arg12[%swap3A_2259, %swap3A_2260] {strides = array<i32>} : memref<16x1024xf32, #tpu.memory_space<vmem>>, vector<1x16xf32>,
        %swap3A_2262 = vector.shape_cast %swap3A_2261 : vector<1x16xf32> to vector<16xf32>
        %swap3A_2263 = vector.shape_cast %add3A_2258 : vector<16xf32> to vector<1x16xf32>
        tpu.vector_store %arg12[%swap3A_2259, %swap3A_2260], %swap3A_2263 {strides = array<i32>} : memref<16x1024xf32, #tpu.memory_space<vmem>>, vector<1x16xf32>,
        %get3A_2264 = arith.index_cast %scan3A_22 : i32 to index
        %get3A_2265 = arith.constant 864 : index
        %get3A_2266 = tpu.vector_load %arg9[%get3A_2264, %get3A_2265] {strides = array<i32>} : memref<16x1024xf32, #tpu.memory_space<vmem>>, vector<1x16xf32>,
        %get3A_2267 = vector.shape_cast %get3A_2266 : vector<1x16xf32> to vector<16xf32>
        %mul3A_2268 = arith.mulf %div3A_1049, %get3A_2267 : vector<16xf32>
        %get3A_2269 = arith.index_cast %scan3A_22 : i32 to index
        %get3A_2270 = arith.constant 864 : index
        %get3A_2271 = tpu.vector_load %arg10[%get3A_2269, %get3A_2270] {strides = array<i32>} : memref<16x1024xf32, #tpu.memory_space<vmem>>, vector<1x16xf32>,
        %get3A_2272 = vector.shape_cast %get3A_2271 : vector<1x16xf32> to vector<16xf32>
        %mul3A_2273 = arith.mulf %select_n3A, %get3A_2272 : vector<16xf32>
        %add3A_2274 = arith.addf %mul3A_2268, %mul3A_2273 : vector<16xf32>
        %get3A_2275 = arith.index_cast %scan3A_22 : i32 to index
        %get3A_2276 = arith.constant 864 : index
        %get3A_2277 = tpu.vector_load %arg11[%get3A_2275, %get3A_2276] {strides = array<i32>} : memref<16x1024xf32, #tpu.memory_space<vmem>>, vector<1x16xf32>,
        %get3A_2278 = vector.shape_cast %get3A_2277 : vector<1x16xf32> to vector<16xf32>
        %mul3A_2279 = arith.mulf %select_n3A_1075, %get3A_2278 : vector<16xf32>
        %add3A_2280 = arith.addf %add3A_2274, %mul3A_2279 : vector<16xf32>
        %swap3A_2281 = arith.index_cast %scan3A_22 : i32 to index
        %swap3A_2282 = arith.constant 864 : index
        %swap3A_2283 = tpu.vector_load %arg12[%swap3A_2281, %swap3A_2282] {strides = array<i32>} : memref<16x1024xf32, #tpu.memory_space<vmem>>, vector<1x16xf32>,
        %swap3A_2284 = vector.shape_cast %swap3A_2283 : vector<1x16xf32> to vector<16xf32>
        %swap3A_2285 = vector.shape_cast %add3A_2280 : vector<16xf32> to vector<1x16xf32>
        tpu.vector_store %arg12[%swap3A_2281, %swap3A_2282], %swap3A_2285 {strides = array<i32>} : memref<16x1024xf32, #tpu.memory_space<vmem>>, vector<1x16xf32>,
        %get3A_2286 = arith.index_cast %scan3A_22 : i32 to index
        %get3A_2287 = arith.constant 880 : index
        %get3A_2288 = tpu.vector_load %arg9[%get3A_2286, %get3A_2287] {strides = array<i32>} : memref<16x1024xf32, #tpu.memory_space<vmem>>, vector<1x16xf32>,
        %get3A_2289 = vector.shape_cast %get3A_2288 : vector<1x16xf32> to vector<16xf32>
        %mul3A_2290 = arith.mulf %div3A_1049, %get3A_2289 : vector<16xf32>
        %get3A_2291 = arith.index_cast %scan3A_22 : i32 to index
        %get3A_2292 = arith.constant 880 : index
        %get3A_2293 = tpu.vector_load %arg10[%get3A_2291, %get3A_2292] {strides = array<i32>} : memref<16x1024xf32, #tpu.memory_space<vmem>>, vector<1x16xf32>,
        %get3A_2294 = vector.shape_cast %get3A_2293 : vector<1x16xf32> to vector<16xf32>
        %mul3A_2295 = arith.mulf %select_n3A, %get3A_2294 : vector<16xf32>
        %add3A_2296 = arith.addf %mul3A_2290, %mul3A_2295 : vector<16xf32>
        %get3A_2297 = arith.index_cast %scan3A_22 : i32 to index
        %get3A_2298 = arith.constant 880 : index
        %get3A_2299 = tpu.vector_load %arg11[%get3A_2297, %get3A_2298] {strides = array<i32>} : memref<16x1024xf32, #tpu.memory_space<vmem>>, vector<1x16xf32>,
        %get3A_2300 = vector.shape_cast %get3A_2299 : vector<1x16xf32> to vector<16xf32>
        %mul3A_2301 = arith.mulf %select_n3A_1075, %get3A_2300 : vector<16xf32>
        %add3A_2302 = arith.addf %add3A_2296, %mul3A_2301 : vector<16xf32>
        %swap3A_2303 = arith.index_cast %scan3A_22 : i32 to index
        %swap3A_2304 = arith.constant 880 : index
        %swap3A_2305 = tpu.vector_load %arg12[%swap3A_2303, %swap3A_2304] {strides = array<i32>} : memref<16x1024xf32, #tpu.memory_space<vmem>>, vector<1x16xf32>,
        %swap3A_2306 = vector.shape_cast %swap3A_2305 : vector<1x16xf32> to vector<16xf32>
        %swap3A_2307 = vector.shape_cast %add3A_2302 : vector<16xf32> to vector<1x16xf32>
        tpu.vector_store %arg12[%swap3A_2303, %swap3A_2304], %swap3A_2307 {strides = array<i32>} : memref<16x1024xf32, #tpu.memory_space<vmem>>, vector<1x16xf32>,
        %get3A_2308 = arith.index_cast %scan3A_22 : i32 to index
        %get3A_2309 = arith.constant 896 : index
        %get3A_2310 = tpu.vector_load %arg9[%get3A_2308, %get3A_2309] {strides = array<i32>} : memref<16x1024xf32, #tpu.memory_space<vmem>>, vector<1x16xf32>,
        %get3A_2311 = vector.shape_cast %get3A_2310 : vector<1x16xf32> to vector<16xf32>
        %mul3A_2312 = arith.mulf %div3A_1049, %get3A_2311 : vector<16xf32>
        %get3A_2313 = arith.index_cast %scan3A_22 : i32 to index
        %get3A_2314 = arith.constant 896 : index
        %get3A_2315 = tpu.vector_load %arg10[%get3A_2313, %get3A_2314] {strides = array<i32>} : memref<16x1024xf32, #tpu.memory_space<vmem>>, vector<1x16xf32>,
        %get3A_2316 = vector.shape_cast %get3A_2315 : vector<1x16xf32> to vector<16xf32>
        %mul3A_2317 = arith.mulf %select_n3A, %get3A_2316 : vector<16xf32>
        %add3A_2318 = arith.addf %mul3A_2312, %mul3A_2317 : vector<16xf32>
        %get3A_2319 = arith.index_cast %scan3A_22 : i32 to index
        %get3A_2320 = arith.constant 896 : index
        %get3A_2321 = tpu.vector_load %arg11[%get3A_2319, %get3A_2320] {strides = array<i32>} : memref<16x1024xf32, #tpu.memory_space<vmem>>, vector<1x16xf32>,
        %get3A_2322 = vector.shape_cast %get3A_2321 : vector<1x16xf32> to vector<16xf32>
        %mul3A_2323 = arith.mulf %select_n3A_1075, %get3A_2322 : vector<16xf32>
        %add3A_2324 = arith.addf %add3A_2318, %mul3A_2323 : vector<16xf32>
        %swap3A_2325 = arith.index_cast %scan3A_22 : i32 to index
        %swap3A_2326 = arith.constant 896 : index
        %swap3A_2327 = tpu.vector_load %arg12[%swap3A_2325, %swap3A_2326] {strides = array<i32>} : memref<16x1024xf32, #tpu.memory_space<vmem>>, vector<1x16xf32>,
        %swap3A_2328 = vector.shape_cast %swap3A_2327 : vector<1x16xf32> to vector<16xf32>
        %swap3A_2329 = vector.shape_cast %add3A_2324 : vector<16xf32> to vector<1x16xf32>
        tpu.vector_store %arg12[%swap3A_2325, %swap3A_2326], %swap3A_2329 {strides = array<i32>} : memref<16x1024xf32, #tpu.memory_space<vmem>>, vector<1x16xf32>,
        %get3A_2330 = arith.index_cast %scan3A_22 : i32 to index
        %get3A_2331 = arith.constant 912 : index
        %get3A_2332 = tpu.vector_load %arg9[%get3A_2330, %get3A_2331] {strides = array<i32>} : memref<16x1024xf32, #tpu.memory_space<vmem>>, vector<1x16xf32>,
        %get3A_2333 = vector.shape_cast %get3A_2332 : vector<1x16xf32> to vector<16xf32>
        %mul3A_2334 = arith.mulf %div3A_1049, %get3A_2333 : vector<16xf32>
        %get3A_2335 = arith.index_cast %scan3A_22 : i32 to index
        %get3A_2336 = arith.constant 912 : index
        %get3A_2337 = tpu.vector_load %arg10[%get3A_2335, %get3A_2336] {strides = array<i32>} : memref<16x1024xf32, #tpu.memory_space<vmem>>, vector<1x16xf32>,
        %get3A_2338 = vector.shape_cast %get3A_2337 : vector<1x16xf32> to vector<16xf32>
        %mul3A_2339 = arith.mulf %select_n3A, %get3A_2338 : vector<16xf32>
        %add3A_2340 = arith.addf %mul3A_2334, %mul3A_2339 : vector<16xf32>
        %get3A_2341 = arith.index_cast %scan3A_22 : i32 to index
        %get3A_2342 = arith.constant 912 : index
        %get3A_2343 = tpu.vector_load %arg11[%get3A_2341, %get3A_2342] {strides = array<i32>} : memref<16x1024xf32, #tpu.memory_space<vmem>>, vector<1x16xf32>,
        %get3A_2344 = vector.shape_cast %get3A_2343 : vector<1x16xf32> to vector<16xf32>
        %mul3A_2345 = arith.mulf %select_n3A_1075, %get3A_2344 : vector<16xf32>
        %add3A_2346 = arith.addf %add3A_2340, %mul3A_2345 : vector<16xf32>
        %swap3A_2347 = arith.index_cast %scan3A_22 : i32 to index
        %swap3A_2348 = arith.constant 912 : index
        %swap3A_2349 = tpu.vector_load %arg12[%swap3A_2347, %swap3A_2348] {strides = array<i32>} : memref<16x1024xf32, #tpu.memory_space<vmem>>, vector<1x16xf32>,
        %swap3A_2350 = vector.shape_cast %swap3A_2349 : vector<1x16xf32> to vector<16xf32>
        %swap3A_2351 = vector.shape_cast %add3A_2346 : vector<16xf32> to vector<1x16xf32>
        tpu.vector_store %arg12[%swap3A_2347, %swap3A_2348], %swap3A_2351 {strides = array<i32>} : memref<16x1024xf32, #tpu.memory_space<vmem>>, vector<1x16xf32>,
        %get3A_2352 = arith.index_cast %scan3A_22 : i32 to index
        %get3A_2353 = arith.constant 928 : index
        %get3A_2354 = tpu.vector_load %arg9[%get3A_2352, %get3A_2353] {strides = array<i32>} : memref<16x1024xf32, #tpu.memory_space<vmem>>, vector<1x16xf32>,
        %get3A_2355 = vector.shape_cast %get3A_2354 : vector<1x16xf32> to vector<16xf32>
        %mul3A_2356 = arith.mulf %div3A_1049, %get3A_2355 : vector<16xf32>
        %get3A_2357 = arith.index_cast %scan3A_22 : i32 to index
        %get3A_2358 = arith.constant 928 : index
        %get3A_2359 = tpu.vector_load %arg10[%get3A_2357, %get3A_2358] {strides = array<i32>} : memref<16x1024xf32, #tpu.memory_space<vmem>>, vector<1x16xf32>,
        %get3A_2360 = vector.shape_cast %get3A_2359 : vector<1x16xf32> to vector<16xf32>
        %mul3A_2361 = arith.mulf %select_n3A, %get3A_2360 : vector<16xf32>
        %add3A_2362 = arith.addf %mul3A_2356, %mul3A_2361 : vector<16xf32>
        %get3A_2363 = arith.index_cast %scan3A_22 : i32 to index
        %get3A_2364 = arith.constant 928 : index
        %get3A_2365 = tpu.vector_load %arg11[%get3A_2363, %get3A_2364] {strides = array<i32>} : memref<16x1024xf32, #tpu.memory_space<vmem>>, vector<1x16xf32>,
        %get3A_2366 = vector.shape_cast %get3A_2365 : vector<1x16xf32> to vector<16xf32>
        %mul3A_2367 = arith.mulf %select_n3A_1075, %get3A_2366 : vector<16xf32>
        %add3A_2368 = arith.addf %add3A_2362, %mul3A_2367 : vector<16xf32>
        %swap3A_2369 = arith.index_cast %scan3A_22 : i32 to index
        %swap3A_2370 = arith.constant 928 : index
        %swap3A_2371 = tpu.vector_load %arg12[%swap3A_2369, %swap3A_2370] {strides = array<i32>} : memref<16x1024xf32, #tpu.memory_space<vmem>>, vector<1x16xf32>,
        %swap3A_2372 = vector.shape_cast %swap3A_2371 : vector<1x16xf32> to vector<16xf32>
        %swap3A_2373 = vector.shape_cast %add3A_2368 : vector<16xf32> to vector<1x16xf32>
        tpu.vector_store %arg12[%swap3A_2369, %swap3A_2370], %swap3A_2373 {strides = array<i32>} : memref<16x1024xf32, #tpu.memory_space<vmem>>, vector<1x16xf32>,
        %get3A_2374 = arith.index_cast %scan3A_22 : i32 to index
        %get3A_2375 = arith.constant 944 : index
        %get3A_2376 = tpu.vector_load %arg9[%get3A_2374, %get3A_2375] {strides = array<i32>} : memref<16x1024xf32, #tpu.memory_space<vmem>>, vector<1x16xf32>,
        %get3A_2377 = vector.shape_cast %get3A_2376 : vector<1x16xf32> to vector<16xf32>
        %mul3A_2378 = arith.mulf %div3A_1049, %get3A_2377 : vector<16xf32>
        %get3A_2379 = arith.index_cast %scan3A_22 : i32 to index
        %get3A_2380 = arith.constant 944 : index
        %get3A_2381 = tpu.vector_load %arg10[%get3A_2379, %get3A_2380] {strides = array<i32>} : memref<16x1024xf32, #tpu.memory_space<vmem>>, vector<1x16xf32>,
        %get3A_2382 = vector.shape_cast %get3A_2381 : vector<1x16xf32> to vector<16xf32>
        %mul3A_2383 = arith.mulf %select_n3A, %get3A_2382 : vector<16xf32>
        %add3A_2384 = arith.addf %mul3A_2378, %mul3A_2383 : vector<16xf32>
        %get3A_2385 = arith.index_cast %scan3A_22 : i32 to index
        %get3A_2386 = arith.constant 944 : index
        %get3A_2387 = tpu.vector_load %arg11[%get3A_2385, %get3A_2386] {strides = array<i32>} : memref<16x1024xf32, #tpu.memory_space<vmem>>, vector<1x16xf32>,
        %get3A_2388 = vector.shape_cast %get3A_2387 : vector<1x16xf32> to vector<16xf32>
        %mul3A_2389 = arith.mulf %select_n3A_1075, %get3A_2388 : vector<16xf32>
        %add3A_2390 = arith.addf %add3A_2384, %mul3A_2389 : vector<16xf32>
        %swap3A_2391 = arith.index_cast %scan3A_22 : i32 to index
        %swap3A_2392 = arith.constant 944 : index
        %swap3A_2393 = tpu.vector_load %arg12[%swap3A_2391, %swap3A_2392] {strides = array<i32>} : memref<16x1024xf32, #tpu.memory_space<vmem>>, vector<1x16xf32>,
        %swap3A_2394 = vector.shape_cast %swap3A_2393 : vector<1x16xf32> to vector<16xf32>
        %swap3A_2395 = vector.shape_cast %add3A_2390 : vector<16xf32> to vector<1x16xf32>
        tpu.vector_store %arg12[%swap3A_2391, %swap3A_2392], %swap3A_2395 {strides = array<i32>} : memref<16x1024xf32, #tpu.memory_space<vmem>>, vector<1x16xf32>,
        %get3A_2396 = arith.index_cast %scan3A_22 : i32 to index
        %get3A_2397 = arith.constant 960 : index
        %get3A_2398 = tpu.vector_load %arg9[%get3A_2396, %get3A_2397] {strides = array<i32>} : memref<16x1024xf32, #tpu.memory_space<vmem>>, vector<1x16xf32>,
        %get3A_2399 = vector.shape_cast %get3A_2398 : vector<1x16xf32> to vector<16xf32>
        %mul3A_2400 = arith.mulf %div3A_1049, %get3A_2399 : vector<16xf32>
        %get3A_2401 = arith.index_cast %scan3A_22 : i32 to index
        %get3A_2402 = arith.constant 960 : index
        %get3A_2403 = tpu.vector_load %arg10[%get3A_2401, %get3A_2402] {strides = array<i32>} : memref<16x1024xf32, #tpu.memory_space<vmem>>, vector<1x16xf32>,
        %get3A_2404 = vector.shape_cast %get3A_2403 : vector<1x16xf32> to vector<16xf32>
        %mul3A_2405 = arith.mulf %select_n3A, %get3A_2404 : vector<16xf32>
        %add3A_2406 = arith.addf %mul3A_2400, %mul3A_2405 : vector<16xf32>
        %get3A_2407 = arith.index_cast %scan3A_22 : i32 to index
        %get3A_2408 = arith.constant 960 : index
        %get3A_2409 = tpu.vector_load %arg11[%get3A_2407, %get3A_2408] {strides = array<i32>} : memref<16x1024xf32, #tpu.memory_space<vmem>>, vector<1x16xf32>,
        %get3A_2410 = vector.shape_cast %get3A_2409 : vector<1x16xf32> to vector<16xf32>
        %mul3A_2411 = arith.mulf %select_n3A_1075, %get3A_2410 : vector<16xf32>
        %add3A_2412 = arith.addf %add3A_2406, %mul3A_2411 : vector<16xf32>
        %swap3A_2413 = arith.index_cast %scan3A_22 : i32 to index
        %swap3A_2414 = arith.constant 960 : index
        %swap3A_2415 = tpu.vector_load %arg12[%swap3A_2413, %swap3A_2414] {strides = array<i32>} : memref<16x1024xf32, #tpu.memory_space<vmem>>, vector<1x16xf32>,
        %swap3A_2416 = vector.shape_cast %swap3A_2415 : vector<1x16xf32> to vector<16xf32>
        %swap3A_2417 = vector.shape_cast %add3A_2412 : vector<16xf32> to vector<1x16xf32>
        tpu.vector_store %arg12[%swap3A_2413, %swap3A_2414], %swap3A_2417 {strides = array<i32>} : memref<16x1024xf32, #tpu.memory_space<vmem>>, vector<1x16xf32>,
        %get3A_2418 = arith.index_cast %scan3A_22 : i32 to index
        %get3A_2419 = arith.constant 976 : index
        %get3A_2420 = tpu.vector_load %arg9[%get3A_2418, %get3A_2419] {strides = array<i32>} : memref<16x1024xf32, #tpu.memory_space<vmem>>, vector<1x16xf32>,
        %get3A_2421 = vector.shape_cast %get3A_2420 : vector<1x16xf32> to vector<16xf32>
        %mul3A_2422 = arith.mulf %div3A_1049, %get3A_2421 : vector<16xf32>
        %get3A_2423 = arith.index_cast %scan3A_22 : i32 to index
        %get3A_2424 = arith.constant 976 : index
        %get3A_2425 = tpu.vector_load %arg10[%get3A_2423, %get3A_2424] {strides = array<i32>} : memref<16x1024xf32, #tpu.memory_space<vmem>>, vector<1x16xf32>,
        %get3A_2426 = vector.shape_cast %get3A_2425 : vector<1x16xf32> to vector<16xf32>
        %mul3A_2427 = arith.mulf %select_n3A, %get3A_2426 : vector<16xf32>
        %add3A_2428 = arith.addf %mul3A_2422, %mul3A_2427 : vector<16xf32>
        %get3A_2429 = arith.index_cast %scan3A_22 : i32 to index
        %get3A_2430 = arith.constant 976 : index
        %get3A_2431 = tpu.vector_load %arg11[%get3A_2429, %get3A_2430] {strides = array<i32>} : memref<16x1024xf32, #tpu.memory_space<vmem>>, vector<1x16xf32>,
        %get3A_2432 = vector.shape_cast %get3A_2431 : vector<1x16xf32> to vector<16xf32>
        %mul3A_2433 = arith.mulf %select_n3A_1075, %get3A_2432 : vector<16xf32>
        %add3A_2434 = arith.addf %add3A_2428, %mul3A_2433 : vector<16xf32>
        %swap3A_2435 = arith.index_cast %scan3A_22 : i32 to index
        %swap3A_2436 = arith.constant 976 : index
        %swap3A_2437 = tpu.vector_load %arg12[%swap3A_2435, %swap3A_2436] {strides = array<i32>} : memref<16x1024xf32, #tpu.memory_space<vmem>>, vector<1x16xf32>,
        %swap3A_2438 = vector.shape_cast %swap3A_2437 : vector<1x16xf32> to vector<16xf32>
        %swap3A_2439 = vector.shape_cast %add3A_2434 : vector<16xf32> to vector<1x16xf32>
        tpu.vector_store %arg12[%swap3A_2435, %swap3A_2436], %swap3A_2439 {strides = array<i32>} : memref<16x1024xf32, #tpu.memory_space<vmem>>, vector<1x16xf32>,
        %get3A_2440 = arith.index_cast %scan3A_22 : i32 to index
        %get3A_2441 = arith.constant 992 : index
        %get3A_2442 = tpu.vector_load %arg9[%get3A_2440, %get3A_2441] {strides = array<i32>} : memref<16x1024xf32, #tpu.memory_space<vmem>>, vector<1x16xf32>,
        %get3A_2443 = vector.shape_cast %get3A_2442 : vector<1x16xf32> to vector<16xf32>
        %mul3A_2444 = arith.mulf %div3A_1049, %get3A_2443 : vector<16xf32>
        %get3A_2445 = arith.index_cast %scan3A_22 : i32 to index
        %get3A_2446 = arith.constant 992 : index
        %get3A_2447 = tpu.vector_load %arg10[%get3A_2445, %get3A_2446] {strides = array<i32>} : memref<16x1024xf32, #tpu.memory_space<vmem>>, vector<1x16xf32>,
        %get3A_2448 = vector.shape_cast %get3A_2447 : vector<1x16xf32> to vector<16xf32>
        %mul3A_2449 = arith.mulf %select_n3A, %get3A_2448 : vector<16xf32>
        %add3A_2450 = arith.addf %mul3A_2444, %mul3A_2449 : vector<16xf32>
        %get3A_2451 = arith.index_cast %scan3A_22 : i32 to index
        %get3A_2452 = arith.constant 992 : index
        %get3A_2453 = tpu.vector_load %arg11[%get3A_2451, %get3A_2452] {strides = array<i32>} : memref<16x1024xf32, #tpu.memory_space<vmem>>, vector<1x16xf32>,
        %get3A_2454 = vector.shape_cast %get3A_2453 : vector<1x16xf32> to vector<16xf32>
        %mul3A_2455 = arith.mulf %select_n3A_1075, %get3A_2454 : vector<16xf32>
        %add3A_2456 = arith.addf %add3A_2450, %mul3A_2455 : vector<16xf32>
        %swap3A_2457 = arith.index_cast %scan3A_22 : i32 to index
        %swap3A_2458 = arith.constant 992 : index
        %swap3A_2459 = tpu.vector_load %arg12[%swap3A_2457, %swap3A_2458] {strides = array<i32>} : memref<16x1024xf32, #tpu.memory_space<vmem>>, vector<1x16xf32>,
        %swap3A_2460 = vector.shape_cast %swap3A_2459 : vector<1x16xf32> to vector<16xf32>
        %swap3A_2461 = vector.shape_cast %add3A_2456 : vector<16xf32> to vector<1x16xf32>
        tpu.vector_store %arg12[%swap3A_2457, %swap3A_2458], %swap3A_2461 {strides = array<i32>} : memref<16x1024xf32, #tpu.memory_space<vmem>>, vector<1x16xf32>,
        %get3A_2462 = arith.index_cast %scan3A_22 : i32 to index
        %get3A_2463 = arith.constant 1008 : index
        %get3A_2464 = tpu.vector_load %arg9[%get3A_2462, %get3A_2463] {strides = array<i32>} : memref<16x1024xf32, #tpu.memory_space<vmem>>, vector<1x16xf32>,
        %get3A_2465 = vector.shape_cast %get3A_2464 : vector<1x16xf32> to vector<16xf32>
        %mul3A_2466 = arith.mulf %div3A_1049, %get3A_2465 : vector<16xf32>
        %get3A_2467 = arith.index_cast %scan3A_22 : i32 to index
        %get3A_2468 = arith.constant 1008 : index
        %get3A_2469 = tpu.vector_load %arg10[%get3A_2467, %get3A_2468] {strides = array<i32>} : memref<16x1024xf32, #tpu.memory_space<vmem>>, vector<1x16xf32>,
        %get3A_2470 = vector.shape_cast %get3A_2469 : vector<1x16xf32> to vector<16xf32>
        %mul3A_2471 = arith.mulf %select_n3A, %get3A_2470 : vector<16xf32>
        %add3A_2472 = arith.addf %mul3A_2466, %mul3A_2471 : vector<16xf32>
        %get3A_2473 = arith.index_cast %scan3A_22 : i32 to index
        %get3A_2474 = arith.constant 1008 : index
        %get3A_2475 = tpu.vector_load %arg11[%get3A_2473, %get3A_2474] {strides = array<i32>} : memref<16x1024xf32, #tpu.memory_space<vmem>>, vector<1x16xf32>,
        %get3A_2476 = vector.shape_cast %get3A_2475 : vector<1x16xf32> to vector<16xf32>
        %mul3A_2477 = arith.mulf %select_n3A_1075, %get3A_2476 : vector<16xf32>
        %add3A_2478 = arith.addf %add3A_2472, %mul3A_2477 : vector<16xf32>
        %swap3A_2479 = arith.index_cast %scan3A_22 : i32 to index
        %swap3A_2480 = arith.constant 1008 : index
        %swap3A_2481 = tpu.vector_load %arg12[%swap3A_2479, %swap3A_2480] {strides = array<i32>} : memref<16x1024xf32, #tpu.memory_space<vmem>>, vector<1x16xf32>,
        %swap3A_2482 = vector.shape_cast %swap3A_2481 : vector<1x16xf32> to vector<16xf32>
        %swap3A_2483 = vector.shape_cast %add3A_2478 : vector<16xf32> to vector<1x16xf32>
        tpu.vector_store %arg12[%swap3A_2479, %swap3A_2480], %swap3A_2483 {strides = array<i32>} : memref<16x1024xf32, #tpu.memory_space<vmem>>, vector<1x16xf32>,
        %mul3A_2484 = arith.constant 2.000000e+00 : f32
        %mul3A_2485 = vector.broadcast %mul3A_2484 : f32 to vector<16xf32>
        %mul3A_2486 = arith.mulf %mul3A_2485, %sub3A_1069 : vector<16xf32>
        %add3A_2487 = arith.addf %select_n3A, %mul3A_2486 : vector<16xf32>
        %eq3A = vector.broadcast %scan3A_22 : i32 to vector<16xi32>
        %eq3A_2488 = arith.cmpi eq, %iota3A, %eq3A : vector<16xi32>
        %select_n3A_2489 = arith.select %eq3A_2488, %add3A_2487, %scan3A_23 : vector<16xi1>, vector<16xf32>
        scf.yield %select_n3A_2489 : vector<16xf32>
      }
      %scan3A_18 = arith.constant 16 : i32
      %swap3A = arith.constant 0 : index
      %swap3A_19 = tpu.vector_load %arg13[%swap3A] {strides = array<i32>} : memref<16xf32, #tpu.memory_space<vmem>>, vector<16xf32>,
      %swap3A_20 = vector.shape_cast %swap3A_19 : vector<16xf32> to vector<16xf32>
      %swap3A_21 = vector.shape_cast %scan3A_17 : vector<16xf32> to vector<16xf32>
      tpu.vector_store %arg13[%swap3A], %swap3A_21 {strides = array<i32>} : memref<16xf32, #tpu.memory_space<vmem>>, vector<16xf32>,
      "tpu.region"() ({
        %run_scoped3A = tpu.sem_alloc : memref<!tpu.dma_semaphore, #tpu.memory_space<semaphore_mem>>
        %dma_start3A = arith.constant 0 : i32
        %dma_start3A_22 = tpu.memref_slice %arg6[%add3A_11, %dma_start3A] : memref<16384x1024xf32, #tpu.memory_space<hbm>> -> memref<16x1024xf32, #tpu.memory_space<hbm>>
        %dma_start3A_23 = arith.constant 0 : i32
        %dma_start3A_24 = tpu.memref_slice %arg6[%add3A_11, %dma_start3A_23] : memref<16384x1024xf32, #tpu.memory_space<hbm>> -> memref<16x1024xf32, #tpu.memory_space<hbm>>
        tpu.enqueue_dma source(%arg12 : memref<16x1024xf32, #tpu.memory_space<vmem>>) target(%dma_start3A_24 : memref<16x1024xf32, #tpu.memory_space<hbm>>) target_semaphore(%run_scoped3A : memref<!tpu.dma_semaphore, #tpu.memory_space<semaphore_mem>>)
        %dma_wait3A = arith.constant 0 : i32
        %dma_wait3A_25 = tpu.memref_slice %arg6[%add3A_11, %dma_wait3A] : memref<16384x1024xf32, #tpu.memory_space<hbm>> -> memref<16x1024xf32, #tpu.memory_space<hbm>>
        %dma_wait3A_26 = arith.constant 0 : i32
        %dma_wait3A_27 = tpu.memref_slice %arg6[%add3A_11, %dma_wait3A_26] : memref<16384x1024xf32, #tpu.memory_space<hbm>> -> memref<16x1024xf32, #tpu.memory_space<hbm>>
        tpu.wait_dma2 semaphore(%run_scoped3A : memref<!tpu.dma_semaphore, #tpu.memory_space<semaphore_mem>>) src(%arg12 : memref<16x1024xf32, #tpu.memory_space<vmem>>) dst(%dma_wait3A_27 : memref<16x1024xf32, #tpu.memory_space<hbm>>)
        tpu.yield
      }) : () -> ()
      "tpu.region"() ({
        %run_scoped3A = tpu.sem_alloc : memref<!tpu.dma_semaphore, #tpu.memory_space<semaphore_mem>>
        %dma_start3A = tpu.memref_slice %arg7[%add3A_11] : memref<16384xf32, #tpu.memory_space<hbm>> -> memref<16xf32, #tpu.memory_space<hbm>>
        %dma_start3A_22 = tpu.memref_slice %arg7[%add3A_11] : memref<16384xf32, #tpu.memory_space<hbm>> -> memref<16xf32, #tpu.memory_space<hbm>>
        tpu.enqueue_dma source(%arg13 : memref<16xf32, #tpu.memory_space<vmem>>) target(%dma_start3A_22 : memref<16xf32, #tpu.memory_space<hbm>>) target_semaphore(%run_scoped3A : memref<!tpu.dma_semaphore, #tpu.memory_space<semaphore_mem>>)
        %dma_wait3A = tpu.memref_slice %arg7[%add3A_11] : memref<16384xf32, #tpu.memory_space<hbm>> -> memref<16xf32, #tpu.memory_space<hbm>>
        %dma_wait3A_23 = tpu.memref_slice %arg7[%add3A_11] : memref<16384xf32, #tpu.memory_space<hbm>> -> memref<16xf32, #tpu.memory_space<hbm>>
        tpu.wait_dma2 semaphore(%run_scoped3A : memref<!tpu.dma_semaphore, #tpu.memory_space<semaphore_mem>>) src(%arg13 : memref<16xf32, #tpu.memory_space<vmem>>) dst(%dma_wait3A_23 : memref<16xf32, #tpu.memory_space<hbm>>)
        tpu.yield
      }) : () -> ()
    }
    %scan3A_7 = arith.constant 32 : i32
    return
  }
}

</mosaic_0001>

<sc_bundles>
// kernel: kernel_sc.3.cloned.1.call-start
scs
__scs_entry_jumppad:
0x0: {  	(pc) =	sbr.rel $0x88, $3  }
0x1: {  	(tag) =	ssettag $0x0;
	lr =	simm.s32 $0x1  }
0x2: {  	[smem:$0x3F9D] =	sst lr;
	_ =	strace $0xD0000000  }
0x3: {  	_ = 	snop  }
0x4: {  	_ = 	snop  }
0x5: {  	_ = 	snop  }
0x6: {  	_ = 	snop  }
0x7: {  	_ = 	snop  }
__scs_overlays_trampoline_lowered:
0x8: {  	[smem:$0x3FAC] =	sst s0  }
0x9: {  	[smem:$0x3FAD] =	sst s1  }
0xa: {  	[smem:$0x3FAE] =	sst s2  }
0xb: {  	[smem:$0x3FAF] =	sst s3  }
0xc: {  	[smem:$0x3FB0] =	sst s4  }
0xd: {  	[smem:$0x3FB1] =	sst s5  }
0xe: {  	[smem:$0x3FB2] =	sst s6  }
0xf: {  	[smem:$0x3FB3] =	sst s7  }
0x10: {  	[smem:$0x3FB4] =	sst s8  }
0x11: {  	[smem:$0x3FB5] =	sst s9;
	s0 =	simm.s32 @!p0 $0x0  }
0x12: {  	s1 =	sld [smem:$0x3F9B];
	s0 =	simm.s32 @p0 $0x1  }
0x13: {  	[smem:$0x3FB6] =	sst s0;
	s0 =	simm.s32 @!p1 $0x0  }
0x14: {  	s2 =	sld [smem:$0x3F9A];
	s0 =	simm.s32 @p1 $0x1  }
0x15: {  	[smem:$0x3FB7] =	sst s0;
	s0 =	simm.s32 @!p2 $0x0  }
0x16: {  	s3 =	sld [smem:$0x3FDB];
	s0 =	simm.s32 @p2 $0x1  }
0x17: {  	s4 =	simm.s32 $0x1BF5;
	[smem:$0x3FB9] =	sst s0  }
0x18: {  	s0 =	sld [smem:$0x3F9C];
	_ =	swait.ge [sflag:s4], $0x0  }
0x19: {  	s7 =	sld [smem:$0x3F9D]  }
0x1a: {  	s8 =	sadd.s32 $0xFFFFE003, lr  }
0x1b: {  	s9 =	sadd.s32 $0xFFFFFEF7, lr;
	s5 =	simm.s32 $0xFFFFFFFF;
	p2 =	slt.u32 s8, $0xFFFFF086  }
0x1c: {  	p1 =	slt.u32 s9, $0xF7A;
	s5 =	simm.s32 @!p2 $0x0  }
0x1d: {  	s5 =	simm.s32 @p1 $0x1;
	p0 =	seq.s32 s7, s2  }
0x1e: {  	s7 =	smul.u32 @!p0 $0xF7A, s2;
	p2 =	seq.s32 @!p0 s5, $0x0  }
0x1f: {  	s9 =	smul.u32 $0xF7A, s1;
	s8 =	simm.s32 @!p0 $0x1BF5;
	p2 =	por !p2, p0  }
0x20: {  	[sflag:s8] =	ssyncset.s32 @!p0 $0xFFFFF086;
	s6 =	sadd.s32 @!p0 s3, s7;
	s7 =	simm.s32 @!p0 $0x108  }
0x21: {  	s3 =	sadd.s32 s3, s9;
	s6 =	sadd.s32 @!p0 $0x88, s6;
	s7 =	simm.s32 @p2 $0x1082  }
0x22: {  	[simem:s7], [sflag:s8] =	dma.local @!p0 [hbm:s6], $0xF7A  }
0x23: {  	s9 =	sor.u32 $0xD0000000, s2;
	s6 =	simm.s32 $0x108;
	_ =	swait.ge @!p0 [sflag:s8], $0x0  }
0x24: {  	s3 =	sadd.s32 $0x88, s3;
	s6 =	simm.s32 @!p1 $0x1082;
	[sflag:s4] =	ssyncset.s32 $0xFFFFF086  }
0x25: {  	[simem:s6], [sflag:s4] =	dma.local [hbm:s3], $0xF7A  }
0x26: {  	[smem:$0x3F9D] =	sst s1;
	(tag) =	ssettag s2;
	_ =	strace s9  }
0x27: {  	s1 =	sld [smem:$0x3FAD]  }
0x28: {  	s2 =	sld [smem:$0x3FAE]  }
0x29: {  	s4 =	sld [smem:$0x3FB0]  }
0x2a: {  	p0 =	seq.s32 s5, $0x0;
	s5 =	sld [smem:$0x3FB1]  }
0x2b: {  	s6 =	sld [smem:$0x3FB2]  }
0x2c: {  	s7 =	sld [smem:$0x3FB3]  }
0x2d: {  	s3 =	simm.s32 $0x108;
	s8 =	sld [smem:$0x3FB4]  }
0x2e: {  	s3 =	simm.s32 @!p0 $0x1082;
	s9 =	sld [smem:$0x3FB5]  }
0x2f: {  	lr =	sadd.s32 s0, s3;
	s0 =	sld [smem:$0x3FAC]  }
0x30: {  	s3 =	sld [smem:$0x3FAF]  }
0x31: {  	[smem:$0x3FB8] =	sst s10  }
0x32: {  	s10 =	sld [smem:$0x3FB6];
	_ =	sdelay $0x3  }
0x33: {  	p0 =	seq.s32 s10, $0x1;
	s10 =	sld [smem:$0x3FB8];
	_ =	sdelay $0x3  }
0x34: {  	[smem:$0x3FB8] =	sst s10  }
0x35: {  	s10 =	sld [smem:$0x3FB7];
	_ =	sdelay $0x3  }
0x36: {  	p1 =	seq.s32 s10, $0x1;
	s10 =	sld [smem:$0x3FB8];
	_ =	sdelay $0x3  }
0x37: {  	[smem:$0x3FB8] =	sst s10  }
0x38: {  	s10 =	sld [smem:$0x3FB9]  }
0x39: {  	_ = 	snop;
	(pc) =	sbr.ind lr, $3  }
0x3a: {  	_ = 	snop  }
0x3b: {  	_ = 	snop  }
0x3c: {  	p2 =	seq.s32 s10, $0x1;
	s10 =	sld [smem:$0x3FB8]  }
0x3d: {  	_ =	shalt  }
0x3e: {  	_ =	shalt  }
0x3f: {  	_ =	shalt  }
0x40: {  	_ =	shalt  }
0x41: {  	_ =	shalt  }
0x42: {  	_ =	shalt  }
0x43: {  	_ =	shalt  }
0x44: {  	_ =	shalt  }
0x45: {  	_ =	shalt  }
0x46: {  	_ =	shalt  }
0x47: {  	_ =	shalt  }
0x48: {  	_ =	shalt  }
0x49: {  	_ =	shalt  }
0x4a: {  	_ =	shalt  }
0x4b: {  	_ =	shalt  }
0x4c: {  	_ =	shalt  }
0x4d: {  	_ =	shalt  }
0x4e: {  	_ =	shalt  }
0x4f: {  	_ =	shalt  }
0x50: {  	_ =	shalt  }
0x51: {  	_ =	shalt  }
0x52: {  	_ =	shalt  }
0x53: {  	_ =	shalt  }
0x54: {  	_ =	shalt  }
0x55: {  	_ =	shalt  }
0x56: {  	_ =	shalt  }
0x57: {  	_ =	shalt  }
0x58: {  	_ =	shalt  }
0x59: {  	_ =	shalt  }
0x5a: {  	_ =	shalt  }
0x5b: {  	_ =	shalt  }
0x5c: {  	_ =	shalt  }
0x5d: {  	_ =	shalt  }
0x5e: {  	_ =	shalt  }
0x5f: {  	_ =	shalt  }
0x60: {  	_ =	shalt  }
0x61: {  	_ =	shalt  }
0x62: {  	_ =	shalt  }
0x63: {  	_ =	shalt  }
0x64: {  	_ =	shalt  }
0x65: {  	_ =	shalt  }
0x66: {  	_ =	shalt  }
0x67: {  	_ =	shalt  }
0x68: {  	_ =	shalt  }
0x69: {  	_ =	shalt  }
0x6a: {  	_ =	shalt  }
0x6b: {  	_ =	shalt  }
0x6c: {  	_ =	shalt  }
0x6d: {  	_ =	shalt  }
0x6e: {  	_ =	shalt  }
0x6f: {  	_ =	shalt  }
0x70: {  	_ =	shalt  }
0x71: {  	_ =	shalt  }
0x72: {  	_ =	shalt  }
0x73: {  	_ =	shalt  }
0x74: {  	_ =	shalt  }
0x75: {  	_ =	shalt  }
0x76: {  	_ =	shalt  }
0x77: {  	_ =	shalt  }
0x78: {  	_ =	shalt  }
0x79: {  	_ =	shalt  }
0x7a: {  	_ =	shalt  }
0x7b: {  	_ =	shalt  }
0x7c: {  	_ =	shalt  }
0x7d: {  	_ =	shalt  }
0x7e: {  	_ =	shalt  }
0x7f: {  	_ =	shalt  }
0x80: {  	_ =	shalt  }
0x81: {  	_ =	shalt  }
0x82: {  	_ =	shalt  }
0x83: {  	_ =	shalt  }
0x84: {  	_ =	shalt  }
0x85: {  	_ =	shalt  }
0x86: {  	_ =	shalt  }
0x87: {  	_ =	shalt  }
.Lfunc_end0:
.L_simem_size_0:
called_computation_lowered:
.L_overlay_start_0:
0x88: {  	s2 =	sld [smem:$0x3FD9]  }
0x89: {  	s3 =	sld [smem:$0x3FFE];
	_ =	sdelay $0x1  }
0x8a: {  	s1 =	srdreg.scid  }
0x8b: {  	s0 =	sand.u32 $0x1, s1  }
0x8c: {  	s14 =	sshll.u32 s0, $0xA;
	s2 =	sadd.s32 s3, s2  }
0x8d: {  	s2 =	sadd.s32 s2, s14  }
0x8e: {  	[smem:$0x3FC4] =	sst s2  }
0x8f: {  	_ = 	snop  }
0x90: {  	s2 =	sld [smem:$0x3FD0]  }
0x91: {  	s15 =	sld [smem:$0x3FC9]  }
0x92: {  	s4 =	sld [smem:$0x3FC8]  }
0x93: {  	s6 =	simm.s32 $0xA;
	s7 =	simm.s32 $0x10;
	s5 =	sld [smem:$0x3FC7]  }
0x94: {  	[smem:s7], [sflag:s6] =	dma.local [hbm:s2], $0x1  }
0x95: {  	_ =	swait.eq [sflag:s6], $0x1  }
0x96: {  	[sflag:s6] =	ssyncset.done $0x0  }
0x97: {  	s16 =	sld [smem:$0x10];
	[sflag:s6] =	ssyncadd.s32 $0xFFFFFFFF  }
0x98: {  	s17 =	sld [smem:$0x11];
	(tm) =	ssettm $0x1  }
0x99: {  	s18 =	sld [smem:$0x3FFB];
	_ =	sdelay $0x3  }
0x9a: {  	_ =	strace s18  }
0x9b: {  	s7 =	sld [smem:$0x3FFC];
	_ =	sdelay $0x3  }
0x9c: {  	_ =	strace s7  }
0x9d: {  	s7 =	sld [smem:$0x3FFD];
	_ =	sdelay $0x3  }
0x9e: {  	_ =	strace s7  }
0x9f: {  	_ =	strace $0x8FFFFFFF  }
0xa0: {  	s19 =	sld [smem:$0x3FDB];
	_ =	sdelay $0x1  }
0xa1: {  	s8 =	simm.s32 $_scs_section_size  }
0xa2: {  	s9 =	simm.s32 $_size__tile_overlayer_lowered;
	s10 =	simm.s32 $_tile_overlayer_lowered  }
0xa3: {  	s22 =	simm.s32 $0x1BFF;
	s21 =	sshll.u32 s10, $0x1;
	s7 =	sadd.s32 s8, s19  }
0xa4: {  	s11 =	simm.s32 $0x0;
	s20 =	sshll.u32 s9, $0x1;
	s9 =	sadd.s32 s21, s7  }
0xa5: {  	[timem:s11], [sflag:s22] =	dma.local [hbm:s9], s20  }
0xa6: {  	_ =	swait.ge [sflag:s22], s20  }
0xa7: {  	s8 =	ssub.s32 $0x0, s20;
	[sflag:s22] =	ssyncset.done $0x0  }
0xa8: {  	[sflag:s22] =	ssyncadd.s32 s8;
	_ =	sdelay $0x1  }
0xa9: {  	s23 =	simm.s32 $0x1B8B  }
0xaa: {  	_ =	swait.ge [sflag:s23], $0x1  }
0xab: {  	[sflag:s23] =	ssyncset.done $0x0  }
0xac: {  	s25 =	simm.s32 $0x1B8E;
	s24 =	sld [smem:$0x3FFE];
	[sflag:s23] =	ssyncadd.s32 $0xFFFFFFFF  }
0xad: {  	s26 =	simm.s32 $execute0_lowered;
	[smem:$0x3FD2] =	sst s25  }
0xae: {  	s9 =	sshll.u32 s26, $0x1;
	_ =	strace $0x80000046;
	[dreg:$0x1] =	wrdreg $0xFFFFFFFF  }
0xaf: {  	s28 =	simm.s32 $_size_execute0_lowered;
	s7 =	sadd.s32 s7, s9;
	[dreg:$0x0] =	wrdreg $0x0  }
0xb0: {  	s9 =	sshll.u32 s28, $0x1;
	[dreg:$0x2] =	wrdreg s7  }
0xb1: {  	[dreg:$0x3] =	wrdreg s9  }
0xb2: {  	[dreg:$0x4] =	wrdreg $0xC0  }
0xb3: {  	_ =	task [dreg:s11], $0x5FFFF  }
0xb4: {  	[dreg:$0x1] =	wrdreg $0xFFFFFFFF  }
0xb5: {  	[dreg:$0x0] =	wrdreg $0x60  }
0xb6: {  	[dreg:$0x2] =	wrdreg s15  }
0xb7: {  	[dreg:$0x3] =	wrdreg s4  }
0xb8: {  	[dreg:$0x4] =	wrdreg s5  }
0xb9: {  	[dreg:$0x5] =	wrdreg s24  }
0xba: {  	[dreg:$0x6] =	wrdreg s16  }
0xbb: {  	[dreg:$0x7] =	wrdreg s17  }
0xbc: {  	[dreg:$0x8] =	wrdreg $0x9  }
0xbd: {  	_ =	task.clear_ibuf [dreg:s11], $0x9FFFF;
	_ =	strace $0x90000046  }
0xbe: {  	s29 =	simm.s32 $0x9;
	_ =	strace $0x80000048  }
0xbf: {  	_ =	swait.ge [sflag:s29], $0x1  }
0xc0: {  	[sflag:s29] =	ssyncadd.s32 $0xFFFFFFFF  }
0xc1: {  	_ =	strace $0x90000048  }
0xc2: {  	_ =	sfence  }
0xc3: {  	s30 =	sld [smem:$0x0];
	_ =	sdelay $0x2  }
0xc4: {  	s31 =	sshll.u32 s1, $0xD;
	s1 =	sshrl.u32 s1, $0x2  }
0xc5: {  	s3 =	sand.u32 $0x4000, s31;
	s1 =	sadd.s32 s1, s30  }
0xc6: {  	s0 =	sor.u32 s3, s0;
	s1 =	sshll.u32 s1, $0x11  }
0xc7: {  	s0 =	sor.u32 s1, s0  }
0xc8: {  	s0 =	sadd.s32 $0x8F2B, s0  }
0xc9: {  	[sflag:s0] =	ssyncadd.remote.s32 $0x1  }
0xca: {  	_ =	sfence.sel $0xFFFF  }
0xcb: {  	[dreg:$0x0] =	wrdreg $0xFFFFFFFF;
	(pc) =	sbr.abs _section_cstart, $3  }
0xcc: {  	[dreg:$0x1] =	wrdreg $0xFFFFFFFF  }
0xcd: {  	_ =	task.clear_ibuf [dreg:s11], $0x2FFFF;
	_ =	strace $0x9FFFFFFF  }
0xce: {  	(tm) =	ssettm $0x7FFFFFFF  }
0xcf: {  	_ =	shalt  }
tec
execute0_lowered:
.L_overlay_start_1:
0x0: {  	(tag) =	ssettag $0x1  }
0x1: {  	v0 =	vimm.s32 $0xEFCDAB89;
	v1 =	vimm.s32 $0x67452301  }
0x2: {  	s0 =	rddreg [dreg:$0x0];
	v2 =	vimm.s32 $0xDCFE98BA;
	v3 =	vimm.s32 $0x54761032;
	v4 =	vimm.s32 $0xBA98FEDC  }
0x3: {  	s1 =	rddreg [dreg:$0x1];
	v5 =	vimm.s32 $0x32107654;
	v6 =	vimm.s32 $0xFEDCBA98;
	v7 =	vimm.s32 $0x76543210  }
0x4: {  	s2 =	rddreg [dreg:$0x2];
	v0 =	vunpack.c.l.s4.s8 v0;
	v1 =	vunpack.c.l.s4.s8 v1;
	v2 =	vunpack.c.l.s4.s8 v2  }
0x5: {  	s3 =	rddreg [dreg:$0x3];
	v3 =	vunpack.c.l.s4.s8 v3;
	v4 =	vunpack.c.l.s4.s8 v4;
	v5 =	vunpack.c.l.s4.s8 v5  }
0x6: {  	s4 =	rddreg [dreg:$0x4];
	v6 =	vunpack.c.l.s4.s8 v6;
	v0 =	vunpack.c.0.s8.s32 v0;
	v1 =	vunpack.c.0.s8.s32 v1  }
0x7: {  	s5 =	rddreg [dreg:$0x5];
	s6 =	simm.s32 $0x0;
	v7 =	vunpack.c.l.s4.s8 v7;
	v2 =	vunpack.c.0.s8.s32 v2;
	v3 =	vunpack.c.0.s8.s32 v3  }
0x8: {  	s7 =	srdreg.scid;
	s9 =	stileid.u32;
	s11 =	simm.s32 $0x1;
	v4 =	vunpack.c.0.s8.s32 v4;
	v5 =	vunpack.c.0.s8.s32 v5;
	v0 =	vcombine.low v1, v0  }
0x9: {  	s12 =	simm.s32 $0x400;
	s13 =	simm.s32 $0x4400;
	s14 =	simm.s32 $0x8400;
	v58 =	vunpack.c.0.s8.s32 v6;
	v57 =	vcombine.low v3, v2  }
0xa: {  	s15 =	simm.s32 $0xC400;
	[smem:$0x7FF] =	sst s6;
	s7 =	sand.u32 $0x1, s7;
	v60 =	vunpack.c.0.s8.s32 v7;
	v59 =	vcombine.low v5, v4;
	v0 =	vand.u32 $0xF, v0  }
0xb: {  	s16 =	simm.s32 $0x10400;
	_ =	strace $0x80000047;
	s8 =	ssub.s32 $0x2, s7;
	v62 =	vand.u32 $0xF, v58;
	v61 =	vand.u32 $0xF, v57;
	[tilespmem:$0x1FFC0] =	vst v0  }
0xc: {  	s3 =	sadd.s32 $0x600, s3;
	s31 =	sshll.u32 s9, $0xA;
	s30 =	sshrl.u32 s8, $0x1;
	v63 =	vand.u32 $0xF, v59;
	[tilespmem:$0x1FFD0] =	vst v61;
	v0 =	vcombine.low v62, v60  }
0xd: {  	[dreg:$0x7] =	wrdreg s3;
	s7 =	sshll.u32 s7, $0x9;
	s3 =	ssub.s32 s8, s30;
	[tilespmem:$0x1FFE0] =	vst v63  }
0xe: {  	s17 =	simm.s32 $0x0;
	s9 =	sor.u32 s7, s31;
	s10 =	smax.u32 s3, $0x1;
	[tilespmem:$0x1FFF0] =	vst v0  }
.LBB2_1:
0xf: {  	s3 =	rddreg [dreg:$0x7]  }
0x10: {  	[tilespmem:s6], [sflag:$0x1] =	stream.linear.gather [hbm4b:s3+s6], $0x400, $0x38;
	[tilespmem:$0x10480] =	vst v63  }
0x11: {  	_ =	swait.ge [sflag:s11], $0x400  }
0x12: {  	[sflag:s11] =	ssyncset.done $0x0  }
0x13: {  	s18 =	simm.s32 $0x0;
	[sflag:s11] =	ssyncadd.s32 $0xFFFFFC00  }
.LBB2_2:
0x14: {  	s3 =	sshll.u32 s18, $0x4  }
0x15: {  	s19 =	sadd.s32 s9, s3  }
0x16: {  	s20 =	sshll.u32 s19, $0x7  }
0x17: {  	s21 =	simm.s32 $0x0;
	s29 =	sadd.s32 s0, s20  }
0x18: {  	[tilespmem:s12], [sflag:$0x1] =	stream.linear.gather [hbm4b:s29+s21], $0x4000, $0x38;
	[tilespmem:$0x10480] =	vst v63  }
0x19: {  	_ =	swait.ge [sflag:s11], $0x4000  }
0x1a: {  	[sflag:s11] =	ssyncset.done $0x0  }
0x1b: {  	s30 =	sadd.s32 s1, s20;
	[sflag:s11] =	ssyncadd.s32 $0xFFFFC000  }
0x1c: {  	[tilespmem:s13], [sflag:$0x1] =	stream.linear.gather [hbm4b:s30+s21], $0x4000, $0x38;
	[tilespmem:$0x10480] =	vst v63  }
0x1d: {  	_ =	swait.ge [sflag:s11], $0x4000  }
0x1e: {  	[sflag:s11] =	ssyncset.done $0x0  }
0x1f: {  	s31 =	sadd.s32 s2, s20;
	[sflag:s11] =	ssyncadd.s32 $0xFFFFC000  }
0x20: {  	[tilespmem:s14], [sflag:$0x1] =	stream.linear.gather [hbm4b:s31+s21], $0x4000, $0x38;
	[tilespmem:$0x10480] =	vst v63  }
0x21: {  	_ =	swait.ge [sflag:s11], $0x4000  }
0x22: {  	s22 =	simm.s32 $0x0;
	[sflag:s11] =	ssyncset.done $0x0  }
0x23: {  	v0 =	vimm.f32 $0.0e+00;
	s23 =	simm.s32 $0x0;
	s24 =	simm.s32 $0x0;
	[sflag:s11] =	ssyncadd.s32 $0xFFFFC000  }
.LBB2_3:
0x24: {  	s3 =	sand.u32 $0x2000, s22;
	s7 =	sand.u32 $0x380, s23  }
0x25: {  	v4 =	vld [tilespmem:$0x0];
	s25 =	sor.u32 s7, s3  }
0x26: {  	v1 =	vld [tilespmem:s25+$0x4840]  }
0x27: {  	v14 =	vld [tilespmem:$0x10]  }
0x28: {  	v22 =	vld [tilespmem:$0x20]  }
0x29: {  	v26 =	vld [tilespmem:$0x30]  }
0x2a: {  	v30 =	vld [tilespmem:$0x40]  }
0x2b: {  	[tilespmem:$0x1FB80] =	vst v1;
	v1 =	vld [tilespmem:s25+$0x4850]  }
0x2c: {  	v34 =	vld [tilespmem:$0x50]  }
0x2d: {  	v38 =	vld [tilespmem:$0x60]  }
0x2e: {  	v3 =	vld [tilespmem:$0x70]  }
0x2f: {  	v5 =	vld [tilespmem:$0x80]  }
0x30: {  	[tilespmem:$0x1FB90] =	vst v1;
	v1 =	vld [tilespmem:s25+$0x4860]  }
0x31: {  	v47 =	vld [tilespmem:$0x90]  }
0x32: {  	v40 =	vld [tilespmem:$0xA0]  }
0x33: {  	v43 =	vld [tilespmem:$0xB0]  }
0x34: {  	v45 =	vld [tilespmem:$0xC0]  }
0x35: {  	[tilespmem:$0x1FBA0] =	vst v1;
	v1 =	vld [tilespmem:s25+$0x4870]  }
0x36: {  	v7 =	vld [tilespmem:$0xD0]  }
0x37: {  	v10 =	vld [tilespmem:$0xE0]  }
0x38: {  	v16 =	vld [tilespmem:$0xF0]  }
0x39: {  	v53 =	vld [tilespmem:$0x100]  }
0x3a: {  	[tilespmem:$0x1FBB0] =	vst v1;
	v1 =	vld [tilespmem:s25+$0x4C00]  }
0x3b: {  	v51 =	vld [tilespmem:$0x110]  }
0x3c: {  	v46 =	vld [tilespmem:$0x120]  }
0x3d: {  	v41 =	vld [tilespmem:$0x130]  }
0x3e: {  	v36 =	vld [tilespmem:$0x140]  }
0x3f: {  	[tilespmem:$0x1FBC0] =	vst v1;
	v1 =	vld [tilespmem:s25+$0x4C10]  }
0x40: {  	v32 =	vld [tilespmem:$0x150]  }
0x41: {  	v28 =	vld [tilespmem:$0x160]  }
0x42: {  	v24 =	vld [tilespmem:$0x170]  }
0x43: {  	v27 =	vld [tilespmem:$0x180]  }
0x44: {  	[tilespmem:$0x1FBD0] =	vst v1;
	v1 =	vld [tilespmem:s25+$0x4C20]  }
0x45: {  	v31 =	vld [tilespmem:$0x190]  }
0x46: {  	[tilespmem:$0x1FFB0] =	vst v0;
	v0 =	vld [tilespmem:s25+$0x400]  }
0x47: {  	v2 =	vld [tilespmem:s25+$0x4400]  }
0x48: {  	v8 =	vld [tilespmem:s25+$0x410]  }
0x49: {  	[tilespmem:$0x1FBF0] =	vst v1;
	v1 =	vld [tilespmem:s25+$0x4C30]  }
0x4a: {  	v19 =	vld [tilespmem:s25+$0x4410]  }
0x4b: {  	v9 =	vld [tilespmem:s25+$0x420]  }
0x4c: {  	v25 =	vld [tilespmem:s25+$0x4420]  }
0x4d: {  	v11 =	vld [tilespmem:s25+$0x430]  }
0x4e: {  	[tilespmem:$0x1FC10] =	vst v1;
	v1 =	vld [tilespmem:s25+$0x4C40]  }
0x4f: {  	v33 =	vld [tilespmem:s25+$0x4430]  }
0x50: {  	v12 =	vld [tilespmem:s25+$0x440]  }
0x51: {  	v39 =	vld [tilespmem:s25+$0x4440]  }
0x52: {  	v21 =	vld [tilespmem:s25+$0x450]  }
0x53: {  	[tilespmem:$0x1FC30] =	vst v1;
	v1 =	vld [tilespmem:s25+$0x4C50]  }
0x54: {  	v48 =	vld [tilespmem:s25+$0x4450]  }
0x55: {  	v42 =	vld [tilespmem:s25+$0x460]  }
0x56: {  	v50 =	vld [tilespmem:s25+$0x4460]  }
0x57: {  	v62 =	vld [tilespmem:s25+$0x470]  }
0x58: {  	[tilespmem:$0x1FC50] =	vst v1;
	v1 =	vld [tilespmem:s25+$0x4C60]  }
0x59: {  	v54 =	vld [tilespmem:s25+$0x4470]  }
0x5a: {  	v6 =	vld [tilespmem:s25+$0x800]  }
0x5b: {  	v56 =	vld [tilespmem:s25+$0x4800]  }
0x5c: {  	v13 =	vld [tilespmem:s25+$0x810]  }
0x5d: {  	[tilespmem:$0x1FC70] =	vst v1;
	v1 =	vld [tilespmem:s25+$0x4C70]  }
0x5e: {  	v58 =	vld [tilespmem:s25+$0x4810]  }
0x5f: {  	v15 =	vld [tilespmem:s25+$0x820]  }
0x60: {  	v60 =	vld [tilespmem:s25+$0x4820]  }
0x61: {  	v17 =	vld [tilespmem:s25+$0x830]  }
0x62: {  	[tilespmem:$0x1FC80] =	vst v1;
	v1 =	vld [tilespmem:s25+$0x1000]  }
0x63: {  	v63 =	vld [tilespmem:s25+$0x4830]  }
0x64: {  	v18 =	vld [tilespmem:s25+$0x840]  }
0x65: {  	v20 =	vld [tilespmem:s25+$0x850]  }
0x66: {  	v23 =	vld [tilespmem:s25+$0x860]  }
0x67: {  	[tilespmem:$0x1FBE0] =	vst v1;
	v1 =	vld [tilespmem:s25+$0x5000]  }
0x68: {  	v29 =	vld [tilespmem:s25+$0x870]  }
0x69: {  	v35 =	vld [tilespmem:s25+$0xC00]  }
0x6a: {  	v44 =	vld [tilespmem:s25+$0xC10]  }
0x6b: {  	v49 =	vld [tilespmem:s25+$0xC20]  }
0x6c: {  	[tilespmem:$0x1FC90] =	vst v1;
	v1 =	vld [tilespmem:s25+$0x1010]  }
0x6d: {  	v52 =	vld [tilespmem:s25+$0xC30]  }
0x6e: {  	v55 =	vld [tilespmem:s25+$0xC40]  }
0x6f: {  	v57 =	vld [tilespmem:s25+$0xC50];
	[tilespmem:$0x1FD40] =	vst v0  }
0x70: {  	v59 =	vld [tilespmem:s25+$0xC60];
	[tilespmem:$0x1FD50] =	vst v2  }
0x71: {  	v61 =	vld [tilespmem:s25+$0xC70];
	[tilespmem:$0x1FC00] =	vst v1  }
0x72: {  	v1 =	vld [tilespmem:s25+$0x5010];
	_ =	sdelay $0x4  }
0x73: {  	[tilespmem:$0x1FCA0] =	vst v1;
	v1 =	vld [tilespmem:s25+$0x1020];
	_ =	sdelay $0x2  }
0x74: {  	v0 =	vmul.f32 v0, v4;
	_ =	sdelay $0x1  }
0x75: {  	[tilespmem:$0x1FC20] =	vst v1;
	v1 =	vadd.f32 $0.0e+00, v0;
	v0 =	vmul.f32 v8, v14;
	_ =	sdelay $0x1  }
0x76: {  	v4 =	vmul.f32 v2, v4;
	v2 =	vld [tilespmem:s25+$0x5060];
	v0 =	vadd.f32 v0, v1;
	v1 =	vmul.f32 v9, v22;
	_ =	sdelay $0x1  }
0x77: {  	v0 =	vadd.f32 v1, v0;
	v1 =	vmul.f32 v11, v26;
	_ =	sdelay $0x1  }
0x78: {  	v0 =	vadd.f32 v1, v0;
	v1 =	vmul.f32 v12, v30  }
0x79: {  	[tilespmem:$0x1FCF0] =	vst v2;
	v2 =	vld [tilespmem:s25+$0x5070]  }
0x7a: {  	v0 =	vadd.f32 v1, v0;
	v1 =	vmul.f32 v21, v34  }
0x7b: {  	v19 =	vmul.f32 v19, v14;
	v4 =	vadd.f32 $0.0e+00, v4  }
0x7c: {  	v0 =	vadd.f32 v1, v0;
	v1 =	vmul.f32 v42, v38  }
0x7d: {  	v25 =	vmul.f32 v25, v22;
	v4 =	vadd.f32 v19, v4  }
0x7e: {  	[tilespmem:$0x1FD00] =	vst v2;
	v2 =	vld [tilespmem:s25+$0x5400];
	v0 =	vadd.f32 v1, v0;
	v1 =	vmul.f32 v62, v3  }
0x7f: {  	v4 =	vadd.f32 v25, v4  }
0x80: {  	v26 =	vmul.f32 v33, v26;
	v0 =	vadd.f32 v1, v0;
	v1 =	vmul.f32 v6, v5  }
0x81: {  	v33 =	vmul.f32 v39, v30  }
0x82: {  	v0 =	vadd.f32 v1, v0;
	v1 =	vmul.f32 v13, v47;
	v13 =	vadd.f32 v26, v4  }
0x83: {  	[tilespmem:$0x1FD10] =	vst v2;
	v2 =	vld [tilespmem:s25+$0x5420]  }
0x84: {  	v34 =	vmul.f32 v48, v34;
	v13 =	vadd.f32 v33, v13;
	_ =	sdelay $0x1  }
0x85: {  	v38 =	vmul.f32 v50, v38;
	v13 =	vadd.f32 v34, v13;
	_ =	sdelay $0x1  }
0x86: {  	[tilespmem:$0x1FD20] =	vst v2;
	v2 =	vmul.f32 v54, v3;
	v13 =	vadd.f32 v38, v13;
	_ =	sdelay $0x1  }
0x87: {  	v3 =	vmul.f32 v56, v5;
	v2 =	vadd.f32 v2, v13;
	_ =	sdelay $0x1  }
0x88: {  	v2 =	vadd.f32 v3, v2;
	v3 =	vmul.f32 v58, v47;
	_ =	sdelay $0x1  }
0x89: {  	v2 =	vadd.f32 v3, v2;
	v3 =	vmul.f32 v60, v40;
	_ =	sdelay $0x1  }
0x8a: {  	v2 =	vadd.f32 v3, v2;
	v3 =	vmul.f32 v63, v43;
	_ =	sdelay $0x1  }
0x8b: {  	v2 =	vadd.f32 v3, v2;
	v3 =	vld [tilespmem:$0x1FB80];
	_ =	sdelay $0x2  }
0x8c: {  	v37 =	vld [tilespmem:$0x1A0]  }
0x8d: {  	v25 =	vld [tilespmem:s25+$0x5410]  }
0x8e: {  	v19 =	vld [tilespmem:s25+$0x1430];
	v3 =	vmul.f32 v3, v45  }
0x8f: {  	v8 =	vld [tilespmem:s25+$0x5020]  }
0x90: {  	v2 =	vadd.f32 v3, v2;
	v3 =	vld [tilespmem:$0x1FB90]  }
0x91: {  	v14 =	vld [tilespmem:$0x1F0]  }
0x92: {  	v9 =	vld [tilespmem:s25+$0x1030];
	v0 =	vadd.f32 v1, v0;
	v1 =	vmul.f32 v15, v40  }
0x93: {  	v22 =	vld [tilespmem:$0x200]  }
0x94: {  	v11 =	vld [tilespmem:$0x1C0];
	v0 =	vadd.f32 v1, v0;
	v1 =	vmul.f32 v17, v43  }
0x95: {  	v39 =	vld [tilespmem:s25+$0x5430];
	v3 =	vmul.f32 v3, v7  }
0x96: {  	[tilespmem:$0x1FCB0] =	vst v8;
	v8 =	vld [tilespmem:$0x1B0];
	v0 =	vadd.f32 v1, v0;
	v1 =	vmul.f32 v18, v45  }
0x97: {  	v2 =	vadd.f32 v3, v2;
	v3 =	vld [tilespmem:$0x1FBA0]  }
0x98: {  	v12 =	vld [tilespmem:s25+$0x5040];
	v0 =	vadd.f32 v1, v0;
	v1 =	vmul.f32 v20, v7  }
0x99: {  	v30 =	vld [tilespmem:$0x220]  }
0x9a: {  	[tilespmem:$0x1FC40] =	vst v9;
	v9 =	vld [tilespmem:s25+$0x5030];
	v0 =	vadd.f32 v1, v0;
	v1 =	vmul.f32 v23, v10  }
0x9b: {  	v21 =	vld [tilespmem:s25+$0x1050]  }
0x9c: {  	v48 =	vld [tilespmem:s25+$0x1470];
	v0 =	vadd.f32 v1, v0;
	v1 =	vmul.f32 v29, v16;
	v3 =	vmul.f32 v3, v10  }
0x9d: {  	[tilespmem:$0x1FD30] =	vst v39;
	v39 =	vld [tilespmem:s25+$0x1460]  }
0x9e: {  	v0 =	vadd.f32 v1, v0;
	v1 =	vmul.f32 v35, v53;
	v2 =	vadd.f32 v3, v2;
	v3 =	vld [tilespmem:$0x1FBB0]  }
0x9f: {  	v42 =	vld [tilespmem:s25+$0x1060]  }
0xa0: {  	v50 =	vld [tilespmem:$0x280];
	v0 =	vadd.f32 v1, v0;
	v1 =	vmul.f32 v44, v51  }
0xa1: {  	v54 =	vld [tilespmem:s25+$0x1800]  }
0xa2: {  	[tilespmem:$0x1FCD0] =	vst v12;
	v12 =	vld [tilespmem:s25+$0x5050];
	v0 =	vadd.f32 v1, v0;
	v1 =	vmul.f32 v49, v46  }
0xa3: {  	[tilespmem:$0x1FCC0] =	vst v9;
	v9 =	vld [tilespmem:s25+$0x1040];
	v3 =	vmul.f32 v3, v16  }
0xa4: {  	v62 =	vld [tilespmem:s25+$0x1070];
	v0 =	vadd.f32 v1, v0;
	v1 =	vmul.f32 v52, v41  }
0xa5: {  	v2 =	vadd.f32 v3, v2;
	v3 =	vld [tilespmem:$0x1FBC0]  }
0xa6: {  	v56 =	vld [tilespmem:s25+$0x1840];
	v0 =	vadd.f32 v1, v0;
	v1 =	vmul.f32 v55, v36  }
0xa7: {  	v6 =	vld [tilespmem:s25+$0x1400]  }
0xa8: {  	[tilespmem:$0x1FCE0] =	vst v12;
	v12 =	vld [tilespmem:$0x1E0];
	v0 =	vadd.f32 v1, v0;
	v1 =	vmul.f32 v57, v32  }
0xa9: {  	v57 =	vld [tilespmem:$0x1FBE0]  }
0xaa: {  	v26 =	vld [tilespmem:$0x210];
	v44 =	vmul.f32 v59, v28;
	v0 =	vadd.f32 v1, v0;
	v3 =	vmul.f32 v3, v53  }
0xab: {  	v4 =	vld [tilespmem:s25+$0x1410]  }
0xac: {  	v49 =	vmul.f32 v61, v24;
	v0 =	vadd.f32 v44, v0;
	v2 =	vadd.f32 v3, v2;
	v3 =	vld [tilespmem:$0x1FBD0]  }
0xad: {  	[tilespmem:$0x1FC60] =	vst v9;
	v9 =	vld [tilespmem:$0x1D0]  }
0xae: {  	v33 =	vld [tilespmem:s25+$0x1450];
	v5 =	vmul.f32 v57, v27;
	v0 =	vadd.f32 v49, v0  }
0xaf: {  	v15 =	vld [tilespmem:$0x1FC60]  }
0xb0: {  	v5 =	vadd.f32 v5, v0;
	v0 =	vld [tilespmem:$0x1FC00]  }
0xb1: {  	v34 =	vld [tilespmem:$0x230];
	v3 =	vmul.f32 v3, v51  }
0xb2: {  	v17 =	vld [tilespmem:s25+$0x5810]  }
0xb3: {  	v2 =	vadd.f32 v3, v2;
	v3 =	vld [tilespmem:$0x1FBF0]  }
0xb4: {  	v18 =	vld [tilespmem:s25+$0x1420]  }
0xb5: {  	v59 =	vmul.f32 v0, v31;
	v0 =	vld [tilespmem:$0x1FC10]  }
0xb6: {  	v38 =	vld [tilespmem:$0x240]  }
0xb7: {  	v13 =	vld [tilespmem:$0x1FC50]  }
0xb8: {  	v47 =	vld [tilespmem:s25+$0x5440];
	v3 =	vmul.f32 v3, v46  }
0xb9: {  	v58 =	vld [tilespmem:s25+$0x5450]  }
0xba: {  	v23 =	vld [tilespmem:s25+$0x5470];
	v2 =	vadd.f32 v3, v2;
	v3 =	vmul.f32 v0, v41  }
0xbb: {  	v29 =	vld [tilespmem:s25+$0x1440]  }
0xbc: {  	v2 =	vadd.f32 v3, v2;
	v3 =	vld [tilespmem:$0x1FC30]  }
0xbd: {  	v40 =	vld [tilespmem:$0x250]  }
0xbe: {  	v60 =	vld [tilespmem:$0x1FC20]  }
0xbf: {  	v43 =	vld [tilespmem:$0x260]  }
0xc0: {  	v44 =	vld [tilespmem:$0x1FC70]  }
0xc1: {  	v35 =	vld [tilespmem:$0x1FCA0];
	v61 =	vmul.f32 v3, v36  }
0xc2: {  	v5 =	vadd.f32 v59, v5;
	v59 =	vld [tilespmem:$0x1FC80]  }
0xc3: {  	v52 =	vld [tilespmem:s25+$0x5460];
	v10 =	vmul.f32 v13, v32;
	v2 =	vadd.f32 v61, v2  }
0xc4: {  	v61 =	vld [tilespmem:$0x1FC90]  }
0xc5: {  	v45 =	vld [tilespmem:$0x270];
	v49 =	vmul.f32 v44, v28;
	v2 =	vadd.f32 v10, v2  }
0xc6: {  	v3 =	vld [tilespmem:$0x1FC40]  }
0xc7: {  	v55 =	vld [tilespmem:s25+$0x1810];
	v10 =	vmul.f32 v59, v24;
	v2 =	vadd.f32 v49, v2  }
0xc8: {  	v1 =	vld [tilespmem:s25+$0x5800];
	v7 =	vmul.f32 v60, v37  }
0xc9: {  	v57 =	vmul.f32 v21, v9;
	v21 =	vld [tilespmem:s25+$0x1850];
	v2 =	vadd.f32 v10, v2;
	v10 =	vmul.f32 v61, v27  }
0xca: {  	v28 =	vld [tilespmem:s25+$0x1870];
	v5 =	vadd.f32 v7, v5  }
0xcb: {  	v44 =	vld [tilespmem:$0x1FCC0];
	v63 =	vmul.f32 v3, v8;
	v2 =	vadd.f32 v10, v2;
	v10 =	vmul.f32 v35, v31  }
0xcc: {  	v32 =	vld [tilespmem:s25+$0x5840]  }
0xcd: {  	v20 =	vmul.f32 v15, v11;
	v7 =	vadd.f32 v63, v5;
	v31 =	vadd.f32 v10, v2;
	v2 =	vld [tilespmem:$0x1FCB0]  }
0xce: {  	v16 =	vld [tilespmem:s25+$0x5820]  }
0xcf: {  	v53 =	vld [tilespmem:$0x290];
	v7 =	vadd.f32 v20, v7  }
0xd0: {  	v51 =	vld [tilespmem:$0x2A0]  }
0xd1: {  	v60 =	vmul.f32 v42, v12;
	v13 =	vadd.f32 v57, v7;
	v57 =	vld [tilespmem:$0x1FCD0]  }
0xd2: {  	v46 =	vld [tilespmem:s25+$0x1820];
	v42 =	vmul.f32 v2, v37  }
0xd3: {  	v63 =	vmul.f32 v62, v14;
	v15 =	vadd.f32 v60, v13;
	v60 =	vld [tilespmem:$0x1FCE0]  }
0xd4: {  	v0 =	vld [tilespmem:$0x2B0];
	v8 =	vmul.f32 v44, v8;
	v31 =	vadd.f32 v42, v31  }
0xd5: {  	v6 =	vmul.f32 v6, v22;
	v15 =	vadd.f32 v63, v15;
	v63 =	vld [tilespmem:$0x1FCF0]  }
0xd6: {  	v41 =	vld [tilespmem:s25+$0x1830];
	v11 =	vmul.f32 v57, v11;
	v31 =	vadd.f32 v8, v31  }
0xd7: {  	v4 =	vmul.f32 v4, v26;
	v59 =	vmul.f32 v19, v34;
	v19 =	vld [tilespmem:$0x1FD00];
	v6 =	vadd.f32 v6, v15  }
0xd8: {  	v36 =	vld [tilespmem:s25+$0x5830];
	v61 =	vmul.f32 v60, v9;
	v11 =	vadd.f32 v11, v31  }
0xd9: {  	v49 =	vmul.f32 v18, v30;
	v60 =	vld [tilespmem:$0x1FD10];
	v4 =	vadd.f32 v4, v6  }
0xda: {  	v24 =	vld [tilespmem:s25+$0x5850];
	v12 =	vmul.f32 v63, v12;
	v11 =	vadd.f32 v61, v11  }
0xdb: {  	v3 =	vld [tilespmem:$0x2C0];
	v4 =	vadd.f32 v49, v4  }
0xdc: {  	v44 =	vld [tilespmem:s25+$0x1C10];
	v62 =	vmul.f32 v29, v38;
	v29 =	vmul.f32 v19, v14;
	v11 =	vadd.f32 v12, v11  }
0xdd: {  	v18 =	vld [tilespmem:$0x1FD20];
	v4 =	vadd.f32 v59, v4  }
0xde: {  	v5 =	vld [tilespmem:$0x2D0];
	v12 =	vmul.f32 v60, v22;
	v11 =	vadd.f32 v29, v11  }
0xdf: {  	s31 =	sand.u32 $0x7, s21;
	v33 =	vmul.f32 v33, v40;
	v46 =	vmul.f32 v46, v51;
	v37 =	vld [tilespmem:$0x1FD30];
	v42 =	vadd.f32 v62, v4  }
0xe0: {  	s3 =	sshll.u32 s31, $0x7;
	v27 =	vld [tilespmem:s25+$0x1860];
	v19 =	vmul.f32 v55, v53;
	v62 =	vmul.f32 v25, v26;
	v11 =	vadd.f32 v12, v11  }
0xe1: {  	s29 =	sadd.s32 s3, s22;
	v20 =	vld [tilespmem:s25+$0x5860];
	v55 =	vmul.f32 v58, v40;
	v59 =	vmul.f32 v39, v43;
	v57 =	vadd.f32 v33, v42  }
0xe2: {  	s3 =	sor.u32 $0x1C40, s29;
	v40 =	vld [tilespmem:s25+$0x1C70];
	v58 =	vmul.f32 v52, v43;
	v12 =	vmul.f32 v18, v30;
	v11 =	vadd.f32 v62, v11  }
0xe3: {  	v52 =	vmul.f32 v16, v51;
	v51 =	vld [tilespmem:s3+$0x400];
	v61 =	vmul.f32 v48, v45;
	v14 =	vadd.f32 v59, v57  }
0xe4: {  	v35 =	vld [tilespmem:s25+$0x1C00];
	v11 =	vadd.f32 v12, v11;
	v12 =	vmul.f32 v37, v34  }
0xe5: {  	v7 =	vld [tilespmem:$0x2E0];
	v63 =	vmul.f32 v54, v50;
	v14 =	vadd.f32 v61, v14  }
0xe6: {  	v10 =	vld [tilespmem:$0x300];
	v48 =	vmul.f32 v47, v38;
	v11 =	vadd.f32 v12, v11  }
0xe7: {  	v13 =	vld [tilespmem:$0x2F0];
	v14 =	vadd.f32 v63, v14  }
0xe8: {  	v2 =	vld [tilespmem:s25+$0x5870];
	v11 =	vadd.f32 v48, v11  }
0xe9: {  	v15 =	vld [tilespmem:s25+$0x5C00];
	v14 =	vadd.f32 v19, v14  }
0xea: {  	v9 =	vld [tilespmem:$0x320];
	v11 =	vadd.f32 v55, v11  }
0xeb: {  	v6 =	vld [tilespmem:s25+$0x5C10];
	v54 =	vmul.f32 v41, v0;
	v14 =	vadd.f32 v46, v14  }
0xec: {  	v41 =	vld [tilespmem:s25+$0x5C60];
	v59 =	vmul.f32 v23, v45;
	v11 =	vadd.f32 v58, v11  }
0xed: {  	v8 =	vld [tilespmem:$0x310];
	v57 =	vmul.f32 v56, v3;
	v14 =	vadd.f32 v54, v14  }
0xee: {  	v1 =	vmul.f32 v1, v50;
	v49 =	vld [tilespmem:s25+$0x5C20];
	v11 =	vadd.f32 v59, v11  }
0xef: {  	v21 =	vmul.f32 v21, v5;
	v31 =	vld [tilespmem:s25+$0x1C20];
	v14 =	vadd.f32 v57, v14  }
0xf0: {  	v39 =	vld [tilespmem:s25+$0x1C30];
	v48 =	vmul.f32 v17, v53;
	v1 =	vadd.f32 v1, v11  }
0xf1: {  	v43 =	vld [tilespmem:$0x3A0];
	v61 =	vmul.f32 v27, v7;
	v14 =	vadd.f32 v21, v14  }
0xf2: {  	v4 =	vld [tilespmem:$0x330];
	v1 =	vadd.f32 v48, v1  }
0xf3: {  	v25 =	vld [tilespmem:s25+$0x1C40];
	v62 =	vmul.f32 v28, v13;
	v14 =	vadd.f32 v61, v14  }
0xf4: {  	v0 =	vmul.f32 v36, v0;
	v38 =	vld [tilespmem:s25+$0x1C60];
	v1 =	vadd.f32 v52, v1  }
0xf5: {  	v50 =	vmul.f32 v35, v10;
	v26 =	vld [tilespmem:$0x380];
	v14 =	vadd.f32 v62, v14  }
0xf6: {  	v22 =	vld [tilespmem:s25+$0x5C30];
	v0 =	vadd.f32 v0, v1;
	v1 =	vmul.f32 v32, v3  }
0xf7: {  	v42 =	vld [tilespmem:$0x340];
	v54 =	vmul.f32 v44, v8;
	v14 =	vadd.f32 v50, v14  }
0xf8: {  	v33 =	vld [tilespmem:s25+$0x5C40];
	v0 =	vadd.f32 v1, v0;
	v1 =	vmul.f32 v24, v5  }
0xf9: {  	v29 =	vld [tilespmem:$0x350];
	v55 =	vmul.f32 v31, v9;
	v14 =	vadd.f32 v54, v14  }
0xfa: {  	s26 =	sor.u32 $0x1C00, s29;
	v30 =	vld [tilespmem:s25+$0x1C50];
	v0 =	vadd.f32 v1, v0;
	v1 =	vmul.f32 v20, v7  }
0xfb: {  	v60 =	vld [tilespmem:s26+$0x400];
	v50 =	vmul.f32 v39, v4;
	v14 =	vadd.f32 v55, v14  }
0xfc: {  	s31 =	sor.u32 $0x1C30, s29;
	v37 =	vld [tilespmem:$0x360];
	v0 =	vadd.f32 v1, v0;
	v1 =	vmul.f32 v2, v13  }
0xfd: {  	v56 =	vld [tilespmem:s31+$0x400];
	v45 =	vmul.f32 v25, v42;
	v14 =	vadd.f32 v50, v14  }
0xfe: {  	v18 =	vld [tilespmem:$0x370];
	v0 =	vadd.f32 v1, v0;
	v1 =	vmul.f32 v15, v10  }
0xff: {  	s28 =	sor.u32 $0x1C10, s29;
	v27 =	vld [tilespmem:s26+$0x4400];
	v47 =	vmul.f32 v30, v29;
	v46 =	vadd.f32 v45, v14  }
0x100: {  	v63 =	vld [tilespmem:s28+$0x400];
	v0 =	vadd.f32 v1, v0;
	v1 =	vmul.f32 v6, v8  }
0x101: {  	v34 =	vld [tilespmem:s25+$0x5C50];
	v57 =	vmul.f32 v38, v37;
	v2 =	vadd.f32 v47, v46  }
0x102: {  	v12 =	vld [tilespmem:$0x390];
	v0 =	vadd.f32 v1, v0;
	v1 =	vmul.f32 v49, v9  }
0x103: {  	s30 =	sor.u32 $0x1C20, s29;
	v19 =	vld [tilespmem:s25+$0x5C70];
	v59 =	vmul.f32 v40, v18;
	v2 =	vadd.f32 v57, v2  }
0x104: {  	v53 =	vld [tilespmem:s30+$0x400];
	v0 =	vadd.f32 v1, v0;
	v1 =	vmul.f32 v22, v4  }
0x105: {  	v60 =	vmul.f32 v60, v26;
	v17 =	vld [tilespmem:s28+$0x4400];
	v2 =	vadd.f32 v59, v2  }
0x106: {  	v11 =	vld [tilespmem:$0x3B0];
	v0 =	vadd.f32 v1, v0;
	v1 =	vmul.f32 v33, v42  }
0x107: {  	v44 =	vld [tilespmem:s30+$0x4400];
	v62 =	vmul.f32 v63, v12;
	v2 =	vadd.f32 v60, v2  }
0x108: {  	s7 =	sor.u32 $0x1C50, s29;
	v39 =	vld [tilespmem:$0x3C0];
	v0 =	vadd.f32 v1, v0;
	v1 =	vmul.f32 v34, v29  }
0x109: {  	v23 =	vmul.f32 v53, v43;
	v48 =	vld [tilespmem:s7+$0x400];
	v2 =	vadd.f32 v62, v2  }
0x10a: {  	s8 =	sor.u32 $0x1C60, s29;
	v20 =	vld [tilespmem:$0x3D0];
	v0 =	vadd.f32 v1, v0;
	v1 =	vmul.f32 v41, v37  }
0x10b: {  	v58 =	vld [tilespmem:s8+$0x400];
	v25 =	vmul.f32 v56, v11;
	v2 =	vadd.f32 v23, v2  }
0x10c: {  	s29 =	sor.u32 $0x1C70, s29;
	v14 =	vld [tilespmem:$0x3E0];
	v0 =	vadd.f32 v1, v0;
	v1 =	vmul.f32 v19, v18  }
0x10d: {  	v61 =	vld [tilespmem:s29+$0x400];
	v28 =	vmul.f32 v51, v39;
	v2 =	vadd.f32 v25, v2  }
0x10e: {  	v8 =	vld [tilespmem:$0x3F0];
	v0 =	vadd.f32 v1, v0;
	v1 =	vmul.f32 v27, v26  }
0x10f: {  	v3 =	vld [tilespmem:s31+$0x4400];
	v29 =	vmul.f32 v48, v20;
	v2 =	vadd.f32 v28, v2  }
0x110: {  	v0 =	vadd.f32 v1, v0;
	v1 =	vmul.f32 v17, v12  }
0x111: {  	v32 =	vmul.f32 v58, v14;
	v2 =	vadd.f32 v29, v2  }
0x112: {  	v41 =	vld [tilespmem:$0x1FFC0];
	v0 =	vadd.f32 v1, v0;
	v1 =	vmul.f32 v44, v43  }
0x113: {  	v40 =	vmul.f32 v61, v8;
	v2 =	vadd.f32 v32, v2  }
0x114: {  	v24 =	vld [tilespmem:s3+$0x4400];
	v0 =	vadd.f32 v1, v0;
	v1 =	vmul.f32 v3, v11  }
0x115: {  	v50 =	vld [tilespmem:s7+$0x4400];
	v2 =	vadd.f32 v40, v2  }
0x116: {  	v1 =	vadd.f32 v1, v0;
	v0 =	vld [tilespmem:$0x1FFD0]  }
0x117: {  	v4 =	vperm.xlane v2, v41  }
0x118: {  	v15 =	vld [tilespmem:s8+$0x4400]  }
0x119: {  	v42 =	vmul.f32 v24, v39;
	v3 =	vadd.f32 v4, v2  }
0x11a: {  	v9 =	vld [tilespmem:s29+$0x4400]  }
0x11b: {  	v46 =	vmul.f32 v50, v20;
	v1 =	vadd.f32 v42, v1;
	v43 =	vperm.xlane v3, v0;
	_ =	sdelay $0x1  }
0x11c: {  	v1 =	vadd.f32 v46, v1;
	v5 =	vadd.f32 v43, v3;
	v3 =	vmul.f32 v15, v14  }
0x11d: {  	v49 =	vld [tilespmem:$0x1FFE0]  }
0x11e: {  	v8 =	vmul.f32 v9, v8;
	v53 =	vadd.f32 v3, v1;
	_ =	sdelay $0x1  }
0x11f: {  	v54 =	vadd.f32 v8, v53;
	_ =	sdelay $0x1  }
0x120: {  	v50 =	vperm.xlane v5, v49;
	v57 =	vperm.xlane v54, v41;
	_ =	sdelay $0x1  }
0x121: {  	v4 =	vadd.f32 v50, v5;
	v5 =	vadd.f32 v57, v54;
	_ =	sdelay $0x1  }
0x122: {  	v59 =	vperm.xlane v5, v0;
	v0 =	vld [tilespmem:s25+$0x8C20];
	_ =	sdelay $0x4  }
0x123: {  	[tilespmem:$0x1FD70] =	vst v0;
	v0 =	vld [tilespmem:s25+$0x8C30];
	_ =	sdelay $0x4  }
0x124: {  	[tilespmem:$0x1FD80] =	vst v0;
	v0 =	vld [tilespmem:s25+$0xC40];
	_ =	sdelay $0x4  }
0x125: {  	[tilespmem:$0x1FD90] =	vst v0;
	v0 =	vld [tilespmem:s25+$0x4C40];
	_ =	sdelay $0x4  }
0x126: {  	[tilespmem:$0x1FDA0] =	vst v0;
	v0 =	vld [tilespmem:s25+$0x8C40];
	_ =	sdelay $0x4  }
0x127: {  	[tilespmem:$0x1FDB0] =	vst v0;
	v0 =	vld [tilespmem:s25+$0x8C50];
	_ =	sdelay $0x4  }
0x128: {  	[tilespmem:$0x1FDC0] =	vst v0;
	v0 =	vld [tilespmem:s25+$0xC60];
	_ =	sdelay $0x4  }
0x129: {  	[tilespmem:$0x1FDD0] =	vst v0;
	v0 =	vld [tilespmem:s25+$0x4C60];
	_ =	sdelay $0x4  }
0x12a: {  	[tilespmem:$0x1FDE0] =	vst v0;
	v0 =	vld [tilespmem:s25+$0x8C60];
	_ =	sdelay $0x4  }
0x12b: {  	[tilespmem:$0x1FDF0] =	vst v0;
	v0 =	vld [tilespmem:s25+$0xC70];
	_ =	sdelay $0x1  }
0x12c: {  	v1 =	vld [tilespmem:$0x1FFF0];
	_ =	sdelay $0x2  }
0x12d: {  	[tilespmem:$0x1FE00] =	vst v0;
	v0 =	vld [tilespmem:s25+$0x4C70];
	_ =	sdelay $0x1  }
0x12e: {  	v56 =	vperm.xlane v4, v1;
	_ =	sdelay $0x1  }
0x12f: {  	v4 =	vadd.f32 v56, v4  }
0x130: {  	[tilespmem:$0x1FE10] =	vst v0;
	v0 =	vld [tilespmem:s25+$0x8C70]  }
0x131: {  	v4 =	vsub.f32 $0.0e+00, v4;
	_ =	sdelay $0x1  }
0x132: {  	v4 =	vmul.f32 $1.442695020e+00, v4  }
0x133: {  	v8 =	vadd.f32 v59, v5  }
0x134: {  	(erf) = vpow2.f32 v4;
	[tilespmem:$0x1FE20] =	vst v0;
	v0 =	vld [tilespmem:s25+$0x1000]  }
0x135: {  	v60 =	vperm.xlane v8, v49;
	_ =	sdelay $0x1  }
0x136: {  	v8 =	vadd.f32 v60, v8;
	_ =	sdelay $0x1  }
0x137: {  	v9 =	vperm.xlane v8, v1;
	[tilespmem:$0x1FE30] =	vst v0;
	v0 =	vld [tilespmem:s25+$0x5000];
	_ =	sdelay $0x1  }
0x138: {  	v8 =	vadd.f32 v9, v8;
	_ =	sdelay $0x1  }
0x139: {  	v8 =	vsub.f32 $0.0e+00, v8;
	v61 =	vpop (erf)  }
0x13a: {  	v9 =	vadd.f32 $1.000000000e+00, v61;
	[tilespmem:$0x1FE40] =	vst v0;
	v0 =	vld [tilespmem:s25+$0x9000]  }
0x13b: {  	v8 =	vmul.f32 $1.442695020e+00, v8  }
0x13c: {  	(erf) = vrcp.f32 v9  }
0x13d: {  	(erf) = vpow2.f32 v8  }
0x13e: {  	v16 =	vld [tilespmem:s25+$0x4460]  }
0x13f: {  	[tilespmem:$0x1FE70] =	vst v0;
	v0 =	vld [tilespmem:s25+$0x1010]  }
0x140: {  	v36 =	vld [tilespmem:s25+$0x8410]  }
0x141: {  	v35 =	vld [tilespmem:s25+$0x8420]  }
0x142: {  	v30 =	vld [tilespmem:s25+$0x4420]  }
0x143: {  	v31 =	vld [tilespmem:s25+$0x410]  }
0x144: {  	[tilespmem:$0x1FE50] =	vst v0;
	v0 =	vld [tilespmem:s25+$0x5010]  }
0x145: {  	v38 =	vld [tilespmem:s25+$0x4440];
	v8 =	vpop (erf)  }
0x146: {  	v21 =	vld [tilespmem:s25+$0x440];
	v20 =	vpop (erf)  }
0x147: {  	v63 =	vld [tilespmem:s25+$0x8400];
	v9 =	vadd.f32 $1.000000000e+00, v20  }
0x148: {  	v52 =	vld [tilespmem:s25+$0x460]  }
0x149: {  	(erf) = vrcp.f32 v9;
	[tilespmem:$0x1FE60] =	vst v0;
	v0 =	vld [tilespmem:s25+$0x9010]  }
0x14a: {  	v55 =	vld [tilespmem:s25+$0x420]  }
0x14b: {  	v51 =	vld [tilespmem:s25+$0x800]  }
0x14c: {  	v45 =	vld [tilespmem:s25+$0x8440]  }
0x14d: {  	v7 =	vld [tilespmem:s25+$0x470]  }
0x14e: {  	[tilespmem:$0x1FE80] =	vst v0;
	v0 =	vld [tilespmem:s25+$0x1020]  }
0x14f: {  	v47 =	vld [tilespmem:s25+$0x4450]  }
0x150: {  	v13 =	vld [tilespmem:s25+$0x4800]  }
0x151: {  	v10 =	vld [tilespmem:s25+$0x8810];
	v26 =	vsub.f32 $1.000000000e+00, v8  }
0x152: {  	v58 =	vld [tilespmem:s25+$0x8450];
	v20 =	vpop (erf)  }
0x153: {  	v9 =	vmul.f32 v20, v26;
	[tilespmem:$0x1FE90] =	vst v0;
	v0 =	vld [tilespmem:$0x1FD40]  }
0x154: {  	v6 =	vld [tilespmem:s25+$0x4410];
	vm0 =	vge.f32 v8, $9.990000120e-01  }
0x155: {  	v1 =	vld [tilespmem:s25+$0x5020];
	v9 =	vsel vm0, $0x0, v9  }
0x156: {  	v62 =	vld [tilespmem:s25+$0x8470];
	v59 =	vadd.f32 v9, v8  }
0x157: {  	v22 =	vld [tilespmem:s25+$0x840]  }
0x158: {  	v26 =	vsub.f32 $1.000000000e+00, v59;
	vm14 =	vge.f32 v59, $9.990000120e-01;
	v59 =	vmul.f32 v8, v0;
	v0 =	vld [tilespmem:$0x1FD50]  }
0x159: {  	v33 =	vld [tilespmem:s25+$0x430]  }
0x15a: {  	v23 =	vld [tilespmem:s25+$0x4430];
	[tilespmem:$0x1FEA0] =	vst v1  }
0x15b: {  	v1 =	vmul.f32 v9, v6;
	[tilespmem:$0x1FFA0] =	vst v26;
	v6 =	vsel vm14, $0x0, v26;
	v26 =	vld [tilespmem:s25+$0x9020]  }
0x15c: {  	v24 =	vld [tilespmem:s25+$0x8820];
	v31 =	vmul.f32 v31, v8  }
0x15d: {  	v34 =	vld [tilespmem:s25+$0x8430];
	v0 =	vmul.f32 v9, v0  }
0x15e: {  	[tilespmem:$0x1FD60] =	vst v63;
	v1 =	vadd.f32 v1, v31;
	v31 =	vmul.f32 v6, v36;
	v36 =	vld [tilespmem:s25+$0x5030]  }
0x15f: {  	v0 =	vadd.f32 v0, v59;
	v59 =	vld [tilespmem:$0x1FD60]  }
0x160: {  	[tilespmem:$0x1FED0] =	vst v26;
	v26 =	vld [tilespmem:s25+$0x1030]  }
0x161: {  	v25 =	vld [tilespmem:s25+$0x8850]  }
0x162: {  	v37 =	vld [tilespmem:s25+$0x4830]  }
0x163: {  	v17 =	vld [tilespmem:s25+$0x450]  }
0x164: {  	[tilespmem:$0x1FEC0] =	vst v36;
	v36 =	vld [tilespmem:s25+$0x5040];
	v59 =	vmul.f32 v6, v59  }
0x165: {  	[tilespmem:$0x1FEB0] =	vst v26;
	v26 =	vld [tilespmem:s25+$0x9030]  }
0x166: {  	v19 =	vld [tilespmem:s25+$0x820];
	v30 =	vmul.f32 v30, v9;
	v59 =	vadd.f32 v59, v0;
	v0 =	vmul.f32 v55, v8  }
0x167: {  	v18 =	vld [tilespmem:s25+$0x4820];
	v23 =	vmul.f32 v23, v9;
	v55 =	vadd.f32 v31, v1;
	v1 =	vmul.f32 v33, v8  }
0x168: {  	v2 =	vld [tilespmem:s25+$0x4470];
	v17 =	vmul.f32 v17, v8;
	v0 =	vadd.f32 v30, v0;
	v30 =	vmul.f32 v6, v35  }
0x169: {  	v44 =	vld [tilespmem:s25+$0x8460];
	v7 =	vmul.f32 v7, v8;
	[tilespmem:$0x1FF00] =	vst v36;
	v31 =	vmul.f32 v34, v6;
	v1 =	vadd.f32 v23, v1  }
0x16a: {  	v11 =	vld [tilespmem:s25+$0x810];
	v36 =	vmul.f32 v38, v9;
	[tilespmem:$0x1FEE0] =	vst v26;
	v26 =	vmul.f32 v21, v8;
	v30 =	vadd.f32 v30, v0  }
0x16b: {  	v0 =	vmul.f32 v45, v6;
	v45 =	vld [tilespmem:s25+$0x1050];
	v31 =	vadd.f32 v31, v1;
	v1 =	vmul.f32 v47, v9  }
0x16c: {  	v3 =	vld [tilespmem:s25+$0x4810];
	v16 =	vmul.f32 v16, v9;
	v23 =	vadd.f32 v36, v26;
	v26 =	vmul.f32 v52, v8  }
0x16d: {  	v46 =	vld [tilespmem:s25+$0x8800];
	v2 =	vmul.f32 v2, v9;
	v35 =	vmul.f32 v58, v6;
	v1 =	vadd.f32 v1, v17  }
0x16e: {  	v33 =	vld [tilespmem:s25+$0x1040];
	v52 =	vmul.f32 v44, v6;
	v36 =	vadd.f32 v0, v23;
	v0 =	vadd.f32 v16, v26  }
0x16f: {  	v15 =	vld [tilespmem:s25+$0x4840];
	v35 =	vadd.f32 v35, v1;
	v1 =	vadd.f32 v2, v7;
	v2 =	vmul.f32 v62, v6  }
0x170: {  	v16 =	vmul.f32 v13, v9;
	v17 =	vadd.f32 v52, v0;
	v0 =	vmul.f32 v51, v8;
	[tilespmem:$0x1FF20] =	vst v45;
	v45 =	vld [tilespmem:s25+$0x9050]  }
0x171: {  	v29 =	vld [tilespmem:s25+$0x8840];
	v21 =	vadd.f32 v2, v1;
	v1 =	vmul.f32 v11, v8;
	v2 =	vmul.f32 v3, v9  }
0x172: {  	v12 =	vld [tilespmem:s25+$0x830];
	v0 =	vadd.f32 v16, v0;
	v3 =	vmul.f32 v46, v6  }
0x173: {  	[tilespmem:$0x1FEF0] =	vst v33;
	v33 =	vmul.f32 v18, v9;
	v26 =	vld [tilespmem:s25+$0x9070];
	v1 =	vadd.f32 v2, v1;
	v2 =	vmul.f32 v19, v8  }
0x174: {  	v5 =	vld [tilespmem:s25+$0x4850];
	v23 =	vmul.f32 v10, v6;
	v46 =	vmul.f32 v15, v9;
	v44 =	vadd.f32 v3, v0  }
0x175: {  	v4 =	vld [tilespmem:s25+$0x850];
	v0 =	vmul.f32 v24, v6;
	[tilespmem:$0x1FF40] =	vst v45;
	v10 =	vadd.f32 v33, v2;
	v45 =	vmul.f32 v22, v8  }
0x176: {  	v41 =	vld [tilespmem:s25+$0x4C00]  }
0x177: {  	v60 =	vld [tilespmem:s25+$0xC00];
	v15 =	vmul.f32 v29, v6;
	v13 =	vadd.f32 v0, v10;
	v0 =	vadd.f32 v46, v45  }
0x178: {  	[tilespmem:$0x1FF80] =	vst v26;
	v3 =	vmul.f32 v12, v8;
	v26 =	vadd.f32 v23, v1;
	v1 =	vmul.f32 v37, v9  }
0x179: {  	v20 =	vadd.f32 v15, v0;
	v0 =	vld [tilespmem:$0x1FD70]  }
0x17a: {  	v5 =	vmul.f32 v5, v9;
	v1 =	vadd.f32 v1, v3;
	v3 =	vmul.f32 v4, v8  }
0x17b: {  	v16 =	vmul.f32 v25, v6  }
0x17c: {  	v63 =	vld [tilespmem:s25+$0x860];
	v4 =	vmul.f32 v60, v8;
	v3 =	vadd.f32 v5, v3;
	v5 =	vmul.f32 v41, v9  }
0x17d: {  	v49 =	vld [tilespmem:s25+$0xC30]  }
0x17e: {  	v25 =	vadd.f32 v16, v3;
	v16 =	vadd.f32 v5, v4;
	v5 =	vmul.f32 v0, v6;
	v0 =	vld [tilespmem:$0x1FD80]  }
0x17f: {  	v48 =	vld [tilespmem:s25+$0x8860]  }
0x180: {  	v28 =	vld [tilespmem:s25+$0x4870]  }
0x181: {  	v50 =	vld [tilespmem:s25+$0x4C30]  }
0x182: {  	v61 =	vld [tilespmem:s25+$0x8C00]  }
0x183: {  	v60 =	vmul.f32 v49, v8;
	v49 =	vmul.f32 v0, v6;
	v0 =	vld [tilespmem:$0x1FD90]  }
0x184: {  	v32 =	vld [tilespmem:s25+$0x4860]  }
0x185: {  	v27 =	vld [tilespmem:s25+$0x870]  }
0x186: {  	v53 =	vld [tilespmem:s25+$0xC20]  }
0x187: {  	v56 =	vld [tilespmem:s25+$0x4C10];
	v7 =	vmul.f32 v61, v6  }
0x188: {  	v61 =	vmul.f32 v50, v9;
	v50 =	vmul.f32 v0, v8;
	v0 =	vld [tilespmem:$0x1FDA0]  }
0x189: {  	v40 =	vld [tilespmem:s25+$0x8870]  }
0x18a: {  	v57 =	vld [tilespmem:s25+$0x8C10];
	v27 =	vmul.f32 v27, v8;
	v28 =	vmul.f32 v28, v9  }
0x18b: {  	v54 =	vld [tilespmem:s25+$0x4C20];
	v22 =	vmul.f32 v63, v8;
	v23 =	vmul.f32 v32, v9  }
0x18c: {  	v29 =	vmul.f32 v48, v6;
	v41 =	vmul.f32 v56, v9  }
0x18d: {  	v10 =	vadd.f32 v23, v22;
	v56 =	vmul.f32 v53, v8;
	v53 =	vmul.f32 v0, v9;
	v0 =	vld [tilespmem:$0x1FDB0]  }
0x18e: {  	v48 =	vmul.f32 v40, v6;
	v12 =	vadd.f32 v28, v27  }
0x18f: {  	v28 =	vadd.f32 v29, v10  }
0x190: {  	v29 =	vadd.f32 v48, v12;
	v48 =	vmul.f32 v57, v6;
	v57 =	vmul.f32 v54, v9  }
0x191: {  	v39 =	vld [tilespmem:s25+$0xC10]  }
0x192: {  	v4 =	vadd.f32 v57, v56;
	v57 =	vmul.f32 v0, v6;
	v0 =	vld [tilespmem:$0x1FDC0];
	_ =	sdelay $0x3  }
0x193: {  	v40 =	vmul.f32 v39, v8  }
0x194: {  	v39 =	vadd.f32 v7, v16;
	v7 =	vadd.f32 v61, v60;
	v60 =	vmul.f32 v0, v6;
	v0 =	vld [tilespmem:$0x1FDD0];
	_ =	sdelay $0x4  }
0x195: {  	v61 =	vmul.f32 v0, v8;
	v0 =	vld [tilespmem:$0x1FDE0];
	_ =	sdelay $0x4  }
0x196: {  	v32 =	vadd.f32 v5, v4;
	v5 =	vmul.f32 v0, v9;
	v0 =	vld [tilespmem:$0x1FDF0];
	_ =	sdelay $0x3  }
0x197: {  	v14 =	vld [tilespmem:s25+$0x8830]  }
0x198: {  	v27 =	vadd.f32 v53, v50;
	v53 =	vmul.f32 v0, v6;
	v0 =	vld [tilespmem:$0x1FE00];
	_ =	sdelay $0x3  }
0x199: {  	v34 =	vmul.f32 v14, v6  }
0x19a: {  	v14 =	vadd.f32 v41, v40;
	v41 =	vadd.f32 v49, v7;
	v7 =	vmul.f32 v0, v8;
	v0 =	vld [tilespmem:$0x1FE10];
	_ =	sdelay $0x1  }
0x19b: {  	v42 =	vld [tilespmem:s25+$0xC50]  }
0x19c: {  	v43 =	vld [tilespmem:s25+$0x4C50];
	_ =	sdelay $0x1  }
0x19d: {  	v4 =	vmul.f32 v0, v9;
	v0 =	vld [tilespmem:$0x1FE20];
	_ =	sdelay $0x2  }
0x19e: {  	v54 =	vmul.f32 v42, v8;
	v56 =	vmul.f32 v43, v9;
	_ =	sdelay $0x1  }
0x19f: {  	v42 =	vadd.f32 v56, v54;
	v56 =	vmul.f32 v0, v6;
	v0 =	vld [tilespmem:$0x1FE30];
	_ =	sdelay $0x4  }
0x1a0: {  	v50 =	vmul.f32 v0, v8;
	v0 =	vld [tilespmem:$0x1FE40]  }
0x1a1: {  	v38 =	vld [tilespmem:s25+$0x9040];
	_ =	sdelay $0x3  }
0x1a2: {  	v42 =	vadd.f32 v60, v42;
	v60 =	vmul.f32 v0, v9;
	v0 =	vld [tilespmem:$0x1FE50]  }
0x1a3: {  	[tilespmem:$0x1FF10] =	vst v38;
	v38 =	vld [tilespmem:s25+$0x9400]  }
0x1a4: {  	v19 =	vadd.f32 v34, v1;
	v1 =	vld [tilespmem:$0x1FE70];
	_ =	sdelay $0x2  }
0x1a5: {  	v54 =	vmul.f32 v0, v8;
	v0 =	vld [tilespmem:$0x1FE60]  }
0x1a6: {  	[tilespmem:$0x1FF90] =	vst v38;
	v38 =	vld [tilespmem:s25+$0x5410]  }
0x1a7: {  	v49 =	vadd.f32 v5, v61;
	v5 =	vmul.f32 v1, v6;
	v1 =	vld [tilespmem:$0x1FE80]  }
0x1a8: {  	v58 =	vld [tilespmem:s25+$0x5050]  }
0x1a9: {  	[tilespmem:s25+$0xC400] =	vst v59;
	v59 =	vld [tilespmem:s25+$0x5800]  }
0x1aa: {  	[tilespmem:s25+$0xC410] =	vst v55;
	v55 =	vld [tilespmem:s25+$0x9800];
	v0 =	vmul.f32 v0, v9  }
0x1ab: {  	v47 =	vld [tilespmem:s25+$0x1060]  }
0x1ac: {  	v18 =	vld [tilespmem:s25+$0x1460];
	v50 =	vadd.f32 v60, v50;
	v60 =	vmul.f32 v1, v6;
	v0 =	vadd.f32 v0, v54  }
0x1ad: {  	[tilespmem:$0x1FF30] =	vst v58;
	v58 =	vld [tilespmem:s25+$0x5060]  }
0x1ae: {  	v2 =	vadd.f32 v60, v0;
	v0 =	vld [tilespmem:$0x1FEB0]  }
0x1af: {  	v62 =	vld [tilespmem:s25+$0x9060]  }
0x1b0: {  	v51 =	vld [tilespmem:s25+$0x1070]  }
0x1b1: {  	v52 =	vld [tilespmem:s25+$0x5400]  }
0x1b2: {  	[tilespmem:$0x1FF50] =	vst v47;
	v47 =	vld [tilespmem:s25+$0x1400]  }
0x1b3: {  	[tilespmem:s25+$0xC430] =	vst v31;
	v31 =	vmul.f32 v0, v8;
	v0 =	vld [tilespmem:$0x1FEC0]  }
0x1b4: {  	v11 =	vld [tilespmem:s25+$0x9430]  }
0x1b5: {  	[tilespmem:$0x1FF60] =	vst v58;
	v58 =	vld [tilespmem:s25+$0x5070]  }
0x1b6: {  	v24 =	vld [tilespmem:s25+$0x5450]  }
0x1b7: {  	[tilespmem:$0x1FF70] =	vst v62;
	v62 =	vld [tilespmem:s25+$0x1410]  }
0x1b8: {  	v54 =	vmul.f32 v0, v9;
	v0 =	vld [tilespmem:$0x1FED0]  }
0x1b9: {  	v37 =	vld [tilespmem:s25+$0x5420]  }
0x1ba: {  	v63 =	vld [tilespmem:s25+$0x9420]  }
0x1bb: {  	v33 =	vld [tilespmem:s25+$0x5430]  }
0x1bc: {  	v46 =	vld [tilespmem:s25+$0x9410]  }
0x1bd: {  	[tilespmem:s25+$0xC420] =	vst v30;
	v30 =	vadd.f32 v5, v50;
	v50 =	vmul.f32 v0, v6;
	v0 =	vld [tilespmem:$0x1FEE0]  }
0x1be: {  	v45 =	vld [tilespmem:s25+$0x1420]  }
0x1bf: {  	v22 =	vld [tilespmem:s25+$0x1450]  }
0x1c0: {  	v23 =	vld [tilespmem:s25+$0x5460]  }
0x1c1: {  	v34 =	vld [tilespmem:s25+$0x1430]  }
0x1c2: {  	v49 =	vadd.f32 v53, v49;
	v53 =	vmul.f32 v0, v6;
	v0 =	vld [tilespmem:$0x1FEF0]  }
0x1c3: {  	v1 =	vld [tilespmem:$0x1FE90]  }
0x1c4: {  	v12 =	vld [tilespmem:s25+$0x1440]  }
0x1c5: {  	v15 =	vld [tilespmem:s25+$0x5440]  }
0x1c6: {  	v10 =	vld [tilespmem:s25+$0x9440]  }
0x1c7: {  	[tilespmem:s25+$0xC450] =	vst v35;
	v35 =	vmul.f32 v0, v8;
	v0 =	vld [tilespmem:$0x1FF00]  }
0x1c8: {  	v43 =	vadd.f32 v4, v7;
	v4 =	vmul.f32 v1, v8;
	v1 =	vld [tilespmem:$0x1FEA0]  }
0x1c9: {  	v3 =	vld [tilespmem:s25+$0x1820]  }
0x1ca: {  	v16 =	vld [tilespmem:s25+$0x9450]  }
0x1cb: {  	v24 =	vmul.f32 v24, v9;
	v22 =	vmul.f32 v22, v8;
	v48 =	vadd.f32 v48, v14;
	v14 =	vld [tilespmem:s25+$0x9460]  }
0x1cc: {  	v33 =	vmul.f32 v33, v9;
	v31 =	vadd.f32 v54, v31;
	v54 =	vmul.f32 v0, v9;
	v0 =	vld [tilespmem:$0x1FF10]  }
0x1cd: {  	[tilespmem:s25+$0xC440] =	vst v36;
	v34 =	vmul.f32 v34, v8;
	v22 =	vadd.f32 v24, v22;
	v24 =	vld [tilespmem:s25+$0x5870];
	v5 =	vmul.f32 v1, v9  }
0x1ce: {  	v12 =	vmul.f32 v12, v8;
	v15 =	vmul.f32 v15, v9;
	[tilespmem:s25+$0xCC00] =	vst v39;
	v39 =	vld [tilespmem:s25+$0x9850]  }
0x1cf: {  	[tilespmem:s25+$0xCC10] =	vst v48;
	v48 =	vadd.f32 v33, v34;
	v33 =	vld [tilespmem:s25+$0x9860];
	v36 =	vadd.f32 v5, v4  }
0x1d0: {  	v12 =	vadd.f32 v15, v12;
	v15 =	vld [tilespmem:s25+$0x1870]  }
0x1d1: {  	[tilespmem:s25+$0xC460] =	vst v17;
	v17 =	vadd.f32 v50, v36;
	v36 =	vmul.f32 v0, v6;
	v0 =	vld [tilespmem:$0x1FF20]  }
0x1d2: {  	v11 =	vmul.f32 v11, v6;
	v34 =	vld [tilespmem:s25+$0x1C10]  }
0x1d3: {  	[tilespmem:s25+$0xCC20] =	vst v32;
	v32 =	vld [tilespmem:s25+$0x1C00]  }
0x1d4: {  	v11 =	vadd.f32 v11, v48;
	v48 =	vld [tilespmem:s25+$0x1C30]  }
0x1d5: {  	[tilespmem:s25+$0xCC30] =	vst v41;
	v41 =	vld [tilespmem:s25+$0x5C10]  }
0x1d6: {  	v50 =	vmul.f32 v0, v8;
	v0 =	vld [tilespmem:$0x1FF30]  }
0x1d7: {  	v40 =	vadd.f32 v57, v27;
	v27 =	vld [tilespmem:s25+$0x1470]  }
0x1d8: {  	v57 =	vld [tilespmem:s25+$0x5470]  }
0x1d9: {  	v61 =	vld [tilespmem:s25+$0x9470]  }
0x1da: {  	v7 =	vld [tilespmem:s25+$0x1800]  }
0x1db: {  	[tilespmem:s25+$0xC470] =	vst v21;
	v43 =	vadd.f32 v56, v43;
	v21 =	vadd.f32 v53, v31;
	v31 =	vmul.f32 v0, v9;
	v0 =	vld [tilespmem:$0x1FF40]  }
0x1dc: {  	v1 =	vld [tilespmem:s25+$0x5820]  }
0x1dd: {  	[tilespmem:s25+$0xCC70] =	vst v43;
	v43 =	vld [tilespmem:s25+$0x1C20]  }
0x1de: {  	v4 =	vld [tilespmem:s25+$0x9820]  }
0x1df: {  	v58 =	vmul.f32 v58, v9;
	v10 =	vmul.f32 v10, v6;
	v60 =	vld [tilespmem:s25+$0x5810]  }
0x1e0: {  	v3 =	vmul.f32 v3, v8;
	v35 =	vadd.f32 v54, v35;
	v53 =	vmul.f32 v0, v6;
	v0 =	vld [tilespmem:$0x1FF50]  }
0x1e1: {  	[tilespmem:s25+$0xC810] =	vst v26;
	v16 =	vmul.f32 v16, v6;
	v5 =	vld [tilespmem:s25+$0x9810];
	v1 =	vmul.f32 v1, v9  }
0x1e2: {  	[tilespmem:s25+$0xC820] =	vst v13;
	v14 =	vmul.f32 v14, v6;
	v13 =	vadd.f32 v36, v35;
	v26 =	vadd.f32 v31, v50;
	v50 =	vld [tilespmem:$0x1FF80]  }
0x1e3: {  	v15 =	vmul.f32 v15, v8;
	v1 =	vadd.f32 v1, v3;
	v3 =	vmul.f32 v4, v6;
	v4 =	vld [tilespmem:s25+$0x5C20]  }
0x1e4: {  	v34 =	vmul.f32 v34, v8;
	v57 =	vmul.f32 v57, v9;
	[tilespmem:s25+$0xD040] =	vst v13;
	v13 =	vld [tilespmem:s25+$0x9C10]  }
0x1e5: {  	[tilespmem:s25+$0xC800] =	vst v44;
	v31 =	vmul.f32 v51, v8;
	v44 =	vmul.f32 v0, v8;
	v0 =	vld [tilespmem:$0x1FF60]  }
0x1e6: {  	v7 =	vmul.f32 v7, v8;
	v43 =	vmul.f32 v43, v8;
	v51 =	vld [tilespmem:s25+$0x5830]  }
0x1e7: {  	[tilespmem:s25+$0xCC40] =	vst v40;
	v56 =	vld [tilespmem:s25+$0x1810];
	v40 =	vmul.f32 v60, v9;
	v58 =	vadd.f32 v58, v31;
	v31 =	vmul.f32 v50, v6  }
0x1e8: {  	[tilespmem:s25+$0xC830] =	vst v19;
	v5 =	vmul.f32 v5, v6;
	v19 =	vadd.f32 v53, v26;
	v50 =	vld [tilespmem:s25+$0x1840];
	v53 =	vmul.f32 v47, v8  }
0x1e9: {  	[tilespmem:s25+$0xC850] =	vst v25;
	v47 =	vld [tilespmem:s25+$0x5840];
	v25 =	vadd.f32 v31, v58;
	v58 =	vmul.f32 v62, v8;
	v62 =	vmul.f32 v38, v9  }
0x1ea: {  	v10 =	vadd.f32 v10, v12;
	[tilespmem:s25+$0xD000] =	vst v30;
	v30 =	vld [tilespmem:s25+$0x5C00];
	v4 =	vmul.f32 v4, v9;
	v54 =	vmul.f32 v0, v9  }
0x1eb: {  	[tilespmem:s25+$0xCC50] =	vst v42;
	v60 =	vld [tilespmem:s25+$0x5C40];
	v13 =	vmul.f32 v13, v6;
	v42 =	vmul.f32 v51, v9;
	v26 =	vadd.f32 v62, v58  }
0x1ec: {  	[tilespmem:s25+$0xC840] =	vst v20;
	v58 =	vmul.f32 v45, v8;
	v62 =	vmul.f32 v37, v9;
	v35 =	vadd.f32 v54, v44;
	v54 =	vld [tilespmem:$0x1FF70]  }
0x1ed: {  	[tilespmem:s25+$0xC860] =	vst v28;
	v16 =	vadd.f32 v16, v22;
	v45 =	vmul.f32 v63, v6;
	v63 =	vmul.f32 v56, v8;
	v0 =	vld [tilespmem:s25+$0x1830]  }
0x1ee: {  	[tilespmem:s25+$0xC870] =	vst v29;
	v1 =	vadd.f32 v3, v1;
	v51 =	vld [tilespmem:s25+$0x5C30];
	v3 =	vmul.f32 v50, v8;
	v47 =	vmul.f32 v47, v9  }
0x1ef: {  	[tilespmem:s25+$0xD430] =	vst v11;
	v29 =	vadd.f32 v62, v58;
	v58 =	vmul.f32 v61, v6;
	v61 =	vmul.f32 v59, v9;
	v44 =	vld [tilespmem:s25+$0x9830]  }
0x1f0: {  	[tilespmem:s25+$0xD020] =	vst v17;
	v31 =	vld [tilespmem:s25+$0x5860];
	v62 =	vmul.f32 v55, v6;
	v17 =	vadd.f32 v40, v63;
	v59 =	vmul.f32 v33, v6  }
0x1f1: {  	[tilespmem:s25+$0xD440] =	vst v10;
	v37 =	vld [tilespmem:s25+$0x5850];
	v36 =	vmul.f32 v54, v6;
	v54 =	vmul.f32 v52, v9  }
0x1f2: {  	[tilespmem:s25+$0xD450] =	vst v16;
	v29 =	vadd.f32 v45, v29;
	v5 =	vadd.f32 v5, v17;
	v17 =	vld [tilespmem:s25+$0x9C20];
	v0 =	vmul.f32 v0, v8  }
0x1f3: {  	[tilespmem:s25+$0xCC60] =	vst v49;
	v7 =	vadd.f32 v61, v7;
	v52 =	vadd.f32 v54, v53;
	v53 =	vld [tilespmem:$0x1FF90];
	v54 =	vmul.f32 v46, v6  }
0x1f4: {  	[tilespmem:s25+$0xD010] =	vst v2;
	v61 =	vmul.f32 v24, v9;
	v0 =	vadd.f32 v42, v0;
	v45 =	vmul.f32 v44, v6;
	v46 =	vld [tilespmem:s25+$0x1850]  }
0x1f5: {  	[tilespmem:s25+$0xD820] =	vst v1;
	v20 =	vadd.f32 v36, v35;
	v36 =	vld [tilespmem:s25+$0x1860];
	v26 =	vadd.f32 v54, v26;
	v54 =	vmul.f32 v27, v8  }
0x1f6: {  	[tilespmem:s25+$0xD030] =	vst v21;
	v38 =	vld [tilespmem:s25+$0x9840];
	v50 =	vmul.f32 v37, v9;
	v0 =	vadd.f32 v45, v0;
	v45 =	vmul.f32 v48, v8  }
0x1f7: {  	[tilespmem:s25+$0xD050] =	vst v19;
	v33 =	vld [tilespmem:s25+$0x1C50];
	v48 =	vmul.f32 v17, v6;
	v2 =	vadd.f32 v57, v54;
	v57 =	vmul.f32 v31, v9  }
0x1f8: {  	[tilespmem:s25+$0xD070] =	vst v25;
	v7 =	vadd.f32 v62, v7;
	v62 =	vld [tilespmem:s25+$0x9C40];
	v31 =	vmul.f32 v32, v8;
	v32 =	vmul.f32 v30, v9  }
0x1f9: {  	[tilespmem:s25+$0xD420] =	vst v29;
	v42 =	vld [tilespmem:s25+$0x1C60];
	v35 =	vmul.f32 v53, v6;
	v53 =	vmul.f32 v23, v9  }
0x1fa: {  	v3 =	vadd.f32 v47, v3;
	[tilespmem:s25+$0xD810] =	vst v5;
	v27 =	vld [tilespmem:s25+$0x9C00];
	v49 =	vmul.f32 v46, v8;
	v56 =	vmul.f32 v36, v8  }
0x1fb: {  	[tilespmem:s25+$0xD800] =	vst v7;
	v54 =	vld [tilespmem:s25+$0x9C30];
	v46 =	vmul.f32 v51, v9;
	v2 =	vadd.f32 v58, v2;
	v28 =	vadd.f32 v35, v52  }
0x1fc: {  	[tilespmem:s25+$0xD060] =	vst v20;
	v23 =	vld [tilespmem:s25+$0x9870];
	v52 =	vmul.f32 v18, v8;
	v55 =	vadd.f32 v50, v49;
	v63 =	vadd.f32 v57, v56  }
0x1fd: {  	v36 =	vld [tilespmem:s25+$0x5C50];
	v35 =	vmul.f32 v41, v9;
	v5 =	vadd.f32 v46, v45;
	[tilespmem:s25+$0xD470] =	vst v2;
	v2 =	vadd.f32 v61, v15  }
0x1fe: {  	[tilespmem:s25+$0xD830] =	vst v0;
	v58 =	vld [tilespmem:s25+$0x1C40];
	v12 =	vadd.f32 v53, v52;
	v52 =	vmul.f32 v38, v6;
	v53 =	vmul.f32 v39, v6  }
0x1ff: {  	v40 =	vld [tilespmem:s25+$0x9C50];
	[tilespmem:s25+$0xD410] =	vst v26;
	v37 =	vadd.f32 v59, v63;
	v38 =	vadd.f32 v32, v31;
	v39 =	vmul.f32 v27, v6  }
0x200: {  	v47 =	vld [tilespmem:s25+$0x1C70];
	[tilespmem:s25+$0xD400] =	vst v28;
	v41 =	vadd.f32 v35, v34;
	v49 =	vmul.f32 v54, v6;
	v12 =	vadd.f32 v14, v12  }
0x201: {  	v50 =	vld [tilespmem:s25+$0x5C70];
	v54 =	vmul.f32 v62, v6;
	v59 =	vmul.f32 v42, v8;
	v3 =	vadd.f32 v52, v3;
	[tilespmem:s25+$0xD860] =	vst v37  }
0x202: {  	v44 =	vld [tilespmem:s25+$0x5C60];
	v23 =	vmul.f32 v23, v6;
	v57 =	vmul.f32 v36, v9;
	v11 =	vadd.f32 v53, v55;
	[tilespmem:s25+$0xD460] =	vst v12  }
0x203: {  	v56 =	vld [tilespmem:s25+$0x9C70];
	v1 =	vadd.f32 v39, v38;
	v0 =	vadd.f32 v13, v41;
	v51 =	vmul.f32 v58, v8;
	[tilespmem:s25+$0xD840] =	vst v3  }
0x204: {  	v52 =	vmul.f32 v60, v9;
	v53 =	vld [tilespmem:s25+$0x9C60];
	v55 =	vmul.f32 v33, v8;
	v2 =	vadd.f32 v23, v2;
	[tilespmem:s25+$0xD850] =	vst v11  }
0x205: {  	v58 =	vmul.f32 v40, v6;
	v60 =	vmul.f32 v47, v8;
	v3 =	vadd.f32 v4, v43;
	[tilespmem:s25+$0xDC10] =	vst v0  }
0x206: {  	v61 =	vmul.f32 v50, v9;
	v0 =	vadd.f32 v57, v55;
	[tilespmem:s25+$0xD870] =	vst v2;
	v2 =	vadd.f32 v49, v5  }
0x207: {  	[tilespmem:s25+$0xDC00] =	vst v1;
	v1 =	vadd.f32 v52, v51;
	v12 =	vmul.f32 v44, v9;
	v3 =	vadd.f32 v48, v3  }
0x208: {  	v63 =	vmul.f32 v56, v6;
	v0 =	vadd.f32 v58, v0;
	[tilespmem:s25+$0xDC30] =	vst v2;
	v2 =	vadd.f32 v61, v60  }
0x209: {  	v1 =	vadd.f32 v54, v1;
	v62 =	vmul.f32 v53, v6;
	[tilespmem:s25+$0xDC20] =	vst v3;
	v3 =	vadd.f32 v12, v59  }
0x20a: {  	[tilespmem:s25+$0xDC50] =	vst v0;
	v0 =	vadd.f32 v63, v2  }
0x20b: {  	[tilespmem:s25+$0xDC40] =	vst v1;
	v1 =	vadd.f32 v62, v3  }
0x20c: {  	[tilespmem:s25+$0xDC70] =	vst v0  }
0x20d: {  	[tilespmem:s25+$0xDC60] =	vst v1  }
0x20e: {  	v0 =	vld [tilespmem:s26+$0x400]  }
0x20f: {  	v1 =	vld [tilespmem:s26+$0x4400];
	_ =	sdelay $0x1  }
0x210: {  	v2 =	vld [tilespmem:s26+$0x8400];
	_ =	sdelay $0x2  }
0x211: {  	v0 =	vmul.f32 v0, v8;
	v1 =	vmul.f32 v1, v9;
	_ =	sdelay $0x1  }
0x212: {  	v0 =	vadd.f32 v1, v0;
	v1 =	vmul.f32 v2, v6;
	_ =	sdelay $0x1  }
0x213: {  	v0 =	vadd.f32 v1, v0;
	_ =	sdelay $0x1  }
0x214: {  	[tilespmem:s26+$0xC400] =	vst v0  }
0x215: {  	v0 =	vld [tilespmem:s28+$0x400]  }
0x216: {  	v1 =	vld [tilespmem:s28+$0x4400];
	_ =	sdelay $0x1  }
0x217: {  	v2 =	vld [tilespmem:s28+$0x8400];
	_ =	sdelay $0x2  }
0x218: {  	v0 =	vmul.f32 v0, v8;
	v1 =	vmul.f32 v1, v9;
	_ =	sdelay $0x1  }
0x219: {  	v0 =	vadd.f32 v1, v0;
	v1 =	vmul.f32 v2, v6;
	_ =	sdelay $0x1  }
0x21a: {  	v0 =	vadd.f32 v1, v0;
	_ =	sdelay $0x1  }
0x21b: {  	[tilespmem:s28+$0xC400] =	vst v0  }
0x21c: {  	v0 =	vld [tilespmem:s30+$0x400]  }
0x21d: {  	v1 =	vld [tilespmem:s30+$0x4400];
	_ =	sdelay $0x1  }
0x21e: {  	v2 =	vld [tilespmem:s30+$0x8400];
	_ =	sdelay $0x2  }
0x21f: {  	v0 =	vmul.f32 v0, v8;
	v1 =	vmul.f32 v1, v9;
	_ =	sdelay $0x1  }
0x220: {  	v0 =	vadd.f32 v1, v0;
	v1 =	vmul.f32 v2, v6;
	_ =	sdelay $0x1  }
0x221: {  	v0 =	vadd.f32 v1, v0;
	_ =	sdelay $0x1  }
0x222: {  	[tilespmem:s30+$0xC400] =	vst v0  }
0x223: {  	v0 =	vld [tilespmem:s31+$0x400]  }
0x224: {  	v1 =	vld [tilespmem:s31+$0x4400];
	_ =	sdelay $0x1  }
0x225: {  	v2 =	vld [tilespmem:s31+$0x8400];
	_ =	sdelay $0x2  }
0x226: {  	v0 =	vmul.f32 v0, v8;
	v1 =	vmul.f32 v1, v9;
	_ =	sdelay $0x1  }
0x227: {  	v0 =	vadd.f32 v1, v0;
	v1 =	vmul.f32 v2, v6;
	_ =	sdelay $0x1  }
0x228: {  	v0 =	vadd.f32 v1, v0;
	_ =	sdelay $0x1  }
0x229: {  	[tilespmem:s31+$0xC400] =	vst v0  }
0x22a: {  	v0 =	vld [tilespmem:s3+$0x400]  }
0x22b: {  	v1 =	vld [tilespmem:s3+$0x4400];
	_ =	sdelay $0x1  }
0x22c: {  	v2 =	vld [tilespmem:s3+$0x8400];
	_ =	sdelay $0x2  }
0x22d: {  	v0 =	vmul.f32 v0, v8;
	v1 =	vmul.f32 v1, v9;
	_ =	sdelay $0x1  }
0x22e: {  	v0 =	vadd.f32 v1, v0;
	v1 =	vmul.f32 v2, v6;
	_ =	sdelay $0x1  }
0x22f: {  	v0 =	vadd.f32 v1, v0;
	_ =	sdelay $0x1  }
0x230: {  	[tilespmem:s3+$0xC400] =	vst v0  }
0x231: {  	v0 =	vld [tilespmem:s7+$0x400]  }
0x232: {  	v1 =	vld [tilespmem:s7+$0x4400];
	_ =	sdelay $0x1  }
0x233: {  	v2 =	vld [tilespmem:s7+$0x8400];
	_ =	sdelay $0x2  }
0x234: {  	v0 =	vmul.f32 v0, v8;
	v1 =	vmul.f32 v1, v9;
	_ =	sdelay $0x1  }
0x235: {  	v0 =	vadd.f32 v1, v0;
	v1 =	vmul.f32 v2, v6;
	_ =	sdelay $0x1  }
0x236: {  	v0 =	vadd.f32 v1, v0;
	_ =	sdelay $0x1  }
0x237: {  	[tilespmem:s7+$0xC400] =	vst v0  }
0x238: {  	v0 =	vld [tilespmem:s8+$0x400]  }
0x239: {  	v1 =	vld [tilespmem:s8+$0x4400];
	_ =	sdelay $0x1  }
0x23a: {  	v2 =	vld [tilespmem:s8+$0x8400];
	_ =	sdelay $0x2  }
0x23b: {  	v0 =	vmul.f32 v0, v8;
	v1 =	vmul.f32 v1, v9;
	_ =	sdelay $0x1  }
0x23c: {  	v0 =	vadd.f32 v1, v0;
	v1 =	vmul.f32 v2, v6;
	_ =	sdelay $0x1  }
0x23d: {  	v0 =	vadd.f32 v1, v0;
	_ =	sdelay $0x1  }
0x23e: {  	[tilespmem:s8+$0xC400] =	vst v0  }
0x23f: {  	v0 =	vld [tilespmem:s29+$0x400]  }
0x240: {  	v1 =	vld [tilespmem:s29+$0x4400];
	_ =	sdelay $0x1  }
0x241: {  	v2 =	vld [tilespmem:s29+$0x8400];
	_ =	sdelay $0x2  }
0x242: {  	v0 =	vmul.f32 v0, v8;
	v1 =	vmul.f32 v1, v9;
	_ =	sdelay $0x1  }
0x243: {  	v0 =	vadd.f32 v1, v0;
	v1 =	vmul.f32 v2, v6;
	v2 =	vld [tilespmem:$0x1FFA0];
	_ =	sdelay $0x1  }
0x244: {  	v0 =	vadd.f32 v1, v0;
	_ =	sdelay $0x1  }
0x245: {  	p0 =	sne.s32 s24, $0xF;
	[tilespmem:s29+$0xC400] =	vst v0;
	v0 =	vld [tilespmem:$0x1FFB0]  }
.Ltmp0:
0x246: {  	v2 =	vadd.f32 v2, v2;
	(pc) =	sbr.rel @p0 .LBB2_3-.Ltmp0, $4  }
0x247: {  	_ = 	snop  }
0x248: {  	v3 =	vlaneseq.u32;
	v1 =	vadd.f32 v2, v9;
	v2 =	vmov s24  }
0x249: {  	s23 =	sadd.s32 $0x80, s23;
	vm15 =	veq.s32 v2, v3  }
0x24a: {  	s21 =	sadd.s32 $0x1, s21;
	s22 =	sadd.s32 $0x400, s22;
	s24 =	sadd.s32 $0x1, s24;
	v0 =	vsel vm15, v1, v0  }
0x24b: {  	[tilespmem:$0x10400] =	vst v0;
	s3 =	sadd.s32 s4, s20  }
0x24c: {  	[hbm4b:s3+s6] =	stream.linear.scatter [tilespmem:s15], [sflag:$0x1], $0x4000, $0x38;
	[tilespmem:$0x10480] =	vst v63  }
0x24d: {  	s18 =	sadd.s32 $0x1, s18;
	_ =	swait.ge [sflag:s11], $0x4000  }
0x24e: {  	s31 =	sshrl.u32 s19, $0x3;
	p0 =	sne.s32 s18, $0x20;
	[sflag:s11] =	ssyncset.done $0x0  }
.Ltmp1:
0x24f: {  	s3 =	sadd.s32 s5, s31;
	[sflag:s11] =	ssyncadd.s32 $0xFFFFC000;
	(pc) =	sbr.rel @p0 .LBB2_2-.Ltmp1, $4  }
0x250: {  	[hbm4b:s3+s6] =	stream.linear.scatter [tilespmem:s16], [sflag:$0x1], $0x10, $0x38;
	[tilespmem:$0x10480] =	vst v63  }
0x251: {  	_ =	swait.ge [sflag:s11], $0x10  }
0x252: {  	[sflag:s11] =	ssyncset.done $0x0  }
0x253: {  	[sflag:s11] =	ssyncadd.s32 $0xFFFFFFF0  }
0x254: {  	s17 =	sadd.s32 $0x1, s17  }
0x255: {  	p0 =	sne.s32 s17, s10  }
.Ltmp2:
0x256: {  	_ = 	snop;
	(pc) =	sbr.rel @p0 .LBB2_1-.Ltmp2, $1  }
0x257: {  	_ =	sdelay $0x3  }
0x258: {  	_ =	sfence.sel $0x180000  }
0x259: {  	[bflag:$0x0] =	sbarrier.arrive $0xFFFF  }
0x25a: {  	_ =	strace $0x90000047  }
0x25b: {  	s0 =	stileid.u32;
	[bflag:$0x2] =	sbarrier.arrive $0xFFFF  }
0x25c: {  	p0 =	sne.s32 s0, $0x0;
	s0 =	rddreg [dreg:$0x6]  }
0x25d: {  	s0 =	sadd.s32 @!p0 $0x100000, s0  }
0x25e: {  	[sflag:s0] =	ssyncadd.tile.s32 @!p0 $0x1;
	_ =	shalt  }
.Lfunc_end2:
_tile_overlayer_lowered:
.L_overlay_start_2:
0x25f: {  	(tag) =	ssettag $0x2  }
0x260: {  	s0 =	rddreg [dreg:$0x0];
	s2 =	stileid.u32  }
0x261: {  	s1 =	rddreg [dreg:$0x1];
	p0 =	sne.s32 s2, $0x0  }
0x262: {  	s3 =	rddreg [dreg:$0x2];
	[bflag:$0x3] =	sbarrier.arrive $0xFFFF;
	s2 =	simm.s32 @!p0 $0x1C01  }
0x263: {  	[timem:s3], [sflag:s2] =	dma.local @!p0 [hbm:s0], s1  }
0x264: {  	s0 =	simm.s32 @!p0 $0x1  }
0x265: {  	_ =	swait.ge @!p0 [sflag:s0], s1  }
0x266: {  	s1 =	ssub.s32 @!p0 $0x0, s1;
	[sflag:s0] =	ssyncset.done @!p0 $0x0  }
0x267: {  	[sflag:s0] =	ssyncadd.s32 @!p0 s1  }
0x268: {  	[bflag:$0x3] =	sbarrier.arrive $0xFFFF  }
0x269: {  	_ =	shalt  }

</sc_bundles>
